<compile_context>
chip_gen: v7x
topology: tpu7x:2x2x1
jax: 0.10.2.dev20260603
libtpu: 0.0.44.dev20260713+nightly
codegen_flags: <defaults>
</compile_context>

<pallas_src>
import jax
import jax.numpy as jnp
from jax import lax
from jax.experimental import pallas as pl
from jax.experimental.pallas import tpu as pltpu
from jax.experimental.pallas import tpu_sc as plsc

V, E, D, R = 10000, 320000, 128, 400
HALF = E // 2
NC, NS = 2, 16
NT = NC * NS
PER_TEC = HALF // NS
CHUNK = 80
NCHUNK = PER_TEC // CHUNK
NIDX = 4
OUTR = 624
REM = V - NS * OUTR
RELR = R // NS


def _sc_edge_body(ei_hbm, et_hbm, x_hbm, rel_hbm, acc_hbm,
                  i0, i1, i2, i3, xr0, xr1, rr0, rr1, acc_sh, rel_sh,
                  si0, si1, si2, si3, sgx0, sgx1, sgr0, sgr1, ssc0, ssc1):
    c = lax.axis_index("c")
    s = lax.axis_index("s")
    wid = c * NS + s
    iv = [i0, i1, i2, i3]
    siv = [si0, si1, si2, si3]
    xr = [xr0, xr1]
    rr = [rr0, rr1]
    sgx = [sgx0, sgx1]
    sgr = [sgr0, sgr1]
    ssc = [ssc0, ssc1]

    @pl.when(s == 0)
    def _stage_rel():
        pltpu.sync_copy(rel_hbm, rel_sh)

    zvec = jnp.zeros((16,), jnp.float32)

    def zero_row(r, _):
        for j in range(8):
            xr0[r, pl.ds(j * 16, 16)] = zvec
        return 0

    lax.fori_loop(0, CHUNK, zero_row, 0)
    row0 = s * OUTR
    for k in range(OUTR // CHUNK):
        pltpu.sync_copy(xr0, acc_sh.at[pl.ds(row0 + k * CHUNK, CHUNK), :])
    pltpu.sync_copy(xr0.at[pl.ds(0, OUTR % CHUNK), :],
                    acc_sh.at[pl.ds(row0 + OUTR - OUTR % CHUNK, OUTR % CHUNK), :])

    @pl.when(s == NS - 1)
    def _zero_rem():
        pltpu.sync_copy(xr0.at[pl.ds(0, REM), :],
                        acc_sh.at[pl.ds(NS * OUTR, REM), :])

    plsc.subcore_barrier()

    ebase = wid * PER_TEC

    def issue_idx(i, t):
        off = ebase + i * CHUNK
        pltpu.async_copy(ei_hbm.at[pl.ds(off, CHUNK)], iv[t].at[0], siv[t])
        pltpu.async_copy(et_hbm.at[pl.ds(off, CHUNK)], iv[t].at[1], siv[t])
        pltpu.async_copy(ei_hbm.at[pl.ds(E + off, CHUNK)], iv[t].at[2], siv[t])

    def wait_idx(i, t):
        off = ebase + i * CHUNK
        pltpu.make_async_copy(ei_hbm.at[pl.ds(off, CHUNK)], iv[t].at[0], siv[t]).wait()
        pltpu.make_async_copy(et_hbm.at[pl.ds(off, CHUNK)], iv[t].at[1], siv[t]).wait()
        pltpu.make_async_copy(ei_hbm.at[pl.ds(E + off, CHUNK)], iv[t].at[2], siv[t]).wait()

    def issue_gather(t, b):
        pltpu.async_copy(x_hbm.at[iv[t].at[0]], xr[b], sgx[b])
        pltpu.async_copy(rel_sh.at[iv[t].at[1]], rr[b], sgr[b])

    def wait_gather(t, b):
        pltpu.make_async_copy(x_hbm.at[iv[t].at[0]], xr[b], sgx[b]).wait()
        pltpu.make_async_copy(rel_sh.at[iv[t].at[1]], rr[b], sgr[b]).wait()

    def issue_scatter(t, b):
        pltpu.async_copy(xr[b], acc_sh.at[iv[t].at[2]], ssc[b], add=True)

    def wait_scatter(t, b):
        pltpu.make_async_copy(xr[b], acc_sh.at[iv[t].at[2]], ssc[b]).wait()

    def compute(b):
        @plsc.parallel_loop(0, CHUNK, unroll=4)
        def mul_row(r):
            for j in range(8):
                sl = pl.ds(j * 16, 16)
                xr[b][r, sl] = xr[b][r, sl] * rr[b][r, sl]

    def step(i, b, t):
        @pl.when(i + 2 < NCHUNK)
        def _pf_idx():
            issue_idx(i + 2, (t + 2) % NIDX)

        @pl.when(i + 1 < NCHUNK)
        def _pf_rows():
            wait_idx(i + 1, (t + 1) % NIDX)

            @pl.when(i >= 1)
            def _free_buf():
                wait_scatter((t + 1) % NIDX, 1 - b)

            issue_gather((t + 1) % NIDX, 1 - b)

        wait_gather(t, b)
        compute(b)
        issue_scatter(t, b)

    issue_idx(0, 0)
    issue_idx(1, 1)
    wait_idx(0, 0)
    issue_gather(0, 0)

    def group(g, _):
        i = g * NIDX
        for k in range(NIDX):
            step(i + k, k % 2, k)
        return 0

    lax.fori_loop(0, (NCHUNK - 1) // NIDX, group, 0)
    step(NCHUNK - 1, (NCHUNK - 1) % 2, (NCHUNK - 1) % NIDX)

    wait_scatter((NCHUNK - 2) % NIDX, (NCHUNK - 2) % 2)
    wait_scatter((NCHUNK - 1) % NIDX, (NCHUNK - 1) % 2)
    plsc.subcore_barrier()

    pltpu.sync_copy(acc_sh.at[pl.ds(row0, OUTR), :],
                    acc_hbm.at[c, pl.ds(row0, OUTR), :])

    @pl.when(s == NS - 1)
    def _copy_rem():
        pltpu.sync_copy(acc_sh.at[pl.ds(NS * OUTR, REM), :],
                        acc_hbm.at[c, pl.ds(NS * OUTR, REM), :])


_sc_edge = pl.kernel(
    _sc_edge_body,
    out_type=jax.ShapeDtypeStruct((NC, V, D), jnp.float32),
    mesh=plsc.VectorSubcoreMesh(core_axis_name="c", subcore_axis_name="s"),
    scratch_types=[
        pltpu.VMEM((3, CHUNK), jnp.int32),
        pltpu.VMEM((3, CHUNK), jnp.int32),
        pltpu.VMEM((3, CHUNK), jnp.int32),
        pltpu.VMEM((3, CHUNK), jnp.int32),
        pltpu.VMEM((CHUNK, D), jnp.float32),
        pltpu.VMEM((CHUNK, D), jnp.float32),
        pltpu.VMEM((CHUNK, D), jnp.float32),
        pltpu.VMEM((CHUNK, D), jnp.float32),
        pltpu.VMEM_SHARED((V, D), jnp.float32),
        pltpu.VMEM_SHARED((R, D), jnp.float32),
        pltpu.SemaphoreType.DMA,
        pltpu.SemaphoreType.DMA,
        pltpu.SemaphoreType.DMA,
        pltpu.SemaphoreType.DMA,
        pltpu.SemaphoreType.DMA,
        pltpu.SemaphoreType.DMA,
        pltpu.SemaphoreType.DMA,
        pltpu.SemaphoreType.DMA,
        pltpu.SemaphoreType.DMA,
        pltpu.SemaphoreType.DMA,
    ],
)


def _tc_epilogue_body(acc_ref, x_ref, nn_ref, er_ref, inw_ref, outw_ref,
                      loopw_ref, looprel_ref, bias_ref, bnw_ref, bnb_ref,
                      wrel_ref, out_ref, relout_ref):
    agg = (jnp.dot(acc_ref[0], inw_ref[...], preferred_element_type=jnp.float32)
           + jnp.dot(acc_ref[1], outw_ref[...], preferred_element_type=jnp.float32))
    h = agg * nn_ref[...]
    loop_term = jnp.dot(x_ref[...] * looprel_ref[...], loopw_ref[...],
                        preferred_element_type=jnp.float32) / 3.0
    pre = h + loop_term + bias_ref[...]
    mean = jnp.mean(pre, axis=0, keepdims=True)
    cent = pre - mean
    var = jnp.mean(cent * cent, axis=0, keepdims=True)
    o = cent / jnp.sqrt(var + 1e-5) * bnw_ref[...] + bnb_ref[...]
    out_ref[...] = jnp.maximum(o, 0.0)
    relout_ref[...] = jnp.dot(er_ref[...], wrel_ref[...],
                              preferred_element_type=jnp.float32)


def kernel(x, edge_index, edge_type, node_norm, emb_rel, in_w, out_w, loop_w,
           w_rel, loop_rel, bias, bn_weight, bn_bias):
    acc = _sc_edge(edge_index.astype(jnp.int32).reshape(2 * E),
                   edge_type.astype(jnp.int32), x, emb_rel)

    out, rel_out = pl.pallas_call(
        _tc_epilogue_body,
        out_shape=(
            jax.ShapeDtypeStruct((V, D), jnp.float32),
            jax.ShapeDtypeStruct((R, D), jnp.float32),
        ),
    )(acc, x, node_norm, emb_rel, in_w, out_w, loop_w,
      loop_rel.reshape(1, D), bias.reshape(1, D), bn_weight.reshape(1, D),
      bn_bias.reshape(1, D), w_rel)
    return out, rel_out

# --- scband reference (transcript-rebuilt; emitter-appended) ---
"""Pipeline reference for scband-comp-gcncov-layer-19696720020167 (READ-ONLY COPY).

The authoritative reference and input builder live on the scoring server;
editing this copy changes nothing except your own understanding.
"""

import jax, jax.numpy as jnp
import numpy as np

V, E, D, R = 10000, 320000, 128, 400

def setup_inputs(seed: int = 0) -> dict:
    key = jax.random.key(seed)
    ks = jax.random.split(key, 12)
    x = jax.random.normal(ks[0], (V, D), dtype=jnp.float32)
    edge_index = jax.random.randint(ks[1], (2, E), 0, V)
    edge_type = jax.random.randint(ks[2], (E,), 0, R)
    node_norm = jax.random.uniform(ks[3], (V, 1), dtype=jnp.float32)
    emb_rel = jax.random.normal(ks[4], (R, D), dtype=jnp.float32)
    # xavier-uniform-ish params, gain=relu
    def xavier(k, shape):
        gain = float(np.sqrt(2.0))
        bound = gain * float(np.sqrt(6.0 / (shape[0] + shape[1])))
        return jax.random.uniform(k, shape, dtype=jnp.float32, minval=-bound, maxval=bound)
    in_w = xavier(ks[5], (D, D))
    out_w = xavier(ks[6], (D, D))
    loop_w = xavier(ks[7], (D, D))
    w_rel = xavier(ks[8], (D, D))
    loop_rel = xavier(ks[9], (1, D))
    bias = jnp.zeros((D,), dtype=jnp.float32)
    bn_weight = jnp.ones((D,), dtype=jnp.float32)
    bn_bias = jnp.zeros((D,), dtype=jnp.float32)
    return {"x": x, "edge_index": edge_index, "edge_type": edge_type, "node_norm": node_norm,
            "emb_rel": emb_rel, "in_w": in_w, "out_w": out_w, "loop_w": loop_w, "w_rel": w_rel,
            "loop_rel": loop_rel, "bias": bias, "bn_weight": bn_weight, "bn_bias": bn_bias}

def reference(x, edge_index, edge_type, node_norm, emb_rel, in_w, out_w, loop_w, w_rel, loop_rel, bias, bn_weight, bn_bias):
    src = edge_index[0]
    dst = edge_index[1]
    half = edge_type.shape[0] // 2
    # msg_func: comp(src_h, rel_emb[type]) with opn='mult', then split in/out halves
    rel = jnp.take(emb_rel, edge_type, axis=0)                 # [E, D] gather
    node = jnp.take(x, src, axis=0)                            # [E, D] gather
    msg = node * rel                                           # elementwise comp
    msg = jnp.concatenate([msg[:half] @ in_w, msg[half:] @ out_w], axis=0)
    # fn.sum(msg -> h) then apply_func: h = h * node_norm
    agg = jax.ops.segment_sum(msg, dst, num_segments=x.shape[0])  # scatter-add
    h = agg * node_norm
    # self-loop term
    out = h + (x * loop_rel) @ loop_w / 3.0
    out = out + bias
    # BatchNorm1d (training-mode batch stats, biased var, eps=1e-5)
    mean = jnp.mean(out, axis=0)
    var = jnp.var(out, axis=0)
    out = (out - mean) / jnp.sqrt(var + 1e-5) * bn_weight + bn_bias
    return (jax.nn.relu(out), emb_rel @ w_rel)

if __name__ == "__main__":
    import jax
    _d = setup_inputs()
    print(jax.jit(kernel)(*tuple(_d.values())))

</pallas_src>

<mosaic_0001>
#map = affine_map<(d0, d1) -> (0)>
#map1 = affine_map<(d0, d1) -> (0, 0)>
#map2 = affine_map<(d0, d1) -> (0, 0, 0)>
module attributes {stable_mosaic.version = 14 : i64} {
  func.func @_sc_edge_body(%arg0: i32, %arg1: i32, %arg2: memref<640000xi32, #tpu.memory_space<hbm>>, %arg3: memref<320000xi32, #tpu.memory_space<hbm>>, %arg4: memref<10000x128xf32, #tpu.memory_space<hbm>>, %arg5: memref<400x128xf32, #tpu.memory_space<hbm>>, %arg6: memref<2x10000x128xf32, #tpu.memory_space<hbm>>, %arg7: memref<3x80xi32, #tpu.memory_space<vmem>>, %arg8: memref<3x80xi32, #tpu.memory_space<vmem>>, %arg9: memref<3x80xi32, #tpu.memory_space<vmem>>, %arg10: memref<3x80xi32, #tpu.memory_space<vmem>>, %arg11: memref<80x128xf32, #tpu.memory_space<vmem>>, %arg12: memref<80x128xf32, #tpu.memory_space<vmem>>, %arg13: memref<80x128xf32, #tpu.memory_space<vmem>>, %arg14: memref<80x128xf32, #tpu.memory_space<vmem>>, %arg15: memref<10000x128xf32, #tpu.memory_space<vmem_shared>>, %arg16: memref<400x128xf32, #tpu.memory_space<vmem_shared>>, %arg17: memref<!tpu.dma_semaphore, #tpu.memory_space<semaphore_mem>>, %arg18: memref<!tpu.dma_semaphore, #tpu.memory_space<semaphore_mem>>, %arg19: memref<!tpu.dma_semaphore, #tpu.memory_space<semaphore_mem>>, %arg20: memref<!tpu.dma_semaphore, #tpu.memory_space<semaphore_mem>>, %arg21: memref<!tpu.dma_semaphore, #tpu.memory_space<semaphore_mem>>, %arg22: memref<!tpu.dma_semaphore, #tpu.memory_space<semaphore_mem>>, %arg23: memref<!tpu.dma_semaphore, #tpu.memory_space<semaphore_mem>>, %arg24: memref<!tpu.dma_semaphore, #tpu.memory_space<semaphore_mem>>, %arg25: memref<!tpu.dma_semaphore, #tpu.memory_space<semaphore_mem>>, %arg26: memref<!tpu.dma_semaphore, #tpu.memory_space<semaphore_mem>>) attributes {dimension_semantics = [#tpu.dimension_semantics<core_parallel>, #tpu.dimension_semantics<subcore_parallel>], iteration_bounds = array<i64: 2, 16>, scalar_prefetch = 0 : i64, scratch_operands = 20 : i64, tpu.core_type = #tpu.core_type<sc_vector_subcore>, window_params = [{transform_indices = #map}, {transform_indices = #map}, {transform_indices = #map1}, {transform_indices = #map1}, {transform_indices = #map2}]} {
    %mul3A = arith.constant 16 : i32
    %mul3A_0 = arith.muli %arg0, %mul3A : i32
    %add3A = arith.addi %mul3A_0, %arg1 : i32
    %eq3A = arith.constant 0 : i32
    %eq3A_1 = arith.cmpi eq, %arg1, %eq3A : i32
    %convert_element_type3A = arith.extui %eq3A_1 : i1 to i32
    %cond3A = arith.constant 0 : i32
    %cond3A_2 = arith.cmpi ne, %convert_element_type3A, %cond3A : i32
    scf.if %cond3A_2 {
      "tpu.region"() ({
        %run_scoped3A = tpu.sem_alloc : memref<!tpu.dma_semaphore, #tpu.memory_space<semaphore_mem>>
        tpu.enqueue_dma source(%arg5 : memref<400x128xf32, #tpu.memory_space<hbm>>) target(%arg16 : memref<400x128xf32, #tpu.memory_space<vmem_shared>>) target_semaphore(%run_scoped3A : memref<!tpu.dma_semaphore, #tpu.memory_space<semaphore_mem>>)
        tpu.wait_dma2 semaphore(%run_scoped3A : memref<!tpu.dma_semaphore, #tpu.memory_space<semaphore_mem>>) src(%arg5 : memref<400x128xf32, #tpu.memory_space<hbm>>) dst(%arg16 : memref<400x128xf32, #tpu.memory_space<vmem_shared>>)
        tpu.yield
      }) : () -> ()
    } else {
    }
    %broadcast_in_dim3A = arith.constant 0.000000e+00 : f32
    %broadcast_in_dim3A_3 = vector.broadcast %broadcast_in_dim3A : f32 to vector<16xf32>
    %scan3A = arith.constant 0 : i32
    %scan3A_4 = arith.constant 0 : i32
    %scan3A_5 = arith.constant 80 : i32
    %scan3A_6 = arith.addi %scan3A_4, %scan3A_5 : i32
    %scan3A_7 = arith.constant 1 : i32
    %scan3A_8 = scf.for %scan3A_191 = %scan3A_4 to %scan3A_6 step %scan3A_7 iter_args(%scan3A_192 = %scan3A) -> (i32)  : i32 {
      %swap3A = arith.index_cast %scan3A_191 : i32 to index
      %swap3A_193 = arith.constant 0 : index
      %swap3A_194 = tpu.vector_load %arg11[%swap3A, %swap3A_193] {strides = array<i32>} : memref<80x128xf32, #tpu.memory_space<vmem>>, vector<1x16xf32>,
      %swap3A_195 = vector.shape_cast %swap3A_194 : vector<1x16xf32> to vector<16xf32>
      %swap3A_196 = vector.shape_cast %broadcast_in_dim3A_3 : vector<16xf32> to vector<1x16xf32>
      tpu.vector_store %arg11[%swap3A, %swap3A_193], %swap3A_196 {strides = array<i32>} : memref<80x128xf32, #tpu.memory_space<vmem>>, vector<1x16xf32>,
      %swap3A_197 = arith.index_cast %scan3A_191 : i32 to index
      %swap3A_198 = arith.constant 16 : index
      %swap3A_199 = tpu.vector_load %arg11[%swap3A_197, %swap3A_198] {strides = array<i32>} : memref<80x128xf32, #tpu.memory_space<vmem>>, vector<1x16xf32>,
      %swap3A_200 = vector.shape_cast %swap3A_199 : vector<1x16xf32> to vector<16xf32>
      %swap3A_201 = vector.shape_cast %broadcast_in_dim3A_3 : vector<16xf32> to vector<1x16xf32>
      tpu.vector_store %arg11[%swap3A_197, %swap3A_198], %swap3A_201 {strides = array<i32>} : memref<80x128xf32, #tpu.memory_space<vmem>>, vector<1x16xf32>,
      %swap3A_202 = arith.index_cast %scan3A_191 : i32 to index
      %swap3A_203 = arith.constant 32 : index
      %swap3A_204 = tpu.vector_load %arg11[%swap3A_202, %swap3A_203] {strides = array<i32>} : memref<80x128xf32, #tpu.memory_space<vmem>>, vector<1x16xf32>,
      %swap3A_205 = vector.shape_cast %swap3A_204 : vector<1x16xf32> to vector<16xf32>
      %swap3A_206 = vector.shape_cast %broadcast_in_dim3A_3 : vector<16xf32> to vector<1x16xf32>
      tpu.vector_store %arg11[%swap3A_202, %swap3A_203], %swap3A_206 {strides = array<i32>} : memref<80x128xf32, #tpu.memory_space<vmem>>, vector<1x16xf32>,
      %swap3A_207 = arith.index_cast %scan3A_191 : i32 to index
      %swap3A_208 = arith.constant 48 : index
      %swap3A_209 = tpu.vector_load %arg11[%swap3A_207, %swap3A_208] {strides = array<i32>} : memref<80x128xf32, #tpu.memory_space<vmem>>, vector<1x16xf32>,
      %swap3A_210 = vector.shape_cast %swap3A_209 : vector<1x16xf32> to vector<16xf32>
      %swap3A_211 = vector.shape_cast %broadcast_in_dim3A_3 : vector<16xf32> to vector<1x16xf32>
      tpu.vector_store %arg11[%swap3A_207, %swap3A_208], %swap3A_211 {strides = array<i32>} : memref<80x128xf32, #tpu.memory_space<vmem>>, vector<1x16xf32>,
      %swap3A_212 = arith.index_cast %scan3A_191 : i32 to index
      %swap3A_213 = arith.constant 64 : index
      %swap3A_214 = tpu.vector_load %arg11[%swap3A_212, %swap3A_213] {strides = array<i32>} : memref<80x128xf32, #tpu.memory_space<vmem>>, vector<1x16xf32>,
      %swap3A_215 = vector.shape_cast %swap3A_214 : vector<1x16xf32> to vector<16xf32>
      %swap3A_216 = vector.shape_cast %broadcast_in_dim3A_3 : vector<16xf32> to vector<1x16xf32>
      tpu.vector_store %arg11[%swap3A_212, %swap3A_213], %swap3A_216 {strides = array<i32>} : memref<80x128xf32, #tpu.memory_space<vmem>>, vector<1x16xf32>,
      %swap3A_217 = arith.index_cast %scan3A_191 : i32 to index
      %swap3A_218 = arith.constant 80 : index
      %swap3A_219 = tpu.vector_load %arg11[%swap3A_217, %swap3A_218] {strides = array<i32>} : memref<80x128xf32, #tpu.memory_space<vmem>>, vector<1x16xf32>,
      %swap3A_220 = vector.shape_cast %swap3A_219 : vector<1x16xf32> to vector<16xf32>
      %swap3A_221 = vector.shape_cast %broadcast_in_dim3A_3 : vector<16xf32> to vector<1x16xf32>
      tpu.vector_store %arg11[%swap3A_217, %swap3A_218], %swap3A_221 {strides = array<i32>} : memref<80x128xf32, #tpu.memory_space<vmem>>, vector<1x16xf32>,
      %swap3A_222 = arith.index_cast %scan3A_191 : i32 to index
      %swap3A_223 = arith.constant 96 : index
      %swap3A_224 = tpu.vector_load %arg11[%swap3A_222, %swap3A_223] {strides = array<i32>} : memref<80x128xf32, #tpu.memory_space<vmem>>, vector<1x16xf32>,
      %swap3A_225 = vector.shape_cast %swap3A_224 : vector<1x16xf32> to vector<16xf32>
      %swap3A_226 = vector.shape_cast %broadcast_in_dim3A_3 : vector<16xf32> to vector<1x16xf32>
      tpu.vector_store %arg11[%swap3A_222, %swap3A_223], %swap3A_226 {strides = array<i32>} : memref<80x128xf32, #tpu.memory_space<vmem>>, vector<1x16xf32>,
      %swap3A_227 = arith.index_cast %scan3A_191 : i32 to index
      %swap3A_228 = arith.constant 112 : index
      %swap3A_229 = tpu.vector_load %arg11[%swap3A_227, %swap3A_228] {strides = array<i32>} : memref<80x128xf32, #tpu.memory_space<vmem>>, vector<1x16xf32>,
      %swap3A_230 = vector.shape_cast %swap3A_229 : vector<1x16xf32> to vector<16xf32>
      %swap3A_231 = vector.shape_cast %broadcast_in_dim3A_3 : vector<16xf32> to vector<1x16xf32>
      tpu.vector_store %arg11[%swap3A_227, %swap3A_228], %swap3A_231 {strides = array<i32>} : memref<80x128xf32, #tpu.memory_space<vmem>>, vector<1x16xf32>,
      %scan3A_232 = arith.constant 0 : i32
      scf.yield %scan3A_232 : i32
    }
    %scan3A_9 = arith.constant 80 : i32
    %mul3A_10 = arith.constant 624 : i32
    %mul3A_11 = arith.muli %arg1, %mul3A_10 : i32
    %add3A_12 = arith.constant 0 : i32
    %add3A_13 = arith.addi %mul3A_11, %add3A_12 : i32
    "tpu.region"() ({
      %run_scoped3A = tpu.sem_alloc : memref<!tpu.dma_semaphore, #tpu.memory_space<semaphore_mem>>
      %dma_start3A_191 = arith.constant 0 : i32
      %dma_start3A_192 = tpu.memref_slice %arg15[%add3A_13, %dma_start3A_191] : memref<10000x128xf32, #tpu.memory_space<vmem_shared>> -> memref<80x128xf32, #tpu.memory_space<vmem_shared>>
      %dma_start3A_193 = arith.constant 0 : i32
      %dma_start3A_194 = tpu.memref_slice %arg15[%add3A_13, %dma_start3A_193] : memref<10000x128xf32, #tpu.memory_space<vmem_shared>> -> memref<80x128xf32, #tpu.memory_space<vmem_shared>>
      tpu.enqueue_dma source(%arg11 : memref<80x128xf32, #tpu.memory_space<vmem>>) target(%dma_start3A_194 : memref<80x128xf32, #tpu.memory_space<vmem_shared>>) target_semaphore(%run_scoped3A : memref<!tpu.dma_semaphore, #tpu.memory_space<semaphore_mem>>)
      %dma_wait3A_195 = arith.constant 0 : i32
      %dma_wait3A_196 = tpu.memref_slice %arg15[%add3A_13, %dma_wait3A_195] : memref<10000x128xf32, #tpu.memory_space<vmem_shared>> -> memref<80x128xf32, #tpu.memory_space<vmem_shared>>
      %dma_wait3A_197 = arith.constant 0 : i32
      %dma_wait3A_198 = tpu.memref_slice %arg15[%add3A_13, %dma_wait3A_197] : memref<10000x128xf32, #tpu.memory_space<vmem_shared>> -> memref<80x128xf32, #tpu.memory_space<vmem_shared>>
      tpu.wait_dma2 semaphore(%run_scoped3A : memref<!tpu.dma_semaphore, #tpu.memory_space<semaphore_mem>>) src(%arg11 : memref<80x128xf32, #tpu.memory_space<vmem>>) dst(%dma_wait3A_198 : memref<80x128xf32, #tpu.memory_space<vmem_shared>>)
      tpu.yield
    }) : () -> ()
    %add3A_14 = arith.constant 80 : i32
    %add3A_15 = arith.addi %mul3A_11, %add3A_14 : i32
    "tpu.region"() ({
      %run_scoped3A = tpu.sem_alloc : memref<!tpu.dma_semaphore, #tpu.memory_space<semaphore_mem>>
      %dma_start3A_191 = arith.constant 0 : i32
      %dma_start3A_192 = tpu.memref_slice %arg15[%add3A_15, %dma_start3A_191] : memref<10000x128xf32, #tpu.memory_space<vmem_shared>> -> memref<80x128xf32, #tpu.memory_space<vmem_shared>>
      %dma_start3A_193 = arith.constant 0 : i32
      %dma_start3A_194 = tpu.memref_slice %arg15[%add3A_15, %dma_start3A_193] : memref<10000x128xf32, #tpu.memory_space<vmem_shared>> -> memref<80x128xf32, #tpu.memory_space<vmem_shared>>
      tpu.enqueue_dma source(%arg11 : memref<80x128xf32, #tpu.memory_space<vmem>>) target(%dma_start3A_194 : memref<80x128xf32, #tpu.memory_space<vmem_shared>>) target_semaphore(%run_scoped3A : memref<!tpu.dma_semaphore, #tpu.memory_space<semaphore_mem>>)
      %dma_wait3A_195 = arith.constant 0 : i32
      %dma_wait3A_196 = tpu.memref_slice %arg15[%add3A_15, %dma_wait3A_195] : memref<10000x128xf32, #tpu.memory_space<vmem_shared>> -> memref<80x128xf32, #tpu.memory_space<vmem_shared>>
      %dma_wait3A_197 = arith.constant 0 : i32
      %dma_wait3A_198 = tpu.memref_slice %arg15[%add3A_15, %dma_wait3A_197] : memref<10000x128xf32, #tpu.memory_space<vmem_shared>> -> memref<80x128xf32, #tpu.memory_space<vmem_shared>>
      tpu.wait_dma2 semaphore(%run_scoped3A : memref<!tpu.dma_semaphore, #tpu.memory_space<semaphore_mem>>) src(%arg11 : memref<80x128xf32, #tpu.memory_space<vmem>>) dst(%dma_wait3A_198 : memref<80x128xf32, #tpu.memory_space<vmem_shared>>)
      tpu.yield
    }) : () -> ()
    %add3A_16 = arith.constant 160 : i32
    %add3A_17 = arith.addi %mul3A_11, %add3A_16 : i32
    "tpu.region"() ({
      %run_scoped3A = tpu.sem_alloc : memref<!tpu.dma_semaphore, #tpu.memory_space<semaphore_mem>>
      %dma_start3A_191 = arith.constant 0 : i32
      %dma_start3A_192 = tpu.memref_slice %arg15[%add3A_17, %dma_start3A_191] : memref<10000x128xf32, #tpu.memory_space<vmem_shared>> -> memref<80x128xf32, #tpu.memory_space<vmem_shared>>
      %dma_start3A_193 = arith.constant 0 : i32
      %dma_start3A_194 = tpu.memref_slice %arg15[%add3A_17, %dma_start3A_193] : memref<10000x128xf32, #tpu.memory_space<vmem_shared>> -> memref<80x128xf32, #tpu.memory_space<vmem_shared>>
      tpu.enqueue_dma source(%arg11 : memref<80x128xf32, #tpu.memory_space<vmem>>) target(%dma_start3A_194 : memref<80x128xf32, #tpu.memory_space<vmem_shared>>) target_semaphore(%run_scoped3A : memref<!tpu.dma_semaphore, #tpu.memory_space<semaphore_mem>>)
      %dma_wait3A_195 = arith.constant 0 : i32
      %dma_wait3A_196 = tpu.memref_slice %arg15[%add3A_17, %dma_wait3A_195] : memref<10000x128xf32, #tpu.memory_space<vmem_shared>> -> memref<80x128xf32, #tpu.memory_space<vmem_shared>>
      %dma_wait3A_197 = arith.constant 0 : i32
      %dma_wait3A_198 = tpu.memref_slice %arg15[%add3A_17, %dma_wait3A_197] : memref<10000x128xf32, #tpu.memory_space<vmem_shared>> -> memref<80x128xf32, #tpu.memory_space<vmem_shared>>
      tpu.wait_dma2 semaphore(%run_scoped3A : memref<!tpu.dma_semaphore, #tpu.memory_space<semaphore_mem>>) src(%arg11 : memref<80x128xf32, #tpu.memory_space<vmem>>) dst(%dma_wait3A_198 : memref<80x128xf32, #tpu.memory_space<vmem_shared>>)
      tpu.yield
    }) : () -> ()
    %add3A_18 = arith.constant 240 : i32
    %add3A_19 = arith.addi %mul3A_11, %add3A_18 : i32
    "tpu.region"() ({
      %run_scoped3A = tpu.sem_alloc : memref<!tpu.dma_semaphore, #tpu.memory_space<semaphore_mem>>
      %dma_start3A_191 = arith.constant 0 : i32
      %dma_start3A_192 = tpu.memref_slice %arg15[%add3A_19, %dma_start3A_191] : memref<10000x128xf32, #tpu.memory_space<vmem_shared>> -> memref<80x128xf32, #tpu.memory_space<vmem_shared>>
      %dma_start3A_193 = arith.constant 0 : i32
      %dma_start3A_194 = tpu.memref_slice %arg15[%add3A_19, %dma_start3A_193] : memref<10000x128xf32, #tpu.memory_space<vmem_shared>> -> memref<80x128xf32, #tpu.memory_space<vmem_shared>>
      tpu.enqueue_dma source(%arg11 : memref<80x128xf32, #tpu.memory_space<vmem>>) target(%dma_start3A_194 : memref<80x128xf32, #tpu.memory_space<vmem_shared>>) target_semaphore(%run_scoped3A : memref<!tpu.dma_semaphore, #tpu.memory_space<semaphore_mem>>)
      %dma_wait3A_195 = arith.constant 0 : i32
      %dma_wait3A_196 = tpu.memref_slice %arg15[%add3A_19, %dma_wait3A_195] : memref<10000x128xf32, #tpu.memory_space<vmem_shared>> -> memref<80x128xf32, #tpu.memory_space<vmem_shared>>
      %dma_wait3A_197 = arith.constant 0 : i32
      %dma_wait3A_198 = tpu.memref_slice %arg15[%add3A_19, %dma_wait3A_197] : memref<10000x128xf32, #tpu.memory_space<vmem_shared>> -> memref<80x128xf32, #tpu.memory_space<vmem_shared>>
      tpu.wait_dma2 semaphore(%run_scoped3A : memref<!tpu.dma_semaphore, #tpu.memory_space<semaphore_mem>>) src(%arg11 : memref<80x128xf32, #tpu.memory_space<vmem>>) dst(%dma_wait3A_198 : memref<80x128xf32, #tpu.memory_space<vmem_shared>>)
      tpu.yield
    }) : () -> ()
    %add3A_20 = arith.constant 320 : i32
    %add3A_21 = arith.addi %mul3A_11, %add3A_20 : i32
    "tpu.region"() ({
      %run_scoped3A = tpu.sem_alloc : memref<!tpu.dma_semaphore, #tpu.memory_space<semaphore_mem>>
      %dma_start3A_191 = arith.constant 0 : i32
      %dma_start3A_192 = tpu.memref_slice %arg15[%add3A_21, %dma_start3A_191] : memref<10000x128xf32, #tpu.memory_space<vmem_shared>> -> memref<80x128xf32, #tpu.memory_space<vmem_shared>>
      %dma_start3A_193 = arith.constant 0 : i32
      %dma_start3A_194 = tpu.memref_slice %arg15[%add3A_21, %dma_start3A_193] : memref<10000x128xf32, #tpu.memory_space<vmem_shared>> -> memref<80x128xf32, #tpu.memory_space<vmem_shared>>
      tpu.enqueue_dma source(%arg11 : memref<80x128xf32, #tpu.memory_space<vmem>>) target(%dma_start3A_194 : memref<80x128xf32, #tpu.memory_space<vmem_shared>>) target_semaphore(%run_scoped3A : memref<!tpu.dma_semaphore, #tpu.memory_space<semaphore_mem>>)
      %dma_wait3A_195 = arith.constant 0 : i32
      %dma_wait3A_196 = tpu.memref_slice %arg15[%add3A_21, %dma_wait3A_195] : memref<10000x128xf32, #tpu.memory_space<vmem_shared>> -> memref<80x128xf32, #tpu.memory_space<vmem_shared>>
      %dma_wait3A_197 = arith.constant 0 : i32
      %dma_wait3A_198 = tpu.memref_slice %arg15[%add3A_21, %dma_wait3A_197] : memref<10000x128xf32, #tpu.memory_space<vmem_shared>> -> memref<80x128xf32, #tpu.memory_space<vmem_shared>>
      tpu.wait_dma2 semaphore(%run_scoped3A : memref<!tpu.dma_semaphore, #tpu.memory_space<semaphore_mem>>) src(%arg11 : memref<80x128xf32, #tpu.memory_space<vmem>>) dst(%dma_wait3A_198 : memref<80x128xf32, #tpu.memory_space<vmem_shared>>)
      tpu.yield
    }) : () -> ()
    %add3A_22 = arith.constant 400 : i32
    %add3A_23 = arith.addi %mul3A_11, %add3A_22 : i32
    "tpu.region"() ({
      %run_scoped3A = tpu.sem_alloc : memref<!tpu.dma_semaphore, #tpu.memory_space<semaphore_mem>>
      %dma_start3A_191 = arith.constant 0 : i32
      %dma_start3A_192 = tpu.memref_slice %arg15[%add3A_23, %dma_start3A_191] : memref<10000x128xf32, #tpu.memory_space<vmem_shared>> -> memref<80x128xf32, #tpu.memory_space<vmem_shared>>
      %dma_start3A_193 = arith.constant 0 : i32
      %dma_start3A_194 = tpu.memref_slice %arg15[%add3A_23, %dma_start3A_193] : memref<10000x128xf32, #tpu.memory_space<vmem_shared>> -> memref<80x128xf32, #tpu.memory_space<vmem_shared>>
      tpu.enqueue_dma source(%arg11 : memref<80x128xf32, #tpu.memory_space<vmem>>) target(%dma_start3A_194 : memref<80x128xf32, #tpu.memory_space<vmem_shared>>) target_semaphore(%run_scoped3A : memref<!tpu.dma_semaphore, #tpu.memory_space<semaphore_mem>>)
      %dma_wait3A_195 = arith.constant 0 : i32
      %dma_wait3A_196 = tpu.memref_slice %arg15[%add3A_23, %dma_wait3A_195] : memref<10000x128xf32, #tpu.memory_space<vmem_shared>> -> memref<80x128xf32, #tpu.memory_space<vmem_shared>>
      %dma_wait3A_197 = arith.constant 0 : i32
      %dma_wait3A_198 = tpu.memref_slice %arg15[%add3A_23, %dma_wait3A_197] : memref<10000x128xf32, #tpu.memory_space<vmem_shared>> -> memref<80x128xf32, #tpu.memory_space<vmem_shared>>
      tpu.wait_dma2 semaphore(%run_scoped3A : memref<!tpu.dma_semaphore, #tpu.memory_space<semaphore_mem>>) src(%arg11 : memref<80x128xf32, #tpu.memory_space<vmem>>) dst(%dma_wait3A_198 : memref<80x128xf32, #tpu.memory_space<vmem_shared>>)
      tpu.yield
    }) : () -> ()
    %add3A_24 = arith.constant 480 : i32
    %add3A_25 = arith.addi %mul3A_11, %add3A_24 : i32
    "tpu.region"() ({
      %run_scoped3A = tpu.sem_alloc : memref<!tpu.dma_semaphore, #tpu.memory_space<semaphore_mem>>
      %dma_start3A_191 = arith.constant 0 : i32
      %dma_start3A_192 = tpu.memref_slice %arg15[%add3A_25, %dma_start3A_191] : memref<10000x128xf32, #tpu.memory_space<vmem_shared>> -> memref<80x128xf32, #tpu.memory_space<vmem_shared>>
      %dma_start3A_193 = arith.constant 0 : i32
      %dma_start3A_194 = tpu.memref_slice %arg15[%add3A_25, %dma_start3A_193] : memref<10000x128xf32, #tpu.memory_space<vmem_shared>> -> memref<80x128xf32, #tpu.memory_space<vmem_shared>>
      tpu.enqueue_dma source(%arg11 : memref<80x128xf32, #tpu.memory_space<vmem>>) target(%dma_start3A_194 : memref<80x128xf32, #tpu.memory_space<vmem_shared>>) target_semaphore(%run_scoped3A : memref<!tpu.dma_semaphore, #tpu.memory_space<semaphore_mem>>)
      %dma_wait3A_195 = arith.constant 0 : i32
      %dma_wait3A_196 = tpu.memref_slice %arg15[%add3A_25, %dma_wait3A_195] : memref<10000x128xf32, #tpu.memory_space<vmem_shared>> -> memref<80x128xf32, #tpu.memory_space<vmem_shared>>
      %dma_wait3A_197 = arith.constant 0 : i32
      %dma_wait3A_198 = tpu.memref_slice %arg15[%add3A_25, %dma_wait3A_197] : memref<10000x128xf32, #tpu.memory_space<vmem_shared>> -> memref<80x128xf32, #tpu.memory_space<vmem_shared>>
      tpu.wait_dma2 semaphore(%run_scoped3A : memref<!tpu.dma_semaphore, #tpu.memory_space<semaphore_mem>>) src(%arg11 : memref<80x128xf32, #tpu.memory_space<vmem>>) dst(%dma_wait3A_198 : memref<80x128xf32, #tpu.memory_space<vmem_shared>>)
      tpu.yield
    }) : () -> ()
    %add3A_26 = arith.constant 624 : i32
    %add3A_27 = arith.addi %mul3A_11, %add3A_26 : i32
    %sub3A = arith.constant 64 : i32
    %sub3A_28 = arith.subi %add3A_27, %sub3A : i32
    "tpu.region"() ({
      %run_scoped3A = tpu.sem_alloc : memref<!tpu.dma_semaphore, #tpu.memory_space<semaphore_mem>>
      %dma_start3A_191 = arith.constant 0 : i32
      %dma_start3A_192 = arith.constant 0 : i32
      %dma_start3A_193 = tpu.memref_slice %arg11[%dma_start3A_191, %dma_start3A_192] : memref<80x128xf32, #tpu.memory_space<vmem>> -> memref<64x128xf32, #tpu.memory_space<vmem>>
      %dma_start3A_194 = arith.constant 0 : i32
      %dma_start3A_195 = tpu.memref_slice %arg15[%sub3A_28, %dma_start3A_194] : memref<10000x128xf32, #tpu.memory_space<vmem_shared>> -> memref<64x128xf32, #tpu.memory_space<vmem_shared>>
      %dma_start3A_196 = arith.constant 0 : i32
      %dma_start3A_197 = tpu.memref_slice %arg15[%sub3A_28, %dma_start3A_196] : memref<10000x128xf32, #tpu.memory_space<vmem_shared>> -> memref<64x128xf32, #tpu.memory_space<vmem_shared>>
      %dma_start3A_198 = arith.constant 0 : i32
      %dma_start3A_199 = arith.constant 0 : i32
      %dma_start3A_200 = tpu.memref_slice %arg11[%dma_start3A_198, %dma_start3A_199] : memref<80x128xf32, #tpu.memory_space<vmem>> -> memref<64x128xf32, #tpu.memory_space<vmem>>
      tpu.enqueue_dma source(%dma_start3A_200 : memref<64x128xf32, #tpu.memory_space<vmem>>) target(%dma_start3A_197 : memref<64x128xf32, #tpu.memory_space<vmem_shared>>) target_semaphore(%run_scoped3A : memref<!tpu.dma_semaphore, #tpu.memory_space<semaphore_mem>>)
      %dma_wait3A_201 = arith.constant 0 : i32
      %dma_wait3A_202 = arith.constant 0 : i32
      %dma_wait3A_203 = tpu.memref_slice %arg11[%dma_wait3A_201, %dma_wait3A_202] : memref<80x128xf32, #tpu.memory_space<vmem>> -> memref<64x128xf32, #tpu.memory_space<vmem>>
      %dma_wait3A_204 = arith.constant 0 : i32
      %dma_wait3A_205 = tpu.memref_slice %arg15[%sub3A_28, %dma_wait3A_204] : memref<10000x128xf32, #tpu.memory_space<vmem_shared>> -> memref<64x128xf32, #tpu.memory_space<vmem_shared>>
      %dma_wait3A_206 = arith.constant 0 : i32
      %dma_wait3A_207 = tpu.memref_slice %arg15[%sub3A_28, %dma_wait3A_206] : memref<10000x128xf32, #tpu.memory_space<vmem_shared>> -> memref<64x128xf32, #tpu.memory_space<vmem_shared>>
      %dma_wait3A_208 = arith.constant 0 : i32
      %dma_wait3A_209 = arith.constant 0 : i32
      %dma_wait3A_210 = tpu.memref_slice %arg11[%dma_wait3A_208, %dma_wait3A_209] : memref<80x128xf32, #tpu.memory_space<vmem>> -> memref<64x128xf32, #tpu.memory_space<vmem>>
      tpu.wait_dma2 semaphore(%run_scoped3A : memref<!tpu.dma_semaphore, #tpu.memory_space<semaphore_mem>>) src(%dma_wait3A_210 : memref<64x128xf32, #tpu.memory_space<vmem>>) dst(%dma_wait3A_207 : memref<64x128xf32, #tpu.memory_space<vmem_shared>>)
      tpu.yield
    }) : () -> ()
    %eq3A_29 = arith.constant 15 : i32
    %eq3A_30 = arith.cmpi eq, %arg1, %eq3A_29 : i32
    %convert_element_type3A_31 = arith.extui %eq3A_30 : i1 to i32
    %cond3A_32 = arith.constant 0 : i32
    %cond3A_33 = arith.cmpi ne, %convert_element_type3A_31, %cond3A_32 : i32
    scf.if %cond3A_33 {
      "tpu.region"() ({
        %run_scoped3A = tpu.sem_alloc : memref<!tpu.dma_semaphore, #tpu.memory_space<semaphore_mem>>
        %dma_start3A_191 = arith.constant 0 : i32
        %dma_start3A_192 = arith.constant 0 : i32
        %dma_start3A_193 = tpu.memref_slice %arg11[%dma_start3A_191, %dma_start3A_192] : memref<80x128xf32, #tpu.memory_space<vmem>> -> memref<16x128xf32, #tpu.memory_space<vmem>>
        %dma_start3A_194 = arith.constant 9984 : i32
        %dma_start3A_195 = arith.constant 0 : i32
        %dma_start3A_196 = tpu.memref_slice %arg15[%dma_start3A_194, %dma_start3A_195] : memref<10000x128xf32, #tpu.memory_space<vmem_shared>> -> memref<16x128xf32, #tpu.memory_space<vmem_shared>>
        %dma_start3A_197 = arith.constant 9984 : i32
        %dma_start3A_198 = arith.constant 0 : i32
        %dma_start3A_199 = tpu.memref_slice %arg15[%dma_start3A_197, %dma_start3A_198] : memref<10000x128xf32, #tpu.memory_space<vmem_shared>> -> memref<16x128xf32, #tpu.memory_space<vmem_shared>>
        %dma_start3A_200 = arith.constant 0 : i32
        %dma_start3A_201 = arith.constant 0 : i32
        %dma_start3A_202 = tpu.memref_slice %arg11[%dma_start3A_200, %dma_start3A_201] : memref<80x128xf32, #tpu.memory_space<vmem>> -> memref<16x128xf32, #tpu.memory_space<vmem>>
        tpu.enqueue_dma source(%dma_start3A_202 : memref<16x128xf32, #tpu.memory_space<vmem>>) target(%dma_start3A_199 : memref<16x128xf32, #tpu.memory_space<vmem_shared>>) target_semaphore(%run_scoped3A : memref<!tpu.dma_semaphore, #tpu.memory_space<semaphore_mem>>)
        %dma_wait3A_203 = arith.constant 0 : i32
        %dma_wait3A_204 = arith.constant 0 : i32
        %dma_wait3A_205 = tpu.memref_slice %arg11[%dma_wait3A_203, %dma_wait3A_204] : memref<80x128xf32, #tpu.memory_space<vmem>> -> memref<16x128xf32, #tpu.memory_space<vmem>>
        %dma_wait3A_206 = arith.constant 9984 : i32
        %dma_wait3A_207 = arith.constant 0 : i32
        %dma_wait3A_208 = tpu.memref_slice %arg15[%dma_wait3A_206, %dma_wait3A_207] : memref<10000x128xf32, #tpu.memory_space<vmem_shared>> -> memref<16x128xf32, #tpu.memory_space<vmem_shared>>
        %dma_wait3A_209 = arith.constant 9984 : i32
        %dma_wait3A_210 = arith.constant 0 : i32
        %dma_wait3A_211 = tpu.memref_slice %arg15[%dma_wait3A_209, %dma_wait3A_210] : memref<10000x128xf32, #tpu.memory_space<vmem_shared>> -> memref<16x128xf32, #tpu.memory_space<vmem_shared>>
        %dma_wait3A_212 = arith.constant 0 : i32
        %dma_wait3A_213 = arith.constant 0 : i32
        %dma_wait3A_214 = tpu.memref_slice %arg11[%dma_wait3A_212, %dma_wait3A_213] : memref<80x128xf32, #tpu.memory_space<vmem>> -> memref<16x128xf32, #tpu.memory_space<vmem>>
        tpu.wait_dma2 semaphore(%run_scoped3A : memref<!tpu.dma_semaphore, #tpu.memory_space<semaphore_mem>>) src(%dma_wait3A_214 : memref<16x128xf32, #tpu.memory_space<vmem>>) dst(%dma_wait3A_211 : memref<16x128xf32, #tpu.memory_space<vmem_shared>>)
        tpu.yield
      }) : () -> ()
    } else {
    }
    %barrier3A = arith.constant 0 : index
    tpu.barrier barrier_id(%barrier3A)
    %mul3A_34 = arith.constant 10000 : i32
    %mul3A_35 = arith.muli %add3A, %mul3A_34 : i32
    %add3A_36 = arith.constant 0 : i32
    %add3A_37 = arith.addi %mul3A_35, %add3A_36 : i32
    %dma_start3A = arith.constant 0 : i32
    %dma_start3A_38 = arith.constant 0 : i32
    %dma_start3A_39 = tpu.memref_slice %arg7[%dma_start3A, %dma_start3A_38] : memref<3x80xi32, #tpu.memory_space<vmem>> -> memref<1x80xi32, #tpu.memory_space<vmem>>
    %dma_start3A_40 = tpu.memref_squeeze %dma_start3A_39 : memref<1x80xi32, #tpu.memory_space<vmem>> -> memref<80xi32, #tpu.memory_space<vmem>>
    %dma_start3A_41 = tpu.memref_slice %arg2[%add3A_37] : memref<640000xi32, #tpu.memory_space<hbm>> -> memref<80xi32, #tpu.memory_space<hbm>>
    %dma_start3A_42 = arith.constant 0 : i32
    %dma_start3A_43 = tpu.memref_slice %arg7[%dma_start3A, %dma_start3A_42] : memref<3x80xi32, #tpu.memory_space<vmem>> -> memref<1x80xi32, #tpu.memory_space<vmem>>
    %dma_start3A_44 = tpu.memref_squeeze %dma_start3A_43 : memref<1x80xi32, #tpu.memory_space<vmem>> -> memref<80xi32, #tpu.memory_space<vmem>>
    %dma_start3A_45 = tpu.memref_slice %arg2[%add3A_37] : memref<640000xi32, #tpu.memory_space<hbm>> -> memref<80xi32, #tpu.memory_space<hbm>>
    tpu.enqueue_dma source(%dma_start3A_45 : memref<80xi32, #tpu.memory_space<hbm>>) target(%dma_start3A_44 : memref<80xi32, #tpu.memory_space<vmem>>) target_semaphore(%arg17 : memref<!tpu.dma_semaphore, #tpu.memory_space<semaphore_mem>>)
    %dma_start3A_46 = arith.constant 1 : i32
    %dma_start3A_47 = arith.constant 0 : i32
    %dma_start3A_48 = tpu.memref_slice %arg7[%dma_start3A_46, %dma_start3A_47] : memref<3x80xi32, #tpu.memory_space<vmem>> -> memref<1x80xi32, #tpu.memory_space<vmem>>
    %dma_start3A_49 = tpu.memref_squeeze %dma_start3A_48 : memref<1x80xi32, #tpu.memory_space<vmem>> -> memref<80xi32, #tpu.memory_space<vmem>>
    %dma_start3A_50 = tpu.memref_slice %arg3[%add3A_37] : memref<320000xi32, #tpu.memory_space<hbm>> -> memref<80xi32, #tpu.memory_space<hbm>>
    %dma_start3A_51 = arith.constant 0 : i32
    %dma_start3A_52 = tpu.memref_slice %arg7[%dma_start3A_46, %dma_start3A_51] : memref<3x80xi32, #tpu.memory_space<vmem>> -> memref<1x80xi32, #tpu.memory_space<vmem>>
    %dma_start3A_53 = tpu.memref_squeeze %dma_start3A_52 : memref<1x80xi32, #tpu.memory_space<vmem>> -> memref<80xi32, #tpu.memory_space<vmem>>
    %dma_start3A_54 = tpu.memref_slice %arg3[%add3A_37] : memref<320000xi32, #tpu.memory_space<hbm>> -> memref<80xi32, #tpu.memory_space<hbm>>
    tpu.enqueue_dma source(%dma_start3A_54 : memref<80xi32, #tpu.memory_space<hbm>>) target(%dma_start3A_53 : memref<80xi32, #tpu.memory_space<vmem>>) target_semaphore(%arg17 : memref<!tpu.dma_semaphore, #tpu.memory_space<semaphore_mem>>)
    %add3A_55 = arith.constant 320000 : i32
    %add3A_56 = arith.addi %add3A_55, %add3A_37 : i32
    %dma_start3A_57 = arith.constant 2 : i32
    %dma_start3A_58 = arith.constant 0 : i32
    %dma_start3A_59 = tpu.memref_slice %arg7[%dma_start3A_57, %dma_start3A_58] : memref<3x80xi32, #tpu.memory_space<vmem>> -> memref<1x80xi32, #tpu.memory_space<vmem>>
    %dma_start3A_60 = tpu.memref_squeeze %dma_start3A_59 : memref<1x80xi32, #tpu.memory_space<vmem>> -> memref<80xi32, #tpu.memory_space<vmem>>
    %dma_start3A_61 = tpu.memref_slice %arg2[%add3A_56] : memref<640000xi32, #tpu.memory_space<hbm>> -> memref<80xi32, #tpu.memory_space<hbm>>
    %dma_start3A_62 = arith.constant 0 : i32
    %dma_start3A_63 = tpu.memref_slice %arg7[%dma_start3A_57, %dma_start3A_62] : memref<3x80xi32, #tpu.memory_space<vmem>> -> memref<1x80xi32, #tpu.memory_space<vmem>>
    %dma_start3A_64 = tpu.memref_squeeze %dma_start3A_63 : memref<1x80xi32, #tpu.memory_space<vmem>> -> memref<80xi32, #tpu.memory_space<vmem>>
    %dma_start3A_65 = tpu.memref_slice %arg2[%add3A_56] : memref<640000xi32, #tpu.memory_space<hbm>> -> memref<80xi32, #tpu.memory_space<hbm>>
    tpu.enqueue_dma source(%dma_start3A_65 : memref<80xi32, #tpu.memory_space<hbm>>) target(%dma_start3A_64 : memref<80xi32, #tpu.memory_space<vmem>>) target_semaphore(%arg17 : memref<!tpu.dma_semaphore, #tpu.memory_space<semaphore_mem>>)
    %add3A_66 = arith.constant 80 : i32
    %add3A_67 = arith.addi %mul3A_35, %add3A_66 : i32
    %dma_start3A_68 = arith.constant 0 : i32
    %dma_start3A_69 = arith.constant 0 : i32
    %dma_start3A_70 = tpu.memref_slice %arg8[%dma_start3A_68, %dma_start3A_69] : memref<3x80xi32, #tpu.memory_space<vmem>> -> memref<1x80xi32, #tpu.memory_space<vmem>>
    %dma_start3A_71 = tpu.memref_squeeze %dma_start3A_70 : memref<1x80xi32, #tpu.memory_space<vmem>> -> memref<80xi32, #tpu.memory_space<vmem>>
    %dma_start3A_72 = tpu.memref_slice %arg2[%add3A_67] : memref<640000xi32, #tpu.memory_space<hbm>> -> memref<80xi32, #tpu.memory_space<hbm>>
    %dma_start3A_73 = arith.constant 0 : i32
    %dma_start3A_74 = tpu.memref_slice %arg8[%dma_start3A_68, %dma_start3A_73] : memref<3x80xi32, #tpu.memory_space<vmem>> -> memref<1x80xi32, #tpu.memory_space<vmem>>
    %dma_start3A_75 = tpu.memref_squeeze %dma_start3A_74 : memref<1x80xi32, #tpu.memory_space<vmem>> -> memref<80xi32, #tpu.memory_space<vmem>>
    %dma_start3A_76 = tpu.memref_slice %arg2[%add3A_67] : memref<640000xi32, #tpu.memory_space<hbm>> -> memref<80xi32, #tpu.memory_space<hbm>>
    tpu.enqueue_dma source(%dma_start3A_76 : memref<80xi32, #tpu.memory_space<hbm>>) target(%dma_start3A_75 : memref<80xi32, #tpu.memory_space<vmem>>) target_semaphore(%arg18 : memref<!tpu.dma_semaphore, #tpu.memory_space<semaphore_mem>>)
    %dma_start3A_77 = arith.constant 1 : i32
    %dma_start3A_78 = arith.constant 0 : i32
    %dma_start3A_79 = tpu.memref_slice %arg8[%dma_start3A_77, %dma_start3A_78] : memref<3x80xi32, #tpu.memory_space<vmem>> -> memref<1x80xi32, #tpu.memory_space<vmem>>
    %dma_start3A_80 = tpu.memref_squeeze %dma_start3A_79 : memref<1x80xi32, #tpu.memory_space<vmem>> -> memref<80xi32, #tpu.memory_space<vmem>>
    %dma_start3A_81 = tpu.memref_slice %arg3[%add3A_67] : memref<320000xi32, #tpu.memory_space<hbm>> -> memref<80xi32, #tpu.memory_space<hbm>>
    %dma_start3A_82 = arith.constant 0 : i32
    %dma_start3A_83 = tpu.memref_slice %arg8[%dma_start3A_77, %dma_start3A_82] : memref<3x80xi32, #tpu.memory_space<vmem>> -> memref<1x80xi32, #tpu.memory_space<vmem>>
    %dma_start3A_84 = tpu.memref_squeeze %dma_start3A_83 : memref<1x80xi32, #tpu.memory_space<vmem>> -> memref<80xi32, #tpu.memory_space<vmem>>
    %dma_start3A_85 = tpu.memref_slice %arg3[%add3A_67] : memref<320000xi32, #tpu.memory_space<hbm>> -> memref<80xi32, #tpu.memory_space<hbm>>
    tpu.enqueue_dma source(%dma_start3A_85 : memref<80xi32, #tpu.memory_space<hbm>>) target(%dma_start3A_84 : memref<80xi32, #tpu.memory_space<vmem>>) target_semaphore(%arg18 : memref<!tpu.dma_semaphore, #tpu.memory_space<semaphore_mem>>)
    %add3A_86 = arith.constant 320000 : i32
    %add3A_87 = arith.addi %add3A_86, %add3A_67 : i32
    %dma_start3A_88 = arith.constant 2 : i32
    %dma_start3A_89 = arith.constant 0 : i32
    %dma_start3A_90 = tpu.memref_slice %arg8[%dma_start3A_88, %dma_start3A_89] : memref<3x80xi32, #tpu.memory_space<vmem>> -> memref<1x80xi32, #tpu.memory_space<vmem>>
    %dma_start3A_91 = tpu.memref_squeeze %dma_start3A_90 : memref<1x80xi32, #tpu.memory_space<vmem>> -> memref<80xi32, #tpu.memory_space<vmem>>
    %dma_start3A_92 = tpu.memref_slice %arg2[%add3A_87] : memref<640000xi32, #tpu.memory_space<hbm>> -> memref<80xi32, #tpu.memory_space<hbm>>
    %dma_start3A_93 = arith.constant 0 : i32
    %dma_start3A_94 = tpu.memref_slice %arg8[%dma_start3A_88, %dma_start3A_93] : memref<3x80xi32, #tpu.memory_space<vmem>> -> memref<1x80xi32, #tpu.memory_space<vmem>>
    %dma_start3A_95 = tpu.memref_squeeze %dma_start3A_94 : memref<1x80xi32, #tpu.memory_space<vmem>> -> memref<80xi32, #tpu.memory_space<vmem>>
    %dma_start3A_96 = tpu.memref_slice %arg2[%add3A_87] : memref<640000xi32, #tpu.memory_space<hbm>> -> memref<80xi32, #tpu.memory_space<hbm>>
    tpu.enqueue_dma source(%dma_start3A_96 : memref<80xi32, #tpu.memory_space<hbm>>) target(%dma_start3A_95 : memref<80xi32, #tpu.memory_space<vmem>>) target_semaphore(%arg18 : memref<!tpu.dma_semaphore, #tpu.memory_space<semaphore_mem>>)
    %add3A_97 = arith.constant 0 : i32
    %add3A_98 = arith.addi %mul3A_35, %add3A_97 : i32
    %dma_wait3A = arith.constant 0 : i32
    %dma_wait3A_99 = arith.constant 0 : i32
    %dma_wait3A_100 = tpu.memref_slice %arg7[%dma_wait3A, %dma_wait3A_99] : memref<3x80xi32, #tpu.memory_space<vmem>> -> memref<1x80xi32, #tpu.memory_space<vmem>>
    %dma_wait3A_101 = tpu.memref_squeeze %dma_wait3A_100 : memref<1x80xi32, #tpu.memory_space<vmem>> -> memref<80xi32, #tpu.memory_space<vmem>>
    %dma_wait3A_102 = tpu.memref_slice %arg2[%add3A_98] : memref<640000xi32, #tpu.memory_space<hbm>> -> memref<80xi32, #tpu.memory_space<hbm>>
    %dma_wait3A_103 = arith.constant 0 : i32
    %dma_wait3A_104 = tpu.memref_slice %arg7[%dma_wait3A, %dma_wait3A_103] : memref<3x80xi32, #tpu.memory_space<vmem>> -> memref<1x80xi32, #tpu.memory_space<vmem>>
    %dma_wait3A_105 = tpu.memref_squeeze %dma_wait3A_104 : memref<1x80xi32, #tpu.memory_space<vmem>> -> memref<80xi32, #tpu.memory_space<vmem>>
    %dma_wait3A_106 = tpu.memref_slice %arg2[%add3A_98] : memref<640000xi32, #tpu.memory_space<hbm>> -> memref<80xi32, #tpu.memory_space<hbm>>
    tpu.wait_dma2 semaphore(%arg17 : memref<!tpu.dma_semaphore, #tpu.memory_space<semaphore_mem>>) src(%dma_wait3A_106 : memref<80xi32, #tpu.memory_space<hbm>>) dst(%dma_wait3A_105 : memref<80xi32, #tpu.memory_space<vmem>>)
    %dma_wait3A_107 = arith.constant 1 : i32
    %dma_wait3A_108 = arith.constant 0 : i32
    %dma_wait3A_109 = tpu.memref_slice %arg7[%dma_wait3A_107, %dma_wait3A_108] : memref<3x80xi32, #tpu.memory_space<vmem>> -> memref<1x80xi32, #tpu.memory_space<vmem>>
    %dma_wait3A_110 = tpu.memref_squeeze %dma_wait3A_109 : memref<1x80xi32, #tpu.memory_space<vmem>> -> memref<80xi32, #tpu.memory_space<vmem>>
    %dma_wait3A_111 = tpu.memref_slice %arg3[%add3A_98] : memref<320000xi32, #tpu.memory_space<hbm>> -> memref<80xi32, #tpu.memory_space<hbm>>
    %dma_wait3A_112 = arith.constant 0 : i32
    %dma_wait3A_113 = tpu.memref_slice %arg7[%dma_wait3A_107, %dma_wait3A_112] : memref<3x80xi32, #tpu.memory_space<vmem>> -> memref<1x80xi32, #tpu.memory_space<vmem>>
    %dma_wait3A_114 = tpu.memref_squeeze %dma_wait3A_113 : memref<1x80xi32, #tpu.memory_space<vmem>> -> memref<80xi32, #tpu.memory_space<vmem>>
    %dma_wait3A_115 = tpu.memref_slice %arg3[%add3A_98] : memref<320000xi32, #tpu.memory_space<hbm>> -> memref<80xi32, #tpu.memory_space<hbm>>
    tpu.wait_dma2 semaphore(%arg17 : memref<!tpu.dma_semaphore, #tpu.memory_space<semaphore_mem>>) src(%dma_wait3A_115 : memref<80xi32, #tpu.memory_space<hbm>>) dst(%dma_wait3A_114 : memref<80xi32, #tpu.memory_space<vmem>>)
    %add3A_116 = arith.constant 320000 : i32
    %add3A_117 = arith.addi %add3A_116, %add3A_98 : i32
    %dma_wait3A_118 = arith.constant 2 : i32
    %dma_wait3A_119 = arith.constant 0 : i32
    %dma_wait3A_120 = tpu.memref_slice %arg7[%dma_wait3A_118, %dma_wait3A_119] : memref<3x80xi32, #tpu.memory_space<vmem>> -> memref<1x80xi32, #tpu.memory_space<vmem>>
    %dma_wait3A_121 = tpu.memref_squeeze %dma_wait3A_120 : memref<1x80xi32, #tpu.memory_space<vmem>> -> memref<80xi32, #tpu.memory_space<vmem>>
    %dma_wait3A_122 = tpu.memref_slice %arg2[%add3A_117] : memref<640000xi32, #tpu.memory_space<hbm>> -> memref<80xi32, #tpu.memory_space<hbm>>
    %dma_wait3A_123 = arith.constant 0 : i32
    %dma_wait3A_124 = tpu.memref_slice %arg7[%dma_wait3A_118, %dma_wait3A_123] : memref<3x80xi32, #tpu.memory_space<vmem>> -> memref<1x80xi32, #tpu.memory_space<vmem>>
    %dma_wait3A_125 = tpu.memref_squeeze %dma_wait3A_124 : memref<1x80xi32, #tpu.memory_space<vmem>> -> memref<80xi32, #tpu.memory_space<vmem>>
    %dma_wait3A_126 = tpu.memref_slice %arg2[%add3A_117] : memref<640000xi32, #tpu.memory_space<hbm>> -> memref<80xi32, #tpu.memory_space<hbm>>
    tpu.wait_dma2 semaphore(%arg17 : memref<!tpu.dma_semaphore, #tpu.memory_space<semaphore_mem>>) src(%dma_wait3A_126 : memref<80xi32, #tpu.memory_space<hbm>>) dst(%dma_wait3A_125 : memref<80xi32, #tpu.memory_space<vmem>>)
    %dma_start3A_127 = arith.constant 0 : i32
    %dma_start3A_128 = arith.constant 0 : i32
    %dma_start3A_129 = tpu.memref_slice %arg7[%dma_start3A_127, %dma_start3A_128] : memref<3x80xi32, #tpu.memory_space<vmem>> -> memref<1x80xi32, #tpu.memory_space<vmem>>
    %dma_start3A_130 = tpu.memref_squeeze %dma_start3A_129 : memref<1x80xi32, #tpu.memory_space<vmem>> -> memref<80xi32, #tpu.memory_space<vmem>>
    %dma_start3A_131 = arith.constant 0 : i32
    %dma_start3A_132 = arith.constant 0 : i32
    %dma_start3A_133 = tpu.memref_slice %arg4[%dma_start3A_131, %dma_start3A_132] : memref<10000x128xf32, #tpu.memory_space<hbm>> -> memref<10000x128xf32, #tpu.memory_space<hbm>>
    tpu.enqueue_indirect_dma source(%dma_start3A_133 : memref<10000x128xf32, #tpu.memory_space<hbm>>) target(%arg11 : memref<80x128xf32, #tpu.memory_space<vmem>>) offsets(%dma_start3A_130 : memref<80xi32, #tpu.memory_space<vmem>>) semaphore(%arg21 : memref<!tpu.dma_semaphore, #tpu.memory_space<semaphore_mem>>)
    %dma_start3A_134 = arith.constant 1 : i32
    %dma_start3A_135 = arith.constant 0 : i32
    %dma_start3A_136 = tpu.memref_slice %arg7[%dma_start3A_134, %dma_start3A_135] : memref<3x80xi32, #tpu.memory_space<vmem>> -> memref<1x80xi32, #tpu.memory_space<vmem>>
    %dma_start3A_137 = tpu.memref_squeeze %dma_start3A_136 : memref<1x80xi32, #tpu.memory_space<vmem>> -> memref<80xi32, #tpu.memory_space<vmem>>
    %dma_start3A_138 = arith.constant 0 : i32
    %dma_start3A_139 = arith.constant 0 : i32
    %dma_start3A_140 = tpu.memref_slice %arg16[%dma_start3A_138, %dma_start3A_139] : memref<400x128xf32, #tpu.memory_space<vmem_shared>> -> memref<400x128xf32, #tpu.memory_space<vmem_shared>>
    tpu.enqueue_indirect_dma source(%dma_start3A_140 : memref<400x128xf32, #tpu.memory_space<vmem_shared>>) target(%arg13 : memref<80x128xf32, #tpu.memory_space<vmem>>) offsets(%dma_start3A_137 : memref<80xi32, #tpu.memory_space<vmem>>) semaphore(%arg23 : memref<!tpu.dma_semaphore, #tpu.memory_space<semaphore_mem>>)
    %scan3A_141 = arith.constant 0 : i32
    %scan3A_142 = arith.constant 0 : i32
    %scan3A_143 = arith.constant 31 : i32
    %scan3A_144 = arith.addi %scan3A_142, %scan3A_143 : i32
    %scan3A_145 = arith.constant 1 : i32
    %scan3A_146 = scf.for %scan3A_191 = %scan3A_142 to %scan3A_144 step %scan3A_145 iter_args(%scan3A_192 = %scan3A_141) -> (i32)  : i32 {
      %mul3A_193 = arith.constant 4 : i32
      %mul3A_194 = arith.muli %scan3A_191, %mul3A_193 : i32
      %add3A_195 = arith.constant 0 : i32
      %add3A_196 = arith.addi %mul3A_194, %add3A_195 : i32
      %add3A_197 = arith.constant 2 : i32
      %add3A_198 = arith.addi %add3A_196, %add3A_197 : i32
      %lt3A = arith.constant 125 : i32
      %lt3A_199 = arith.cmpi slt, %add3A_198, %lt3A : i32
      %convert_element_type3A_200 = arith.extui %lt3A_199 : i1 to i32
      %cond3A_201 = arith.constant 0 : i32
      %cond3A_202 = arith.cmpi ne, %convert_element_type3A_200, %cond3A_201 : i32
      scf.if %cond3A_202 {
        %add3A_355 = arith.constant 2 : i32
        %add3A_356 = arith.addi %add3A_196, %add3A_355 : i32
        %mul3A_357 = arith.constant 80 : i32
        %mul3A_358 = arith.muli %add3A_356, %mul3A_357 : i32
        %add3A_359 = arith.addi %mul3A_35, %mul3A_358 : i32
        %dma_start3A_360 = arith.constant 0 : i32
        %dma_start3A_361 = arith.constant 0 : i32
        %dma_start3A_362 = tpu.memref_slice %arg9[%dma_start3A_360, %dma_start3A_361] : memref<3x80xi32, #tpu.memory_space<vmem>> -> memref<1x80xi32, #tpu.memory_space<vmem>>
        %dma_start3A_363 = tpu.memref_squeeze %dma_start3A_362 : memref<1x80xi32, #tpu.memory_space<vmem>> -> memref<80xi32, #tpu.memory_space<vmem>>
        %dma_start3A_364 = tpu.memref_slice %arg2[%add3A_359] : memref<640000xi32, #tpu.memory_space<hbm>> -> memref<80xi32, #tpu.memory_space<hbm>>
        %dma_start3A_365 = arith.constant 0 : i32
        %dma_start3A_366 = tpu.memref_slice %arg9[%dma_start3A_360, %dma_start3A_365] : memref<3x80xi32, #tpu.memory_space<vmem>> -> memref<1x80xi32, #tpu.memory_space<vmem>>
        %dma_start3A_367 = tpu.memref_squeeze %dma_start3A_366 : memref<1x80xi32, #tpu.memory_space<vmem>> -> memref<80xi32, #tpu.memory_space<vmem>>
        %dma_start3A_368 = tpu.memref_slice %arg2[%add3A_359] : memref<640000xi32, #tpu.memory_space<hbm>> -> memref<80xi32, #tpu.memory_space<hbm>>
        tpu.enqueue_dma source(%dma_start3A_368 : memref<80xi32, #tpu.memory_space<hbm>>) target(%dma_start3A_367 : memref<80xi32, #tpu.memory_space<vmem>>) target_semaphore(%arg19 : memref<!tpu.dma_semaphore, #tpu.memory_space<semaphore_mem>>)
        %dma_start3A_369 = arith.constant 1 : i32
        %dma_start3A_370 = arith.constant 0 : i32
        %dma_start3A_371 = tpu.memref_slice %arg9[%dma_start3A_369, %dma_start3A_370] : memref<3x80xi32, #tpu.memory_space<vmem>> -> memref<1x80xi32, #tpu.memory_space<vmem>>
        %dma_start3A_372 = tpu.memref_squeeze %dma_start3A_371 : memref<1x80xi32, #tpu.memory_space<vmem>> -> memref<80xi32, #tpu.memory_space<vmem>>
        %dma_start3A_373 = tpu.memref_slice %arg3[%add3A_359] : memref<320000xi32, #tpu.memory_space<hbm>> -> memref<80xi32, #tpu.memory_space<hbm>>
        %dma_start3A_374 = arith.constant 0 : i32
        %dma_start3A_375 = tpu.memref_slice %arg9[%dma_start3A_369, %dma_start3A_374] : memref<3x80xi32, #tpu.memory_space<vmem>> -> memref<1x80xi32, #tpu.memory_space<vmem>>
        %dma_start3A_376 = tpu.memref_squeeze %dma_start3A_375 : memref<1x80xi32, #tpu.memory_space<vmem>> -> memref<80xi32, #tpu.memory_space<vmem>>
        %dma_start3A_377 = tpu.memref_slice %arg3[%add3A_359] : memref<320000xi32, #tpu.memory_space<hbm>> -> memref<80xi32, #tpu.memory_space<hbm>>
        tpu.enqueue_dma source(%dma_start3A_377 : memref<80xi32, #tpu.memory_space<hbm>>) target(%dma_start3A_376 : memref<80xi32, #tpu.memory_space<vmem>>) target_semaphore(%arg19 : memref<!tpu.dma_semaphore, #tpu.memory_space<semaphore_mem>>)
        %add3A_378 = arith.constant 320000 : i32
        %add3A_379 = arith.addi %add3A_378, %add3A_359 : i32
        %dma_start3A_380 = arith.constant 2 : i32
        %dma_start3A_381 = arith.constant 0 : i32
        %dma_start3A_382 = tpu.memref_slice %arg9[%dma_start3A_380, %dma_start3A_381] : memref<3x80xi32, #tpu.memory_space<vmem>> -> memref<1x80xi32, #tpu.memory_space<vmem>>
        %dma_start3A_383 = tpu.memref_squeeze %dma_start3A_382 : memref<1x80xi32, #tpu.memory_space<vmem>> -> memref<80xi32, #tpu.memory_space<vmem>>
        %dma_start3A_384 = tpu.memref_slice %arg2[%add3A_379] : memref<640000xi32, #tpu.memory_space<hbm>> -> memref<80xi32, #tpu.memory_space<hbm>>
        %dma_start3A_385 = arith.constant 0 : i32
        %dma_start3A_386 = tpu.memref_slice %arg9[%dma_start3A_380, %dma_start3A_385] : memref<3x80xi32, #tpu.memory_space<vmem>> -> memref<1x80xi32, #tpu.memory_space<vmem>>
        %dma_start3A_387 = tpu.memref_squeeze %dma_start3A_386 : memref<1x80xi32, #tpu.memory_space<vmem>> -> memref<80xi32, #tpu.memory_space<vmem>>
        %dma_start3A_388 = tpu.memref_slice %arg2[%add3A_379] : memref<640000xi32, #tpu.memory_space<hbm>> -> memref<80xi32, #tpu.memory_space<hbm>>
        tpu.enqueue_dma source(%dma_start3A_388 : memref<80xi32, #tpu.memory_space<hbm>>) target(%dma_start3A_387 : memref<80xi32, #tpu.memory_space<vmem>>) target_semaphore(%arg19 : memref<!tpu.dma_semaphore, #tpu.memory_space<semaphore_mem>>)
      } else {
      }
      %add3A_203 = arith.constant 1 : i32
      %add3A_204 = arith.addi %add3A_196, %add3A_203 : i32
      %lt3A_205 = arith.constant 125 : i32
      %lt3A_206 = arith.cmpi slt, %add3A_204, %lt3A_205 : i32
      %convert_element_type3A_207 = arith.extui %lt3A_206 : i1 to i32
      %cond3A_208 = arith.constant 0 : i32
      %cond3A_209 = arith.cmpi ne, %convert_element_type3A_207, %cond3A_208 : i32
      scf.if %cond3A_209 {
        %add3A_355 = arith.constant 1 : i32
        %add3A_356 = arith.addi %add3A_196, %add3A_355 : i32
        %mul3A_357 = arith.constant 80 : i32
        %mul3A_358 = arith.muli %add3A_356, %mul3A_357 : i32
        %add3A_359 = arith.addi %mul3A_35, %mul3A_358 : i32
        %dma_wait3A_360 = arith.constant 0 : i32
        %dma_wait3A_361 = arith.constant 0 : i32
        %dma_wait3A_362 = tpu.memref_slice %arg8[%dma_wait3A_360, %dma_wait3A_361] : memref<3x80xi32, #tpu.memory_space<vmem>> -> memref<1x80xi32, #tpu.memory_space<vmem>>
        %dma_wait3A_363 = tpu.memref_squeeze %dma_wait3A_362 : memref<1x80xi32, #tpu.memory_space<vmem>> -> memref<80xi32, #tpu.memory_space<vmem>>
        %dma_wait3A_364 = tpu.memref_slice %arg2[%add3A_359] : memref<640000xi32, #tpu.memory_space<hbm>> -> memref<80xi32, #tpu.memory_space<hbm>>
        %dma_wait3A_365 = arith.constant 0 : i32
        %dma_wait3A_366 = tpu.memref_slice %arg8[%dma_wait3A_360, %dma_wait3A_365] : memref<3x80xi32, #tpu.memory_space<vmem>> -> memref<1x80xi32, #tpu.memory_space<vmem>>
        %dma_wait3A_367 = tpu.memref_squeeze %dma_wait3A_366 : memref<1x80xi32, #tpu.memory_space<vmem>> -> memref<80xi32, #tpu.memory_space<vmem>>
        %dma_wait3A_368 = tpu.memref_slice %arg2[%add3A_359] : memref<640000xi32, #tpu.memory_space<hbm>> -> memref<80xi32, #tpu.memory_space<hbm>>
        tpu.wait_dma2 semaphore(%arg18 : memref<!tpu.dma_semaphore, #tpu.memory_space<semaphore_mem>>) src(%dma_wait3A_368 : memref<80xi32, #tpu.memory_space<hbm>>) dst(%dma_wait3A_367 : memref<80xi32, #tpu.memory_space<vmem>>)
        %dma_wait3A_369 = arith.constant 1 : i32
        %dma_wait3A_370 = arith.constant 0 : i32
        %dma_wait3A_371 = tpu.memref_slice %arg8[%dma_wait3A_369, %dma_wait3A_370] : memref<3x80xi32, #tpu.memory_space<vmem>> -> memref<1x80xi32, #tpu.memory_space<vmem>>
        %dma_wait3A_372 = tpu.memref_squeeze %dma_wait3A_371 : memref<1x80xi32, #tpu.memory_space<vmem>> -> memref<80xi32, #tpu.memory_space<vmem>>
        %dma_wait3A_373 = tpu.memref_slice %arg3[%add3A_359] : memref<320000xi32, #tpu.memory_space<hbm>> -> memref<80xi32, #tpu.memory_space<hbm>>
        %dma_wait3A_374 = arith.constant 0 : i32
        %dma_wait3A_375 = tpu.memref_slice %arg8[%dma_wait3A_369, %dma_wait3A_374] : memref<3x80xi32, #tpu.memory_space<vmem>> -> memref<1x80xi32, #tpu.memory_space<vmem>>
        %dma_wait3A_376 = tpu.memref_squeeze %dma_wait3A_375 : memref<1x80xi32, #tpu.memory_space<vmem>> -> memref<80xi32, #tpu.memory_space<vmem>>
        %dma_wait3A_377 = tpu.memref_slice %arg3[%add3A_359] : memref<320000xi32, #tpu.memory_space<hbm>> -> memref<80xi32, #tpu.memory_space<hbm>>
        tpu.wait_dma2 semaphore(%arg18 : memref<!tpu.dma_semaphore, #tpu.memory_space<semaphore_mem>>) src(%dma_wait3A_377 : memref<80xi32, #tpu.memory_space<hbm>>) dst(%dma_wait3A_376 : memref<80xi32, #tpu.memory_space<vmem>>)
        %add3A_378 = arith.constant 320000 : i32
        %add3A_379 = arith.addi %add3A_378, %add3A_359 : i32
        %dma_wait3A_380 = arith.constant 2 : i32
        %dma_wait3A_381 = arith.constant 0 : i32
        %dma_wait3A_382 = tpu.memref_slice %arg8[%dma_wait3A_380, %dma_wait3A_381] : memref<3x80xi32, #tpu.memory_space<vmem>> -> memref<1x80xi32, #tpu.memory_space<vmem>>
        %dma_wait3A_383 = tpu.memref_squeeze %dma_wait3A_382 : memref<1x80xi32, #tpu.memory_space<vmem>> -> memref<80xi32, #tpu.memory_space<vmem>>
        %dma_wait3A_384 = tpu.memref_slice %arg2[%add3A_379] : memref<640000xi32, #tpu.memory_space<hbm>> -> memref<80xi32, #tpu.memory_space<hbm>>
        %dma_wait3A_385 = arith.constant 0 : i32
        %dma_wait3A_386 = tpu.memref_slice %arg8[%dma_wait3A_380, %dma_wait3A_385] : memref<3x80xi32, #tpu.memory_space<vmem>> -> memref<1x80xi32, #tpu.memory_space<vmem>>
        %dma_wait3A_387 = tpu.memref_squeeze %dma_wait3A_386 : memref<1x80xi32, #tpu.memory_space<vmem>> -> memref<80xi32, #tpu.memory_space<vmem>>
        %dma_wait3A_388 = tpu.memref_slice %arg2[%add3A_379] : memref<640000xi32, #tpu.memory_space<hbm>> -> memref<80xi32, #tpu.memory_space<hbm>>
        tpu.wait_dma2 semaphore(%arg18 : memref<!tpu.dma_semaphore, #tpu.memory_space<semaphore_mem>>) src(%dma_wait3A_388 : memref<80xi32, #tpu.memory_space<hbm>>) dst(%dma_wait3A_387 : memref<80xi32, #tpu.memory_space<vmem>>)
        %ge3A = arith.constant 1 : i32
        %ge3A_389 = arith.cmpi sge, %add3A_196, %ge3A : i32
        %convert_element_type3A_390 = arith.extui %ge3A_389 : i1 to i32
        %cond3A_391 = arith.constant 0 : i32
        %cond3A_392 = arith.cmpi ne, %convert_element_type3A_390, %cond3A_391 : i32
        scf.if %cond3A_392 {
          %dma_wait3A_407 = arith.constant 2 : i32
          %dma_wait3A_408 = arith.constant 0 : i32
          %dma_wait3A_409 = tpu.memref_slice %arg8[%dma_wait3A_407, %dma_wait3A_408] : memref<3x80xi32, #tpu.memory_space<vmem>> -> memref<1x80xi32, #tpu.memory_space<vmem>>
          %dma_wait3A_410 = tpu.memref_squeeze %dma_wait3A_409 : memref<1x80xi32, #tpu.memory_space<vmem>> -> memref<80xi32, #tpu.memory_space<vmem>>
          %dma_wait3A_411 = arith.constant 0 : i32
          %dma_wait3A_412 = arith.constant 0 : i32
          %dma_wait3A_413 = tpu.memref_slice %arg15[%dma_wait3A_411, %dma_wait3A_412] : memref<10000x128xf32, #tpu.memory_space<vmem_shared>> -> memref<10000x128xf32, #tpu.memory_space<vmem_shared>>
          tpu.wait_indirect_dma semaphore(%arg26 : memref<!tpu.dma_semaphore, #tpu.memory_space<semaphore_mem>>) src(%arg12 : memref<80x128xf32, #tpu.memory_space<vmem>>) dst(%dma_wait3A_413 : memref<10000x128xf32, #tpu.memory_space<vmem_shared>>)
        } else {
        }
        %dma_start3A_393 = arith.constant 0 : i32
        %dma_start3A_394 = arith.constant 0 : i32
        %dma_start3A_395 = tpu.memref_slice %arg8[%dma_start3A_393, %dma_start3A_394] : memref<3x80xi32, #tpu.memory_space<vmem>> -> memref<1x80xi32, #tpu.memory_space<vmem>>
        %dma_start3A_396 = tpu.memref_squeeze %dma_start3A_395 : memref<1x80xi32, #tpu.memory_space<vmem>> -> memref<80xi32, #tpu.memory_space<vmem>>
        %dma_start3A_397 = arith.constant 0 : i32
        %dma_start3A_398 = arith.constant 0 : i32
        %dma_start3A_399 = tpu.memref_slice %arg4[%dma_start3A_397, %dma_start3A_398] : memref<10000x128xf32, #tpu.memory_space<hbm>> -> memref<10000x128xf32, #tpu.memory_space<hbm>>
        tpu.enqueue_indirect_dma source(%dma_start3A_399 : memref<10000x128xf32, #tpu.memory_space<hbm>>) target(%arg12 : memref<80x128xf32, #tpu.memory_space<vmem>>) offsets(%dma_start3A_396 : memref<80xi32, #tpu.memory_space<vmem>>) semaphore(%arg22 : memref<!tpu.dma_semaphore, #tpu.memory_space<semaphore_mem>>)
        %dma_start3A_400 = arith.constant 1 : i32
        %dma_start3A_401 = arith.constant 0 : i32
        %dma_start3A_402 = tpu.memref_slice %arg8[%dma_start3A_400, %dma_start3A_401] : memref<3x80xi32, #tpu.memory_space<vmem>> -> memref<1x80xi32, #tpu.memory_space<vmem>>
        %dma_start3A_403 = tpu.memref_squeeze %dma_start3A_402 : memref<1x80xi32, #tpu.memory_space<vmem>> -> memref<80xi32, #tpu.memory_space<vmem>>
        %dma_start3A_404 = arith.constant 0 : i32
        %dma_start3A_405 = arith.constant 0 : i32
        %dma_start3A_406 = tpu.memref_slice %arg16[%dma_start3A_404, %dma_start3A_405] : memref<400x128xf32, #tpu.memory_space<vmem_shared>> -> memref<400x128xf32, #tpu.memory_space<vmem_shared>>
        tpu.enqueue_indirect_dma source(%dma_start3A_406 : memref<400x128xf32, #tpu.memory_space<vmem_shared>>) target(%arg14 : memref<80x128xf32, #tpu.memory_space<vmem>>) offsets(%dma_start3A_403 : memref<80xi32, #tpu.memory_space<vmem>>) semaphore(%arg24 : memref<!tpu.dma_semaphore, #tpu.memory_space<semaphore_mem>>)
      } else {
      }
      %dma_wait3A_210 = arith.constant 0 : i32
      %dma_wait3A_211 = arith.constant 0 : i32
      %dma_wait3A_212 = tpu.memref_slice %arg7[%dma_wait3A_210, %dma_wait3A_211] : memref<3x80xi32, #tpu.memory_space<vmem>> -> memref<1x80xi32, #tpu.memory_space<vmem>>
      %dma_wait3A_213 = tpu.memref_squeeze %dma_wait3A_212 : memref<1x80xi32, #tpu.memory_space<vmem>> -> memref<80xi32, #tpu.memory_space<vmem>>
      %dma_wait3A_214 = arith.constant 0 : i32
      %dma_wait3A_215 = arith.constant 0 : i32
      %dma_wait3A_216 = tpu.memref_slice %arg4[%dma_wait3A_214, %dma_wait3A_215] : memref<10000x128xf32, #tpu.memory_space<hbm>> -> memref<10000x128xf32, #tpu.memory_space<hbm>>
      tpu.wait_indirect_dma semaphore(%arg21 : memref<!tpu.dma_semaphore, #tpu.memory_space<semaphore_mem>>) src(%dma_wait3A_216 : memref<10000x128xf32, #tpu.memory_space<hbm>>) dst(%arg11 : memref<80x128xf32, #tpu.memory_space<vmem>>)
      %dma_wait3A_217 = arith.constant 1 : i32
      %dma_wait3A_218 = arith.constant 0 : i32
      %dma_wait3A_219 = tpu.memref_slice %arg7[%dma_wait3A_217, %dma_wait3A_218] : memref<3x80xi32, #tpu.memory_space<vmem>> -> memref<1x80xi32, #tpu.memory_space<vmem>>
      %dma_wait3A_220 = tpu.memref_squeeze %dma_wait3A_219 : memref<1x80xi32, #tpu.memory_space<vmem>> -> memref<80xi32, #tpu.memory_space<vmem>>
      %dma_wait3A_221 = arith.constant 0 : i32
      %dma_wait3A_222 = arith.constant 0 : i32
      %dma_wait3A_223 = tpu.memref_slice %arg16[%dma_wait3A_221, %dma_wait3A_222] : memref<400x128xf32, #tpu.memory_space<vmem_shared>> -> memref<400x128xf32, #tpu.memory_space<vmem_shared>>
      tpu.wait_indirect_dma semaphore(%arg23 : memref<!tpu.dma_semaphore, #tpu.memory_space<semaphore_mem>>) src(%dma_wait3A_223 : memref<400x128xf32, #tpu.memory_space<vmem_shared>>) dst(%arg13 : memref<80x128xf32, #tpu.memory_space<vmem>>)
      %parallel_loop3A_224 = arith.constant 0 : i32
      %parallel_loop3A_225 = arith.constant 80 : i32
      %parallel_loop3A_226 = arith.constant 1 : i32
      scf.for %parallel_loop3A_355 = %parallel_loop3A_224 to %parallel_loop3A_225 step %parallel_loop3A_226  : i32 {
        %parallel_loop3A_356 = arith.index_cast %parallel_loop3A_355 : i32 to index
        %parallel_loop3A_357 = arith.constant 0 : index
        %parallel_loop3A_358 = tpu.vector_load %arg11[%parallel_loop3A_356, %parallel_loop3A_357] {strides = array<i32>} : memref<80x128xf32, #tpu.memory_space<vmem>>, vector<1x16xf32>,
        %parallel_loop3A_359 = vector.shape_cast %parallel_loop3A_358 : vector<1x16xf32> to vector<16xf32>
        %parallel_loop3A_360 = arith.index_cast %parallel_loop3A_355 : i32 to index
        %parallel_loop3A_361 = arith.constant 0 : index
        %parallel_loop3A_362 = tpu.vector_load %arg13[%parallel_loop3A_360, %parallel_loop3A_361] {strides = array<i32>} : memref<80x128xf32, #tpu.memory_space<vmem>>, vector<1x16xf32>,
        %parallel_loop3A_363 = vector.shape_cast %parallel_loop3A_362 : vector<1x16xf32> to vector<16xf32>
        %parallel_loop3A_364 = arith.mulf %parallel_loop3A_359, %parallel_loop3A_363 : vector<16xf32>
        %parallel_loop3A_365 = arith.index_cast %parallel_loop3A_355 : i32 to index
        %parallel_loop3A_366 = arith.constant 0 : index
        %parallel_loop3A_367 = tpu.vector_load %arg11[%parallel_loop3A_365, %parallel_loop3A_366] {strides = array<i32>} : memref<80x128xf32, #tpu.memory_space<vmem>>, vector<1x16xf32>,
        %parallel_loop3A_368 = vector.shape_cast %parallel_loop3A_367 : vector<1x16xf32> to vector<16xf32>
        %parallel_loop3A_369 = vector.shape_cast %parallel_loop3A_364 : vector<16xf32> to vector<1x16xf32>
        tpu.vector_store %arg11[%parallel_loop3A_365, %parallel_loop3A_366], %parallel_loop3A_369 {strides = array<i32>} : memref<80x128xf32, #tpu.memory_space<vmem>>, vector<1x16xf32>,
        %parallel_loop3A_370 = arith.index_cast %parallel_loop3A_355 : i32 to index
        %parallel_loop3A_371 = arith.constant 16 : index
        %parallel_loop3A_372 = tpu.vector_load %arg11[%parallel_loop3A_370, %parallel_loop3A_371] {strides = array<i32>} : memref<80x128xf32, #tpu.memory_space<vmem>>, vector<1x16xf32>,
        %parallel_loop3A_373 = vector.shape_cast %parallel_loop3A_372 : vector<1x16xf32> to vector<16xf32>
        %parallel_loop3A_374 = arith.index_cast %parallel_loop3A_355 : i32 to index
        %parallel_loop3A_375 = arith.constant 16 : index
        %parallel_loop3A_376 = tpu.vector_load %arg13[%parallel_loop3A_374, %parallel_loop3A_375] {strides = array<i32>} : memref<80x128xf32, #tpu.memory_space<vmem>>, vector<1x16xf32>,
        %parallel_loop3A_377 = vector.shape_cast %parallel_loop3A_376 : vector<1x16xf32> to vector<16xf32>
        %parallel_loop3A_378 = arith.mulf %parallel_loop3A_373, %parallel_loop3A_377 : vector<16xf32>
        %parallel_loop3A_379 = arith.index_cast %parallel_loop3A_355 : i32 to index
        %parallel_loop3A_380 = arith.constant 16 : index
        %parallel_loop3A_381 = tpu.vector_load %arg11[%parallel_loop3A_379, %parallel_loop3A_380] {strides = array<i32>} : memref<80x128xf32, #tpu.memory_space<vmem>>, vector<1x16xf32>,
        %parallel_loop3A_382 = vector.shape_cast %parallel_loop3A_381 : vector<1x16xf32> to vector<16xf32>
        %parallel_loop3A_383 = vector.shape_cast %parallel_loop3A_378 : vector<16xf32> to vector<1x16xf32>
        tpu.vector_store %arg11[%parallel_loop3A_379, %parallel_loop3A_380], %parallel_loop3A_383 {strides = array<i32>} : memref<80x128xf32, #tpu.memory_space<vmem>>, vector<1x16xf32>,
        %parallel_loop3A_384 = arith.index_cast %parallel_loop3A_355 : i32 to index
        %parallel_loop3A_385 = arith.constant 32 : index
        %parallel_loop3A_386 = tpu.vector_load %arg11[%parallel_loop3A_384, %parallel_loop3A_385] {strides = array<i32>} : memref<80x128xf32, #tpu.memory_space<vmem>>, vector<1x16xf32>,
        %parallel_loop3A_387 = vector.shape_cast %parallel_loop3A_386 : vector<1x16xf32> to vector<16xf32>
        %parallel_loop3A_388 = arith.index_cast %parallel_loop3A_355 : i32 to index
        %parallel_loop3A_389 = arith.constant 32 : index
        %parallel_loop3A_390 = tpu.vector_load %arg13[%parallel_loop3A_388, %parallel_loop3A_389] {strides = array<i32>} : memref<80x128xf32, #tpu.memory_space<vmem>>, vector<1x16xf32>,
        %parallel_loop3A_391 = vector.shape_cast %parallel_loop3A_390 : vector<1x16xf32> to vector<16xf32>
        %parallel_loop3A_392 = arith.mulf %parallel_loop3A_387, %parallel_loop3A_391 : vector<16xf32>
        %parallel_loop3A_393 = arith.index_cast %parallel_loop3A_355 : i32 to index
        %parallel_loop3A_394 = arith.constant 32 : index
        %parallel_loop3A_395 = tpu.vector_load %arg11[%parallel_loop3A_393, %parallel_loop3A_394] {strides = array<i32>} : memref<80x128xf32, #tpu.memory_space<vmem>>, vector<1x16xf32>,
        %parallel_loop3A_396 = vector.shape_cast %parallel_loop3A_395 : vector<1x16xf32> to vector<16xf32>
        %parallel_loop3A_397 = vector.shape_cast %parallel_loop3A_392 : vector<16xf32> to vector<1x16xf32>
        tpu.vector_store %arg11[%parallel_loop3A_393, %parallel_loop3A_394], %parallel_loop3A_397 {strides = array<i32>} : memref<80x128xf32, #tpu.memory_space<vmem>>, vector<1x16xf32>,
        %parallel_loop3A_398 = arith.index_cast %parallel_loop3A_355 : i32 to index
        %parallel_loop3A_399 = arith.constant 48 : index
        %parallel_loop3A_400 = tpu.vector_load %arg11[%parallel_loop3A_398, %parallel_loop3A_399] {strides = array<i32>} : memref<80x128xf32, #tpu.memory_space<vmem>>, vector<1x16xf32>,
        %parallel_loop3A_401 = vector.shape_cast %parallel_loop3A_400 : vector<1x16xf32> to vector<16xf32>
        %parallel_loop3A_402 = arith.index_cast %parallel_loop3A_355 : i32 to index
        %parallel_loop3A_403 = arith.constant 48 : index
        %parallel_loop3A_404 = tpu.vector_load %arg13[%parallel_loop3A_402, %parallel_loop3A_403] {strides = array<i32>} : memref<80x128xf32, #tpu.memory_space<vmem>>, vector<1x16xf32>,
        %parallel_loop3A_405 = vector.shape_cast %parallel_loop3A_404 : vector<1x16xf32> to vector<16xf32>
        %parallel_loop3A_406 = arith.mulf %parallel_loop3A_401, %parallel_loop3A_405 : vector<16xf32>
        %parallel_loop3A_407 = arith.index_cast %parallel_loop3A_355 : i32 to index
        %parallel_loop3A_408 = arith.constant 48 : index
        %parallel_loop3A_409 = tpu.vector_load %arg11[%parallel_loop3A_407, %parallel_loop3A_408] {strides = array<i32>} : memref<80x128xf32, #tpu.memory_space<vmem>>, vector<1x16xf32>,
        %parallel_loop3A_410 = vector.shape_cast %parallel_loop3A_409 : vector<1x16xf32> to vector<16xf32>
        %parallel_loop3A_411 = vector.shape_cast %parallel_loop3A_406 : vector<16xf32> to vector<1x16xf32>
        tpu.vector_store %arg11[%parallel_loop3A_407, %parallel_loop3A_408], %parallel_loop3A_411 {strides = array<i32>} : memref<80x128xf32, #tpu.memory_space<vmem>>, vector<1x16xf32>,
        %parallel_loop3A_412 = arith.index_cast %parallel_loop3A_355 : i32 to index
        %parallel_loop3A_413 = arith.constant 64 : index
        %parallel_loop3A_414 = tpu.vector_load %arg11[%parallel_loop3A_412, %parallel_loop3A_413] {strides = array<i32>} : memref<80x128xf32, #tpu.memory_space<vmem>>, vector<1x16xf32>,
        %parallel_loop3A_415 = vector.shape_cast %parallel_loop3A_414 : vector<1x16xf32> to vector<16xf32>
        %parallel_loop3A_416 = arith.index_cast %parallel_loop3A_355 : i32 to index
        %parallel_loop3A_417 = arith.constant 64 : index
        %parallel_loop3A_418 = tpu.vector_load %arg13[%parallel_loop3A_416, %parallel_loop3A_417] {strides = array<i32>} : memref<80x128xf32, #tpu.memory_space<vmem>>, vector<1x16xf32>,
        %parallel_loop3A_419 = vector.shape_cast %parallel_loop3A_418 : vector<1x16xf32> to vector<16xf32>
        %parallel_loop3A_420 = arith.mulf %parallel_loop3A_415, %parallel_loop3A_419 : vector<16xf32>
        %parallel_loop3A_421 = arith.index_cast %parallel_loop3A_355 : i32 to index
        %parallel_loop3A_422 = arith.constant 64 : index
        %parallel_loop3A_423 = tpu.vector_load %arg11[%parallel_loop3A_421, %parallel_loop3A_422] {strides = array<i32>} : memref<80x128xf32, #tpu.memory_space<vmem>>, vector<1x16xf32>,
        %parallel_loop3A_424 = vector.shape_cast %parallel_loop3A_423 : vector<1x16xf32> to vector<16xf32>
        %parallel_loop3A_425 = vector.shape_cast %parallel_loop3A_420 : vector<16xf32> to vector<1x16xf32>
        tpu.vector_store %arg11[%parallel_loop3A_421, %parallel_loop3A_422], %parallel_loop3A_425 {strides = array<i32>} : memref<80x128xf32, #tpu.memory_space<vmem>>, vector<1x16xf32>,
        %parallel_loop3A_426 = arith.index_cast %parallel_loop3A_355 : i32 to index
        %parallel_loop3A_427 = arith.constant 80 : index
        %parallel_loop3A_428 = tpu.vector_load %arg11[%parallel_loop3A_426, %parallel_loop3A_427] {strides = array<i32>} : memref<80x128xf32, #tpu.memory_space<vmem>>, vector<1x16xf32>,
        %parallel_loop3A_429 = vector.shape_cast %parallel_loop3A_428 : vector<1x16xf32> to vector<16xf32>
        %parallel_loop3A_430 = arith.index_cast %parallel_loop3A_355 : i32 to index
        %parallel_loop3A_431 = arith.constant 80 : index
        %parallel_loop3A_432 = tpu.vector_load %arg13[%parallel_loop3A_430, %parallel_loop3A_431] {strides = array<i32>} : memref<80x128xf32, #tpu.memory_space<vmem>>, vector<1x16xf32>,
        %parallel_loop3A_433 = vector.shape_cast %parallel_loop3A_432 : vector<1x16xf32> to vector<16xf32>
        %parallel_loop3A_434 = arith.mulf %parallel_loop3A_429, %parallel_loop3A_433 : vector<16xf32>
        %parallel_loop3A_435 = arith.index_cast %parallel_loop3A_355 : i32 to index
        %parallel_loop3A_436 = arith.constant 80 : index
        %parallel_loop3A_437 = tpu.vector_load %arg11[%parallel_loop3A_435, %parallel_loop3A_436] {strides = array<i32>} : memref<80x128xf32, #tpu.memory_space<vmem>>, vector<1x16xf32>,
        %parallel_loop3A_438 = vector.shape_cast %parallel_loop3A_437 : vector<1x16xf32> to vector<16xf32>
        %parallel_loop3A_439 = vector.shape_cast %parallel_loop3A_434 : vector<16xf32> to vector<1x16xf32>
        tpu.vector_store %arg11[%parallel_loop3A_435, %parallel_loop3A_436], %parallel_loop3A_439 {strides = array<i32>} : memref<80x128xf32, #tpu.memory_space<vmem>>, vector<1x16xf32>,
        %parallel_loop3A_440 = arith.index_cast %parallel_loop3A_355 : i32 to index
        %parallel_loop3A_441 = arith.constant 96 : index
        %parallel_loop3A_442 = tpu.vector_load %arg11[%parallel_loop3A_440, %parallel_loop3A_441] {strides = array<i32>} : memref<80x128xf32, #tpu.memory_space<vmem>>, vector<1x16xf32>,
        %parallel_loop3A_443 = vector.shape_cast %parallel_loop3A_442 : vector<1x16xf32> to vector<16xf32>
        %parallel_loop3A_444 = arith.index_cast %parallel_loop3A_355 : i32 to index
        %parallel_loop3A_445 = arith.constant 96 : index
        %parallel_loop3A_446 = tpu.vector_load %arg13[%parallel_loop3A_444, %parallel_loop3A_445] {strides = array<i32>} : memref<80x128xf32, #tpu.memory_space<vmem>>, vector<1x16xf32>,
        %parallel_loop3A_447 = vector.shape_cast %parallel_loop3A_446 : vector<1x16xf32> to vector<16xf32>
        %parallel_loop3A_448 = arith.mulf %parallel_loop3A_443, %parallel_loop3A_447 : vector<16xf32>
        %parallel_loop3A_449 = arith.index_cast %parallel_loop3A_355 : i32 to index
        %parallel_loop3A_450 = arith.constant 96 : index
        %parallel_loop3A_451 = tpu.vector_load %arg11[%parallel_loop3A_449, %parallel_loop3A_450] {strides = array<i32>} : memref<80x128xf32, #tpu.memory_space<vmem>>, vector<1x16xf32>,
        %parallel_loop3A_452 = vector.shape_cast %parallel_loop3A_451 : vector<1x16xf32> to vector<16xf32>
        %parallel_loop3A_453 = vector.shape_cast %parallel_loop3A_448 : vector<16xf32> to vector<1x16xf32>
        tpu.vector_store %arg11[%parallel_loop3A_449, %parallel_loop3A_450], %parallel_loop3A_453 {strides = array<i32>} : memref<80x128xf32, #tpu.memory_space<vmem>>, vector<1x16xf32>,
        %parallel_loop3A_454 = arith.index_cast %parallel_loop3A_355 : i32 to index
        %parallel_loop3A_455 = arith.constant 112 : index
        %parallel_loop3A_456 = tpu.vector_load %arg11[%parallel_loop3A_454, %parallel_loop3A_455] {strides = array<i32>} : memref<80x128xf32, #tpu.memory_space<vmem>>, vector<1x16xf32>,
        %parallel_loop3A_457 = vector.shape_cast %parallel_loop3A_456 : vector<1x16xf32> to vector<16xf32>
        %parallel_loop3A_458 = arith.index_cast %parallel_loop3A_355 : i32 to index
        %parallel_loop3A_459 = arith.constant 112 : index
        %parallel_loop3A_460 = tpu.vector_load %arg13[%parallel_loop3A_458, %parallel_loop3A_459] {strides = array<i32>} : memref<80x128xf32, #tpu.memory_space<vmem>>, vector<1x16xf32>,
        %parallel_loop3A_461 = vector.shape_cast %parallel_loop3A_460 : vector<1x16xf32> to vector<16xf32>
        %parallel_loop3A_462 = arith.mulf %parallel_loop3A_457, %parallel_loop3A_461 : vector<16xf32>
        %parallel_loop3A_463 = arith.index_cast %parallel_loop3A_355 : i32 to index
        %parallel_loop3A_464 = arith.constant 112 : index
        %parallel_loop3A_465 = tpu.vector_load %arg11[%parallel_loop3A_463, %parallel_loop3A_464] {strides = array<i32>} : memref<80x128xf32, #tpu.memory_space<vmem>>, vector<1x16xf32>,
        %parallel_loop3A_466 = vector.shape_cast %parallel_loop3A_465 : vector<1x16xf32> to vector<16xf32>
        %parallel_loop3A_467 = vector.shape_cast %parallel_loop3A_462 : vector<16xf32> to vector<1x16xf32>
        tpu.vector_store %arg11[%parallel_loop3A_463, %parallel_loop3A_464], %parallel_loop3A_467 {strides = array<i32>} : memref<80x128xf32, #tpu.memory_space<vmem>>, vector<1x16xf32>,
      } {sc.loop_unroll_factor = 4 : i64, sc.parallel_access}
      %dma_start3A_227 = arith.constant 2 : i32
      %dma_start3A_228 = arith.constant 0 : i32
      %dma_start3A_229 = tpu.memref_slice %arg7[%dma_start3A_227, %dma_start3A_228] : memref<3x80xi32, #tpu.memory_space<vmem>> -> memref<1x80xi32, #tpu.memory_space<vmem>>
      %dma_start3A_230 = tpu.memref_squeeze %dma_start3A_229 : memref<1x80xi32, #tpu.memory_space<vmem>> -> memref<80xi32, #tpu.memory_space<vmem>>
      %dma_start3A_231 = arith.constant 0 : i32
      %dma_start3A_232 = arith.constant 0 : i32
      %dma_start3A_233 = tpu.memref_slice %arg15[%dma_start3A_231, %dma_start3A_232] : memref<10000x128xf32, #tpu.memory_space<vmem_shared>> -> memref<10000x128xf32, #tpu.memory_space<vmem_shared>>
      tpu.enqueue_indirect_dma source(%arg11 : memref<80x128xf32, #tpu.memory_space<vmem>>) target(%dma_start3A_233 : memref<10000x128xf32, #tpu.memory_space<vmem_shared>>) offsets(%dma_start3A_230 : memref<80xi32, #tpu.memory_space<vmem>>) semaphore(%arg25 : memref<!tpu.dma_semaphore, #tpu.memory_space<semaphore_mem>>) {add = true}
      %add3A_234 = arith.constant 1 : i32
      %add3A_235 = arith.addi %mul3A_194, %add3A_234 : i32
      %add3A_236 = arith.constant 2 : i32
      %add3A_237 = arith.addi %add3A_235, %add3A_236 : i32
      %lt3A_238 = arith.constant 125 : i32
      %lt3A_239 = arith.cmpi slt, %add3A_237, %lt3A_238 : i32
      %convert_element_type3A_240 = arith.extui %lt3A_239 : i1 to i32
      %cond3A_241 = arith.constant 0 : i32
      %cond3A_242 = arith.cmpi ne, %convert_element_type3A_240, %cond3A_241 : i32
      scf.if %cond3A_242 {
        %add3A_355 = arith.constant 2 : i32
        %add3A_356 = arith.addi %add3A_235, %add3A_355 : i32
        %mul3A_357 = arith.constant 80 : i32
        %mul3A_358 = arith.muli %add3A_356, %mul3A_357 : i32
        %add3A_359 = arith.addi %mul3A_35, %mul3A_358 : i32
        %dma_start3A_360 = arith.constant 0 : i32
        %dma_start3A_361 = arith.constant 0 : i32
        %dma_start3A_362 = tpu.memref_slice %arg10[%dma_start3A_360, %dma_start3A_361] : memref<3x80xi32, #tpu.memory_space<vmem>> -> memref<1x80xi32, #tpu.memory_space<vmem>>
        %dma_start3A_363 = tpu.memref_squeeze %dma_start3A_362 : memref<1x80xi32, #tpu.memory_space<vmem>> -> memref<80xi32, #tpu.memory_space<vmem>>
        %dma_start3A_364 = tpu.memref_slice %arg2[%add3A_359] : memref<640000xi32, #tpu.memory_space<hbm>> -> memref<80xi32, #tpu.memory_space<hbm>>
        %dma_start3A_365 = arith.constant 0 : i32
        %dma_start3A_366 = tpu.memref_slice %arg10[%dma_start3A_360, %dma_start3A_365] : memref<3x80xi32, #tpu.memory_space<vmem>> -> memref<1x80xi32, #tpu.memory_space<vmem>>
        %dma_start3A_367 = tpu.memref_squeeze %dma_start3A_366 : memref<1x80xi32, #tpu.memory_space<vmem>> -> memref<80xi32, #tpu.memory_space<vmem>>
        %dma_start3A_368 = tpu.memref_slice %arg2[%add3A_359] : memref<640000xi32, #tpu.memory_space<hbm>> -> memref<80xi32, #tpu.memory_space<hbm>>
        tpu.enqueue_dma source(%dma_start3A_368 : memref<80xi32, #tpu.memory_space<hbm>>) target(%dma_start3A_367 : memref<80xi32, #tpu.memory_space<vmem>>) target_semaphore(%arg20 : memref<!tpu.dma_semaphore, #tpu.memory_space<semaphore_mem>>)
        %dma_start3A_369 = arith.constant 1 : i32
        %dma_start3A_370 = arith.constant 0 : i32
        %dma_start3A_371 = tpu.memref_slice %arg10[%dma_start3A_369, %dma_start3A_370] : memref<3x80xi32, #tpu.memory_space<vmem>> -> memref<1x80xi32, #tpu.memory_space<vmem>>
        %dma_start3A_372 = tpu.memref_squeeze %dma_start3A_371 : memref<1x80xi32, #tpu.memory_space<vmem>> -> memref<80xi32, #tpu.memory_space<vmem>>
        %dma_start3A_373 = tpu.memref_slice %arg3[%add3A_359] : memref<320000xi32, #tpu.memory_space<hbm>> -> memref<80xi32, #tpu.memory_space<hbm>>
        %dma_start3A_374 = arith.constant 0 : i32
        %dma_start3A_375 = tpu.memref_slice %arg10[%dma_start3A_369, %dma_start3A_374] : memref<3x80xi32, #tpu.memory_space<vmem>> -> memref<1x80xi32, #tpu.memory_space<vmem>>
        %dma_start3A_376 = tpu.memref_squeeze %dma_start3A_375 : memref<1x80xi32, #tpu.memory_space<vmem>> -> memref<80xi32, #tpu.memory_space<vmem>>
        %dma_start3A_377 = tpu.memref_slice %arg3[%add3A_359] : memref<320000xi32, #tpu.memory_space<hbm>> -> memref<80xi32, #tpu.memory_space<hbm>>
        tpu.enqueue_dma source(%dma_start3A_377 : memref<80xi32, #tpu.memory_space<hbm>>) target(%dma_start3A_376 : memref<80xi32, #tpu.memory_space<vmem>>) target_semaphore(%arg20 : memref<!tpu.dma_semaphore, #tpu.memory_space<semaphore_mem>>)
        %add3A_378 = arith.constant 320000 : i32
        %add3A_379 = arith.addi %add3A_378, %add3A_359 : i32
        %dma_start3A_380 = arith.constant 2 : i32
        %dma_start3A_381 = arith.constant 0 : i32
        %dma_start3A_382 = tpu.memref_slice %arg10[%dma_start3A_380, %dma_start3A_381] : memref<3x80xi32, #tpu.memory_space<vmem>> -> memref<1x80xi32, #tpu.memory_space<vmem>>
        %dma_start3A_383 = tpu.memref_squeeze %dma_start3A_382 : memref<1x80xi32, #tpu.memory_space<vmem>> -> memref<80xi32, #tpu.memory_space<vmem>>
        %dma_start3A_384 = tpu.memref_slice %arg2[%add3A_379] : memref<640000xi32, #tpu.memory_space<hbm>> -> memref<80xi32, #tpu.memory_space<hbm>>
        %dma_start3A_385 = arith.constant 0 : i32
        %dma_start3A_386 = tpu.memref_slice %arg10[%dma_start3A_380, %dma_start3A_385] : memref<3x80xi32, #tpu.memory_space<vmem>> -> memref<1x80xi32, #tpu.memory_space<vmem>>
        %dma_start3A_387 = tpu.memref_squeeze %dma_start3A_386 : memref<1x80xi32, #tpu.memory_space<vmem>> -> memref<80xi32, #tpu.memory_space<vmem>>
        %dma_start3A_388 = tpu.memref_slice %arg2[%add3A_379] : memref<640000xi32, #tpu.memory_space<hbm>> -> memref<80xi32, #tpu.memory_space<hbm>>
        tpu.enqueue_dma source(%dma_start3A_388 : memref<80xi32, #tpu.memory_space<hbm>>) target(%dma_start3A_387 : memref<80xi32, #tpu.memory_space<vmem>>) target_semaphore(%arg20 : memref<!tpu.dma_semaphore, #tpu.memory_space<semaphore_mem>>)
      } else {
      }
      %add3A_243 = arith.constant 1 : i32
      %add3A_244 = arith.addi %add3A_235, %add3A_243 : i32
      %lt3A_245 = arith.constant 125 : i32
      %lt3A_246 = arith.cmpi slt, %add3A_244, %lt3A_245 : i32
      %convert_element_type3A_247 = arith.extui %lt3A_246 : i1 to i32
      %cond3A_248 = arith.constant 0 : i32
      %cond3A_249 = arith.cmpi ne, %convert_element_type3A_247, %cond3A_248 : i32
      scf.if %cond3A_249 {
        %add3A_355 = arith.constant 1 : i32
        %add3A_356 = arith.addi %add3A_235, %add3A_355 : i32
        %mul3A_357 = arith.constant 80 : i32
        %mul3A_358 = arith.muli %add3A_356, %mul3A_357 : i32
        %add3A_359 = arith.addi %mul3A_35, %mul3A_358 : i32
        %dma_wait3A_360 = arith.constant 0 : i32
        %dma_wait3A_361 = arith.constant 0 : i32
        %dma_wait3A_362 = tpu.memref_slice %arg9[%dma_wait3A_360, %dma_wait3A_361] : memref<3x80xi32, #tpu.memory_space<vmem>> -> memref<1x80xi32, #tpu.memory_space<vmem>>
        %dma_wait3A_363 = tpu.memref_squeeze %dma_wait3A_362 : memref<1x80xi32, #tpu.memory_space<vmem>> -> memref<80xi32, #tpu.memory_space<vmem>>
        %dma_wait3A_364 = tpu.memref_slice %arg2[%add3A_359] : memref<640000xi32, #tpu.memory_space<hbm>> -> memref<80xi32, #tpu.memory_space<hbm>>
        %dma_wait3A_365 = arith.constant 0 : i32
        %dma_wait3A_366 = tpu.memref_slice %arg9[%dma_wait3A_360, %dma_wait3A_365] : memref<3x80xi32, #tpu.memory_space<vmem>> -> memref<1x80xi32, #tpu.memory_space<vmem>>
        %dma_wait3A_367 = tpu.memref_squeeze %dma_wait3A_366 : memref<1x80xi32, #tpu.memory_space<vmem>> -> memref<80xi32, #tpu.memory_space<vmem>>
        %dma_wait3A_368 = tpu.memref_slice %arg2[%add3A_359] : memref<640000xi32, #tpu.memory_space<hbm>> -> memref<80xi32, #tpu.memory_space<hbm>>
        tpu.wait_dma2 semaphore(%arg19 : memref<!tpu.dma_semaphore, #tpu.memory_space<semaphore_mem>>) src(%dma_wait3A_368 : memref<80xi32, #tpu.memory_space<hbm>>) dst(%dma_wait3A_367 : memref<80xi32, #tpu.memory_space<vmem>>)
        %dma_wait3A_369 = arith.constant 1 : i32
        %dma_wait3A_370 = arith.constant 0 : i32
        %dma_wait3A_371 = tpu.memref_slice %arg9[%dma_wait3A_369, %dma_wait3A_370] : memref<3x80xi32, #tpu.memory_space<vmem>> -> memref<1x80xi32, #tpu.memory_space<vmem>>
        %dma_wait3A_372 = tpu.memref_squeeze %dma_wait3A_371 : memref<1x80xi32, #tpu.memory_space<vmem>> -> memref<80xi32, #tpu.memory_space<vmem>>
        %dma_wait3A_373 = tpu.memref_slice %arg3[%add3A_359] : memref<320000xi32, #tpu.memory_space<hbm>> -> memref<80xi32, #tpu.memory_space<hbm>>
        %dma_wait3A_374 = arith.constant 0 : i32
        %dma_wait3A_375 = tpu.memref_slice %arg9[%dma_wait3A_369, %dma_wait3A_374] : memref<3x80xi32, #tpu.memory_space<vmem>> -> memref<1x80xi32, #tpu.memory_space<vmem>>
        %dma_wait3A_376 = tpu.memref_squeeze %dma_wait3A_375 : memref<1x80xi32, #tpu.memory_space<vmem>> -> memref<80xi32, #tpu.memory_space<vmem>>
        %dma_wait3A_377 = tpu.memref_slice %arg3[%add3A_359] : memref<320000xi32, #tpu.memory_space<hbm>> -> memref<80xi32, #tpu.memory_space<hbm>>
        tpu.wait_dma2 semaphore(%arg19 : memref<!tpu.dma_semaphore, #tpu.memory_space<semaphore_mem>>) src(%dma_wait3A_377 : memref<80xi32, #tpu.memory_space<hbm>>) dst(%dma_wait3A_376 : memref<80xi32, #tpu.memory_space<vmem>>)
        %add3A_378 = arith.constant 320000 : i32
        %add3A_379 = arith.addi %add3A_378, %add3A_359 : i32
        %dma_wait3A_380 = arith.constant 2 : i32
        %dma_wait3A_381 = arith.constant 0 : i32
        %dma_wait3A_382 = tpu.memref_slice %arg9[%dma_wait3A_380, %dma_wait3A_381] : memref<3x80xi32, #tpu.memory_space<vmem>> -> memref<1x80xi32, #tpu.memory_space<vmem>>
        %dma_wait3A_383 = tpu.memref_squeeze %dma_wait3A_382 : memref<1x80xi32, #tpu.memory_space<vmem>> -> memref<80xi32, #tpu.memory_space<vmem>>
        %dma_wait3A_384 = tpu.memref_slice %arg2[%add3A_379] : memref<640000xi32, #tpu.memory_space<hbm>> -> memref<80xi32, #tpu.memory_space<hbm>>
        %dma_wait3A_385 = arith.constant 0 : i32
        %dma_wait3A_386 = tpu.memref_slice %arg9[%dma_wait3A_380, %dma_wait3A_385] : memref<3x80xi32, #tpu.memory_space<vmem>> -> memref<1x80xi32, #tpu.memory_space<vmem>>
        %dma_wait3A_387 = tpu.memref_squeeze %dma_wait3A_386 : memref<1x80xi32, #tpu.memory_space<vmem>> -> memref<80xi32, #tpu.memory_space<vmem>>
        %dma_wait3A_388 = tpu.memref_slice %arg2[%add3A_379] : memref<640000xi32, #tpu.memory_space<hbm>> -> memref<80xi32, #tpu.memory_space<hbm>>
        tpu.wait_dma2 semaphore(%arg19 : memref<!tpu.dma_semaphore, #tpu.memory_space<semaphore_mem>>) src(%dma_wait3A_388 : memref<80xi32, #tpu.memory_space<hbm>>) dst(%dma_wait3A_387 : memref<80xi32, #tpu.memory_space<vmem>>)
        %ge3A = arith.constant 1 : i32
        %ge3A_389 = arith.cmpi sge, %add3A_235, %ge3A : i32
        %convert_element_type3A_390 = arith.extui %ge3A_389 : i1 to i32
        %cond3A_391 = arith.constant 0 : i32
        %cond3A_392 = arith.cmpi ne, %convert_element_type3A_390, %cond3A_391 : i32
        scf.if %cond3A_392 {
          %dma_wait3A_407 = arith.constant 2 : i32
          %dma_wait3A_408 = arith.constant 0 : i32
          %dma_wait3A_409 = tpu.memref_slice %arg9[%dma_wait3A_407, %dma_wait3A_408] : memref<3x80xi32, #tpu.memory_space<vmem>> -> memref<1x80xi32, #tpu.memory_space<vmem>>
          %dma_wait3A_410 = tpu.memref_squeeze %dma_wait3A_409 : memref<1x80xi32, #tpu.memory_space<vmem>> -> memref<80xi32, #tpu.memory_space<vmem>>
          %dma_wait3A_411 = arith.constant 0 : i32
          %dma_wait3A_412 = arith.constant 0 : i32
          %dma_wait3A_413 = tpu.memref_slice %arg15[%dma_wait3A_411, %dma_wait3A_412] : memref<10000x128xf32, #tpu.memory_space<vmem_shared>> -> memref<10000x128xf32, #tpu.memory_space<vmem_shared>>
          tpu.wait_indirect_dma semaphore(%arg25 : memref<!tpu.dma_semaphore, #tpu.memory_space<semaphore_mem>>) src(%arg11 : memref<80x128xf32, #tpu.memory_space<vmem>>) dst(%dma_wait3A_413 : memref<10000x128xf32, #tpu.memory_space<vmem_shared>>)
        } else {
        }
        %dma_start3A_393 = arith.constant 0 : i32
        %dma_start3A_394 = arith.constant 0 : i32
        %dma_start3A_395 = tpu.memref_slice %arg9[%dma_start3A_393, %dma_start3A_394] : memref<3x80xi32, #tpu.memory_space<vmem>> -> memref<1x80xi32, #tpu.memory_space<vmem>>
        %dma_start3A_396 = tpu.memref_squeeze %dma_start3A_395 : memref<1x80xi32, #tpu.memory_space<vmem>> -> memref<80xi32, #tpu.memory_space<vmem>>
        %dma_start3A_397 = arith.constant 0 : i32
        %dma_start3A_398 = arith.constant 0 : i32
        %dma_start3A_399 = tpu.memref_slice %arg4[%dma_start3A_397, %dma_start3A_398] : memref<10000x128xf32, #tpu.memory_space<hbm>> -> memref<10000x128xf32, #tpu.memory_space<hbm>>
        tpu.enqueue_indirect_dma source(%dma_start3A_399 : memref<10000x128xf32, #tpu.memory_space<hbm>>) target(%arg11 : memref<80x128xf32, #tpu.memory_space<vmem>>) offsets(%dma_start3A_396 : memref<80xi32, #tpu.memory_space<vmem>>) semaphore(%arg21 : memref<!tpu.dma_semaphore, #tpu.memory_space<semaphore_mem>>)
        %dma_start3A_400 = arith.constant 1 : i32
        %dma_start3A_401 = arith.constant 0 : i32
        %dma_start3A_402 = tpu.memref_slice %arg9[%dma_start3A_400, %dma_start3A_401] : memref<3x80xi32, #tpu.memory_space<vmem>> -> memref<1x80xi32, #tpu.memory_space<vmem>>
        %dma_start3A_403 = tpu.memref_squeeze %dma_start3A_402 : memref<1x80xi32, #tpu.memory_space<vmem>> -> memref<80xi32, #tpu.memory_space<vmem>>
        %dma_start3A_404 = arith.constant 0 : i32
        %dma_start3A_405 = arith.constant 0 : i32
        %dma_start3A_406 = tpu.memref_slice %arg16[%dma_start3A_404, %dma_start3A_405] : memref<400x128xf32, #tpu.memory_space<vmem_shared>> -> memref<400x128xf32, #tpu.memory_space<vmem_shared>>
        tpu.enqueue_indirect_dma source(%dma_start3A_406 : memref<400x128xf32, #tpu.memory_space<vmem_shared>>) target(%arg13 : memref<80x128xf32, #tpu.memory_space<vmem>>) offsets(%dma_start3A_403 : memref<80xi32, #tpu.memory_space<vmem>>) semaphore(%arg23 : memref<!tpu.dma_semaphore, #tpu.memory_space<semaphore_mem>>)
      } else {
      }
      %dma_wait3A_250 = arith.constant 0 : i32
      %dma_wait3A_251 = arith.constant 0 : i32
      %dma_wait3A_252 = tpu.memref_slice %arg8[%dma_wait3A_250, %dma_wait3A_251] : memref<3x80xi32, #tpu.memory_space<vmem>> -> memref<1x80xi32, #tpu.memory_space<vmem>>
      %dma_wait3A_253 = tpu.memref_squeeze %dma_wait3A_252 : memref<1x80xi32, #tpu.memory_space<vmem>> -> memref<80xi32, #tpu.memory_space<vmem>>
      %dma_wait3A_254 = arith.constant 0 : i32
      %dma_wait3A_255 = arith.constant 0 : i32
      %dma_wait3A_256 = tpu.memref_slice %arg4[%dma_wait3A_254, %dma_wait3A_255] : memref<10000x128xf32, #tpu.memory_space<hbm>> -> memref<10000x128xf32, #tpu.memory_space<hbm>>
      tpu.wait_indirect_dma semaphore(%arg22 : memref<!tpu.dma_semaphore, #tpu.memory_space<semaphore_mem>>) src(%dma_wait3A_256 : memref<10000x128xf32, #tpu.memory_space<hbm>>) dst(%arg12 : memref<80x128xf32, #tpu.memory_space<vmem>>)
      %dma_wait3A_257 = arith.constant 1 : i32
      %dma_wait3A_258 = arith.constant 0 : i32
      %dma_wait3A_259 = tpu.memref_slice %arg8[%dma_wait3A_257, %dma_wait3A_258] : memref<3x80xi32, #tpu.memory_space<vmem>> -> memref<1x80xi32, #tpu.memory_space<vmem>>
      %dma_wait3A_260 = tpu.memref_squeeze %dma_wait3A_259 : memref<1x80xi32, #tpu.memory_space<vmem>> -> memref<80xi32, #tpu.memory_space<vmem>>
      %dma_wait3A_261 = arith.constant 0 : i32
      %dma_wait3A_262 = arith.constant 0 : i32
      %dma_wait3A_263 = tpu.memref_slice %arg16[%dma_wait3A_261, %dma_wait3A_262] : memref<400x128xf32, #tpu.memory_space<vmem_shared>> -> memref<400x128xf32, #tpu.memory_space<vmem_shared>>
      tpu.wait_indirect_dma semaphore(%arg24 : memref<!tpu.dma_semaphore, #tpu.memory_space<semaphore_mem>>) src(%dma_wait3A_263 : memref<400x128xf32, #tpu.memory_space<vmem_shared>>) dst(%arg14 : memref<80x128xf32, #tpu.memory_space<vmem>>)
      %parallel_loop3A_264 = arith.constant 0 : i32
      %parallel_loop3A_265 = arith.constant 80 : i32
      %parallel_loop3A_266 = arith.constant 1 : i32
      scf.for %parallel_loop3A_355 = %parallel_loop3A_264 to %parallel_loop3A_265 step %parallel_loop3A_266  : i32 {
        %parallel_loop3A_356 = arith.index_cast %parallel_loop3A_355 : i32 to index
        %parallel_loop3A_357 = arith.constant 0 : index
        %parallel_loop3A_358 = tpu.vector_load %arg12[%parallel_loop3A_356, %parallel_loop3A_357] {strides = array<i32>} : memref<80x128xf32, #tpu.memory_space<vmem>>, vector<1x16xf32>,
        %parallel_loop3A_359 = vector.shape_cast %parallel_loop3A_358 : vector<1x16xf32> to vector<16xf32>
        %parallel_loop3A_360 = arith.index_cast %parallel_loop3A_355 : i32 to index
        %parallel_loop3A_361 = arith.constant 0 : index
        %parallel_loop3A_362 = tpu.vector_load %arg14[%parallel_loop3A_360, %parallel_loop3A_361] {strides = array<i32>} : memref<80x128xf32, #tpu.memory_space<vmem>>, vector<1x16xf32>,
        %parallel_loop3A_363 = vector.shape_cast %parallel_loop3A_362 : vector<1x16xf32> to vector<16xf32>
        %parallel_loop3A_364 = arith.mulf %parallel_loop3A_359, %parallel_loop3A_363 : vector<16xf32>
        %parallel_loop3A_365 = arith.index_cast %parallel_loop3A_355 : i32 to index
        %parallel_loop3A_366 = arith.constant 0 : index
        %parallel_loop3A_367 = tpu.vector_load %arg12[%parallel_loop3A_365, %parallel_loop3A_366] {strides = array<i32>} : memref<80x128xf32, #tpu.memory_space<vmem>>, vector<1x16xf32>,
        %parallel_loop3A_368 = vector.shape_cast %parallel_loop3A_367 : vector<1x16xf32> to vector<16xf32>
        %parallel_loop3A_369 = vector.shape_cast %parallel_loop3A_364 : vector<16xf32> to vector<1x16xf32>
        tpu.vector_store %arg12[%parallel_loop3A_365, %parallel_loop3A_366], %parallel_loop3A_369 {strides = array<i32>} : memref<80x128xf32, #tpu.memory_space<vmem>>, vector<1x16xf32>,
        %parallel_loop3A_370 = arith.index_cast %parallel_loop3A_355 : i32 to index
        %parallel_loop3A_371 = arith.constant 16 : index
        %parallel_loop3A_372 = tpu.vector_load %arg12[%parallel_loop3A_370, %parallel_loop3A_371] {strides = array<i32>} : memref<80x128xf32, #tpu.memory_space<vmem>>, vector<1x16xf32>,
        %parallel_loop3A_373 = vector.shape_cast %parallel_loop3A_372 : vector<1x16xf32> to vector<16xf32>
        %parallel_loop3A_374 = arith.index_cast %parallel_loop3A_355 : i32 to index
        %parallel_loop3A_375 = arith.constant 16 : index
        %parallel_loop3A_376 = tpu.vector_load %arg14[%parallel_loop3A_374, %parallel_loop3A_375] {strides = array<i32>} : memref<80x128xf32, #tpu.memory_space<vmem>>, vector<1x16xf32>,
        %parallel_loop3A_377 = vector.shape_cast %parallel_loop3A_376 : vector<1x16xf32> to vector<16xf32>
        %parallel_loop3A_378 = arith.mulf %parallel_loop3A_373, %parallel_loop3A_377 : vector<16xf32>
        %parallel_loop3A_379 = arith.index_cast %parallel_loop3A_355 : i32 to index
        %parallel_loop3A_380 = arith.constant 16 : index
        %parallel_loop3A_381 = tpu.vector_load %arg12[%parallel_loop3A_379, %parallel_loop3A_380] {strides = array<i32>} : memref<80x128xf32, #tpu.memory_space<vmem>>, vector<1x16xf32>,
        %parallel_loop3A_382 = vector.shape_cast %parallel_loop3A_381 : vector<1x16xf32> to vector<16xf32>
        %parallel_loop3A_383 = vector.shape_cast %parallel_loop3A_378 : vector<16xf32> to vector<1x16xf32>
        tpu.vector_store %arg12[%parallel_loop3A_379, %parallel_loop3A_380], %parallel_loop3A_383 {strides = array<i32>} : memref<80x128xf32, #tpu.memory_space<vmem>>, vector<1x16xf32>,
        %parallel_loop3A_384 = arith.index_cast %parallel_loop3A_355 : i32 to index
        %parallel_loop3A_385 = arith.constant 32 : index
        %parallel_loop3A_386 = tpu.vector_load %arg12[%parallel_loop3A_384, %parallel_loop3A_385] {strides = array<i32>} : memref<80x128xf32, #tpu.memory_space<vmem>>, vector<1x16xf32>,
        %parallel_loop3A_387 = vector.shape_cast %parallel_loop3A_386 : vector<1x16xf32> to vector<16xf32>
        %parallel_loop3A_388 = arith.index_cast %parallel_loop3A_355 : i32 to index
        %parallel_loop3A_389 = arith.constant 32 : index
        %parallel_loop3A_390 = tpu.vector_load %arg14[%parallel_loop3A_388, %parallel_loop3A_389] {strides = array<i32>} : memref<80x128xf32, #tpu.memory_space<vmem>>, vector<1x16xf32>,
        %parallel_loop3A_391 = vector.shape_cast %parallel_loop3A_390 : vector<1x16xf32> to vector<16xf32>
        %parallel_loop3A_392 = arith.mulf %parallel_loop3A_387, %parallel_loop3A_391 : vector<16xf32>
        %parallel_loop3A_393 = arith.index_cast %parallel_loop3A_355 : i32 to index
        %parallel_loop3A_394 = arith.constant 32 : index
        %parallel_loop3A_395 = tpu.vector_load %arg12[%parallel_loop3A_393, %parallel_loop3A_394] {strides = array<i32>} : memref<80x128xf32, #tpu.memory_space<vmem>>, vector<1x16xf32>,
        %parallel_loop3A_396 = vector.shape_cast %parallel_loop3A_395 : vector<1x16xf32> to vector<16xf32>
        %parallel_loop3A_397 = vector.shape_cast %parallel_loop3A_392 : vector<16xf32> to vector<1x16xf32>
        tpu.vector_store %arg12[%parallel_loop3A_393, %parallel_loop3A_394], %parallel_loop3A_397 {strides = array<i32>} : memref<80x128xf32, #tpu.memory_space<vmem>>, vector<1x16xf32>,
        %parallel_loop3A_398 = arith.index_cast %parallel_loop3A_355 : i32 to index
        %parallel_loop3A_399 = arith.constant 48 : index
        %parallel_loop3A_400 = tpu.vector_load %arg12[%parallel_loop3A_398, %parallel_loop3A_399] {strides = array<i32>} : memref<80x128xf32, #tpu.memory_space<vmem>>, vector<1x16xf32>,
        %parallel_loop3A_401 = vector.shape_cast %parallel_loop3A_400 : vector<1x16xf32> to vector<16xf32>
        %parallel_loop3A_402 = arith.index_cast %parallel_loop3A_355 : i32 to index
        %parallel_loop3A_403 = arith.constant 48 : index
        %parallel_loop3A_404 = tpu.vector_load %arg14[%parallel_loop3A_402, %parallel_loop3A_403] {strides = array<i32>} : memref<80x128xf32, #tpu.memory_space<vmem>>, vector<1x16xf32>,
        %parallel_loop3A_405 = vector.shape_cast %parallel_loop3A_404 : vector<1x16xf32> to vector<16xf32>
        %parallel_loop3A_406 = arith.mulf %parallel_loop3A_401, %parallel_loop3A_405 : vector<16xf32>
        %parallel_loop3A_407 = arith.index_cast %parallel_loop3A_355 : i32 to index
        %parallel_loop3A_408 = arith.constant 48 : index
        %parallel_loop3A_409 = tpu.vector_load %arg12[%parallel_loop3A_407, %parallel_loop3A_408] {strides = array<i32>} : memref<80x128xf32, #tpu.memory_space<vmem>>, vector<1x16xf32>,
        %parallel_loop3A_410 = vector.shape_cast %parallel_loop3A_409 : vector<1x16xf32> to vector<16xf32>
        %parallel_loop3A_411 = vector.shape_cast %parallel_loop3A_406 : vector<16xf32> to vector<1x16xf32>
        tpu.vector_store %arg12[%parallel_loop3A_407, %parallel_loop3A_408], %parallel_loop3A_411 {strides = array<i32>} : memref<80x128xf32, #tpu.memory_space<vmem>>, vector<1x16xf32>,
        %parallel_loop3A_412 = arith.index_cast %parallel_loop3A_355 : i32 to index
        %parallel_loop3A_413 = arith.constant 64 : index
        %parallel_loop3A_414 = tpu.vector_load %arg12[%parallel_loop3A_412, %parallel_loop3A_413] {strides = array<i32>} : memref<80x128xf32, #tpu.memory_space<vmem>>, vector<1x16xf32>,
        %parallel_loop3A_415 = vector.shape_cast %parallel_loop3A_414 : vector<1x16xf32> to vector<16xf32>
        %parallel_loop3A_416 = arith.index_cast %parallel_loop3A_355 : i32 to index
        %parallel_loop3A_417 = arith.constant 64 : index
        %parallel_loop3A_418 = tpu.vector_load %arg14[%parallel_loop3A_416, %parallel_loop3A_417] {strides = array<i32>} : memref<80x128xf32, #tpu.memory_space<vmem>>, vector<1x16xf32>,
        %parallel_loop3A_419 = vector.shape_cast %parallel_loop3A_418 : vector<1x16xf32> to vector<16xf32>
        %parallel_loop3A_420 = arith.mulf %parallel_loop3A_415, %parallel_loop3A_419 : vector<16xf32>
        %parallel_loop3A_421 = arith.index_cast %parallel_loop3A_355 : i32 to index
        %parallel_loop3A_422 = arith.constant 64 : index
        %parallel_loop3A_423 = tpu.vector_load %arg12[%parallel_loop3A_421, %parallel_loop3A_422] {strides = array<i32>} : memref<80x128xf32, #tpu.memory_space<vmem>>, vector<1x16xf32>,
        %parallel_loop3A_424 = vector.shape_cast %parallel_loop3A_423 : vector<1x16xf32> to vector<16xf32>
        %parallel_loop3A_425 = vector.shape_cast %parallel_loop3A_420 : vector<16xf32> to vector<1x16xf32>
        tpu.vector_store %arg12[%parallel_loop3A_421, %parallel_loop3A_422], %parallel_loop3A_425 {strides = array<i32>} : memref<80x128xf32, #tpu.memory_space<vmem>>, vector<1x16xf32>,
        %parallel_loop3A_426 = arith.index_cast %parallel_loop3A_355 : i32 to index
        %parallel_loop3A_427 = arith.constant 80 : index
        %parallel_loop3A_428 = tpu.vector_load %arg12[%parallel_loop3A_426, %parallel_loop3A_427] {strides = array<i32>} : memref<80x128xf32, #tpu.memory_space<vmem>>, vector<1x16xf32>,
        %parallel_loop3A_429 = vector.shape_cast %parallel_loop3A_428 : vector<1x16xf32> to vector<16xf32>
        %parallel_loop3A_430 = arith.index_cast %parallel_loop3A_355 : i32 to index
        %parallel_loop3A_431 = arith.constant 80 : index
        %parallel_loop3A_432 = tpu.vector_load %arg14[%parallel_loop3A_430, %parallel_loop3A_431] {strides = array<i32>} : memref<80x128xf32, #tpu.memory_space<vmem>>, vector<1x16xf32>,
        %parallel_loop3A_433 = vector.shape_cast %parallel_loop3A_432 : vector<1x16xf32> to vector<16xf32>
        %parallel_loop3A_434 = arith.mulf %parallel_loop3A_429, %parallel_loop3A_433 : vector<16xf32>
        %parallel_loop3A_435 = arith.index_cast %parallel_loop3A_355 : i32 to index
        %parallel_loop3A_436 = arith.constant 80 : index
        %parallel_loop3A_437 = tpu.vector_load %arg12[%parallel_loop3A_435, %parallel_loop3A_436] {strides = array<i32>} : memref<80x128xf32, #tpu.memory_space<vmem>>, vector<1x16xf32>,
        %parallel_loop3A_438 = vector.shape_cast %parallel_loop3A_437 : vector<1x16xf32> to vector<16xf32>
        %parallel_loop3A_439 = vector.shape_cast %parallel_loop3A_434 : vector<16xf32> to vector<1x16xf32>
        tpu.vector_store %arg12[%parallel_loop3A_435, %parallel_loop3A_436], %parallel_loop3A_439 {strides = array<i32>} : memref<80x128xf32, #tpu.memory_space<vmem>>, vector<1x16xf32>,
        %parallel_loop3A_440 = arith.index_cast %parallel_loop3A_355 : i32 to index
        %parallel_loop3A_441 = arith.constant 96 : index
        %parallel_loop3A_442 = tpu.vector_load %arg12[%parallel_loop3A_440, %parallel_loop3A_441] {strides = array<i32>} : memref<80x128xf32, #tpu.memory_space<vmem>>, vector<1x16xf32>,
        %parallel_loop3A_443 = vector.shape_cast %parallel_loop3A_442 : vector<1x16xf32> to vector<16xf32>
        %parallel_loop3A_444 = arith.index_cast %parallel_loop3A_355 : i32 to index
        %parallel_loop3A_445 = arith.constant 96 : index
        %parallel_loop3A_446 = tpu.vector_load %arg14[%parallel_loop3A_444, %parallel_loop3A_445] {strides = array<i32>} : memref<80x128xf32, #tpu.memory_space<vmem>>, vector<1x16xf32>,
        %parallel_loop3A_447 = vector.shape_cast %parallel_loop3A_446 : vector<1x16xf32> to vector<16xf32>
        %parallel_loop3A_448 = arith.mulf %parallel_loop3A_443, %parallel_loop3A_447 : vector<16xf32>
        %parallel_loop3A_449 = arith.index_cast %parallel_loop3A_355 : i32 to index
        %parallel_loop3A_450 = arith.constant 96 : index
        %parallel_loop3A_451 = tpu.vector_load %arg12[%parallel_loop3A_449, %parallel_loop3A_450] {strides = array<i32>} : memref<80x128xf32, #tpu.memory_space<vmem>>, vector<1x16xf32>,
        %parallel_loop3A_452 = vector.shape_cast %parallel_loop3A_451 : vector<1x16xf32> to vector<16xf32>
        %parallel_loop3A_453 = vector.shape_cast %parallel_loop3A_448 : vector<16xf32> to vector<1x16xf32>
        tpu.vector_store %arg12[%parallel_loop3A_449, %parallel_loop3A_450], %parallel_loop3A_453 {strides = array<i32>} : memref<80x128xf32, #tpu.memory_space<vmem>>, vector<1x16xf32>,
        %parallel_loop3A_454 = arith.index_cast %parallel_loop3A_355 : i32 to index
        %parallel_loop3A_455 = arith.constant 112 : index
        %parallel_loop3A_456 = tpu.vector_load %arg12[%parallel_loop3A_454, %parallel_loop3A_455] {strides = array<i32>} : memref<80x128xf32, #tpu.memory_space<vmem>>, vector<1x16xf32>,
        %parallel_loop3A_457 = vector.shape_cast %parallel_loop3A_456 : vector<1x16xf32> to vector<16xf32>
        %parallel_loop3A_458 = arith.index_cast %parallel_loop3A_355 : i32 to index
        %parallel_loop3A_459 = arith.constant 112 : index
        %parallel_loop3A_460 = tpu.vector_load %arg14[%parallel_loop3A_458, %parallel_loop3A_459] {strides = array<i32>} : memref<80x128xf32, #tpu.memory_space<vmem>>, vector<1x16xf32>,
        %parallel_loop3A_461 = vector.shape_cast %parallel_loop3A_460 : vector<1x16xf32> to vector<16xf32>
        %parallel_loop3A_462 = arith.mulf %parallel_loop3A_457, %parallel_loop3A_461 : vector<16xf32>
        %parallel_loop3A_463 = arith.index_cast %parallel_loop3A_355 : i32 to index
        %parallel_loop3A_464 = arith.constant 112 : index
        %parallel_loop3A_465 = tpu.vector_load %arg12[%parallel_loop3A_463, %parallel_loop3A_464] {strides = array<i32>} : memref<80x128xf32, #tpu.memory_space<vmem>>, vector<1x16xf32>,
        %parallel_loop3A_466 = vector.shape_cast %parallel_loop3A_465 : vector<1x16xf32> to vector<16xf32>
        %parallel_loop3A_467 = vector.shape_cast %parallel_loop3A_462 : vector<16xf32> to vector<1x16xf32>
        tpu.vector_store %arg12[%parallel_loop3A_463, %parallel_loop3A_464], %parallel_loop3A_467 {strides = array<i32>} : memref<80x128xf32, #tpu.memory_space<vmem>>, vector<1x16xf32>,
      } {sc.loop_unroll_factor = 4 : i64, sc.parallel_access}
      %dma_start3A_267 = arith.constant 2 : i32
      %dma_start3A_268 = arith.constant 0 : i32
      %dma_start3A_269 = tpu.memref_slice %arg8[%dma_start3A_267, %dma_start3A_268] : memref<3x80xi32, #tpu.memory_space<vmem>> -> memref<1x80xi32, #tpu.memory_space<vmem>>
      %dma_start3A_270 = tpu.memref_squeeze %dma_start3A_269 : memref<1x80xi32, #tpu.memory_space<vmem>> -> memref<80xi32, #tpu.memory_space<vmem>>
      %dma_start3A_271 = arith.constant 0 : i32
      %dma_start3A_272 = arith.constant 0 : i32
      %dma_start3A_273 = tpu.memref_slice %arg15[%dma_start3A_271, %dma_start3A_272] : memref<10000x128xf32, #tpu.memory_space<vmem_shared>> -> memref<10000x128xf32, #tpu.memory_space<vmem_shared>>
      tpu.enqueue_indirect_dma source(%arg12 : memref<80x128xf32, #tpu.memory_space<vmem>>) target(%dma_start3A_273 : memref<10000x128xf32, #tpu.memory_space<vmem_shared>>) offsets(%dma_start3A_270 : memref<80xi32, #tpu.memory_space<vmem>>) semaphore(%arg26 : memref<!tpu.dma_semaphore, #tpu.memory_space<semaphore_mem>>) {add = true}
      %add3A_274 = arith.constant 2 : i32
      %add3A_275 = arith.addi %mul3A_194, %add3A_274 : i32
      %add3A_276 = arith.constant 2 : i32
      %add3A_277 = arith.addi %add3A_275, %add3A_276 : i32
      %lt3A_278 = arith.constant 125 : i32
      %lt3A_279 = arith.cmpi slt, %add3A_277, %lt3A_278 : i32
      %convert_element_type3A_280 = arith.extui %lt3A_279 : i1 to i32
      %cond3A_281 = arith.constant 0 : i32
      %cond3A_282 = arith.cmpi ne, %convert_element_type3A_280, %cond3A_281 : i32
      scf.if %cond3A_282 {
        %add3A_355 = arith.constant 2 : i32
        %add3A_356 = arith.addi %add3A_275, %add3A_355 : i32
        %mul3A_357 = arith.constant 80 : i32
        %mul3A_358 = arith.muli %add3A_356, %mul3A_357 : i32
        %add3A_359 = arith.addi %mul3A_35, %mul3A_358 : i32
        %dma_start3A_360 = arith.constant 0 : i32
        %dma_start3A_361 = arith.constant 0 : i32
        %dma_start3A_362 = tpu.memref_slice %arg7[%dma_start3A_360, %dma_start3A_361] : memref<3x80xi32, #tpu.memory_space<vmem>> -> memref<1x80xi32, #tpu.memory_space<vmem>>
        %dma_start3A_363 = tpu.memref_squeeze %dma_start3A_362 : memref<1x80xi32, #tpu.memory_space<vmem>> -> memref<80xi32, #tpu.memory_space<vmem>>
        %dma_start3A_364 = tpu.memref_slice %arg2[%add3A_359] : memref<640000xi32, #tpu.memory_space<hbm>> -> memref<80xi32, #tpu.memory_space<hbm>>
        %dma_start3A_365 = arith.constant 0 : i32
        %dma_start3A_366 = tpu.memref_slice %arg7[%dma_start3A_360, %dma_start3A_365] : memref<3x80xi32, #tpu.memory_space<vmem>> -> memref<1x80xi32, #tpu.memory_space<vmem>>
        %dma_start3A_367 = tpu.memref_squeeze %dma_start3A_366 : memref<1x80xi32, #tpu.memory_space<vmem>> -> memref<80xi32, #tpu.memory_space<vmem>>
        %dma_start3A_368 = tpu.memref_slice %arg2[%add3A_359] : memref<640000xi32, #tpu.memory_space<hbm>> -> memref<80xi32, #tpu.memory_space<hbm>>
        tpu.enqueue_dma source(%dma_start3A_368 : memref<80xi32, #tpu.memory_space<hbm>>) target(%dma_start3A_367 : memref<80xi32, #tpu.memory_space<vmem>>) target_semaphore(%arg17 : memref<!tpu.dma_semaphore, #tpu.memory_space<semaphore_mem>>)
        %dma_start3A_369 = arith.constant 1 : i32
        %dma_start3A_370 = arith.constant 0 : i32
        %dma_start3A_371 = tpu.memref_slice %arg7[%dma_start3A_369, %dma_start3A_370] : memref<3x80xi32, #tpu.memory_space<vmem>> -> memref<1x80xi32, #tpu.memory_space<vmem>>
        %dma_start3A_372 = tpu.memref_squeeze %dma_start3A_371 : memref<1x80xi32, #tpu.memory_space<vmem>> -> memref<80xi32, #tpu.memory_space<vmem>>
        %dma_start3A_373 = tpu.memref_slice %arg3[%add3A_359] : memref<320000xi32, #tpu.memory_space<hbm>> -> memref<80xi32, #tpu.memory_space<hbm>>
        %dma_start3A_374 = arith.constant 0 : i32
        %dma_start3A_375 = tpu.memref_slice %arg7[%dma_start3A_369, %dma_start3A_374] : memref<3x80xi32, #tpu.memory_space<vmem>> -> memref<1x80xi32, #tpu.memory_space<vmem>>
        %dma_start3A_376 = tpu.memref_squeeze %dma_start3A_375 : memref<1x80xi32, #tpu.memory_space<vmem>> -> memref<80xi32, #tpu.memory_space<vmem>>
        %dma_start3A_377 = tpu.memref_slice %arg3[%add3A_359] : memref<320000xi32, #tpu.memory_space<hbm>> -> memref<80xi32, #tpu.memory_space<hbm>>
        tpu.enqueue_dma source(%dma_start3A_377 : memref<80xi32, #tpu.memory_space<hbm>>) target(%dma_start3A_376 : memref<80xi32, #tpu.memory_space<vmem>>) target_semaphore(%arg17 : memref<!tpu.dma_semaphore, #tpu.memory_space<semaphore_mem>>)
        %add3A_378 = arith.constant 320000 : i32
        %add3A_379 = arith.addi %add3A_378, %add3A_359 : i32
        %dma_start3A_380 = arith.constant 2 : i32
        %dma_start3A_381 = arith.constant 0 : i32
        %dma_start3A_382 = tpu.memref_slice %arg7[%dma_start3A_380, %dma_start3A_381] : memref<3x80xi32, #tpu.memory_space<vmem>> -> memref<1x80xi32, #tpu.memory_space<vmem>>
        %dma_start3A_383 = tpu.memref_squeeze %dma_start3A_382 : memref<1x80xi32, #tpu.memory_space<vmem>> -> memref<80xi32, #tpu.memory_space<vmem>>
        %dma_start3A_384 = tpu.memref_slice %arg2[%add3A_379] : memref<640000xi32, #tpu.memory_space<hbm>> -> memref<80xi32, #tpu.memory_space<hbm>>
        %dma_start3A_385 = arith.constant 0 : i32
        %dma_start3A_386 = tpu.memref_slice %arg7[%dma_start3A_380, %dma_start3A_385] : memref<3x80xi32, #tpu.memory_space<vmem>> -> memref<1x80xi32, #tpu.memory_space<vmem>>
        %dma_start3A_387 = tpu.memref_squeeze %dma_start3A_386 : memref<1x80xi32, #tpu.memory_space<vmem>> -> memref<80xi32, #tpu.memory_space<vmem>>
        %dma_start3A_388 = tpu.memref_slice %arg2[%add3A_379] : memref<640000xi32, #tpu.memory_space<hbm>> -> memref<80xi32, #tpu.memory_space<hbm>>
        tpu.enqueue_dma source(%dma_start3A_388 : memref<80xi32, #tpu.memory_space<hbm>>) target(%dma_start3A_387 : memref<80xi32, #tpu.memory_space<vmem>>) target_semaphore(%arg17 : memref<!tpu.dma_semaphore, #tpu.memory_space<semaphore_mem>>)
      } else {
      }
      %add3A_283 = arith.constant 1 : i32
      %add3A_284 = arith.addi %add3A_275, %add3A_283 : i32
      %lt3A_285 = arith.constant 125 : i32
      %lt3A_286 = arith.cmpi slt, %add3A_284, %lt3A_285 : i32
      %convert_element_type3A_287 = arith.extui %lt3A_286 : i1 to i32
      %cond3A_288 = arith.constant 0 : i32
      %cond3A_289 = arith.cmpi ne, %convert_element_type3A_287, %cond3A_288 : i32
      scf.if %cond3A_289 {
        %add3A_355 = arith.constant 1 : i32
        %add3A_356 = arith.addi %add3A_275, %add3A_355 : i32
        %mul3A_357 = arith.constant 80 : i32
        %mul3A_358 = arith.muli %add3A_356, %mul3A_357 : i32
        %add3A_359 = arith.addi %mul3A_35, %mul3A_358 : i32
        %dma_wait3A_360 = arith.constant 0 : i32
        %dma_wait3A_361 = arith.constant 0 : i32
        %dma_wait3A_362 = tpu.memref_slice %arg10[%dma_wait3A_360, %dma_wait3A_361] : memref<3x80xi32, #tpu.memory_space<vmem>> -> memref<1x80xi32, #tpu.memory_space<vmem>>
        %dma_wait3A_363 = tpu.memref_squeeze %dma_wait3A_362 : memref<1x80xi32, #tpu.memory_space<vmem>> -> memref<80xi32, #tpu.memory_space<vmem>>
        %dma_wait3A_364 = tpu.memref_slice %arg2[%add3A_359] : memref<640000xi32, #tpu.memory_space<hbm>> -> memref<80xi32, #tpu.memory_space<hbm>>
        %dma_wait3A_365 = arith.constant 0 : i32
        %dma_wait3A_366 = tpu.memref_slice %arg10[%dma_wait3A_360, %dma_wait3A_365] : memref<3x80xi32, #tpu.memory_space<vmem>> -> memref<1x80xi32, #tpu.memory_space<vmem>>
        %dma_wait3A_367 = tpu.memref_squeeze %dma_wait3A_366 : memref<1x80xi32, #tpu.memory_space<vmem>> -> memref<80xi32, #tpu.memory_space<vmem>>
        %dma_wait3A_368 = tpu.memref_slice %arg2[%add3A_359] : memref<640000xi32, #tpu.memory_space<hbm>> -> memref<80xi32, #tpu.memory_space<hbm>>
        tpu.wait_dma2 semaphore(%arg20 : memref<!tpu.dma_semaphore, #tpu.memory_space<semaphore_mem>>) src(%dma_wait3A_368 : memref<80xi32, #tpu.memory_space<hbm>>) dst(%dma_wait3A_367 : memref<80xi32, #tpu.memory_space<vmem>>)
        %dma_wait3A_369 = arith.constant 1 : i32
        %dma_wait3A_370 = arith.constant 0 : i32
        %dma_wait3A_371 = tpu.memref_slice %arg10[%dma_wait3A_369, %dma_wait3A_370] : memref<3x80xi32, #tpu.memory_space<vmem>> -> memref<1x80xi32, #tpu.memory_space<vmem>>
        %dma_wait3A_372 = tpu.memref_squeeze %dma_wait3A_371 : memref<1x80xi32, #tpu.memory_space<vmem>> -> memref<80xi32, #tpu.memory_space<vmem>>
        %dma_wait3A_373 = tpu.memref_slice %arg3[%add3A_359] : memref<320000xi32, #tpu.memory_space<hbm>> -> memref<80xi32, #tpu.memory_space<hbm>>
        %dma_wait3A_374 = arith.constant 0 : i32
        %dma_wait3A_375 = tpu.memref_slice %arg10[%dma_wait3A_369, %dma_wait3A_374] : memref<3x80xi32, #tpu.memory_space<vmem>> -> memref<1x80xi32, #tpu.memory_space<vmem>>
        %dma_wait3A_376 = tpu.memref_squeeze %dma_wait3A_375 : memref<1x80xi32, #tpu.memory_space<vmem>> -> memref<80xi32, #tpu.memory_space<vmem>>
        %dma_wait3A_377 = tpu.memref_slice %arg3[%add3A_359] : memref<320000xi32, #tpu.memory_space<hbm>> -> memref<80xi32, #tpu.memory_space<hbm>>
        tpu.wait_dma2 semaphore(%arg20 : memref<!tpu.dma_semaphore, #tpu.memory_space<semaphore_mem>>) src(%dma_wait3A_377 : memref<80xi32, #tpu.memory_space<hbm>>) dst(%dma_wait3A_376 : memref<80xi32, #tpu.memory_space<vmem>>)
        %add3A_378 = arith.constant 320000 : i32
        %add3A_379 = arith.addi %add3A_378, %add3A_359 : i32
        %dma_wait3A_380 = arith.constant 2 : i32
        %dma_wait3A_381 = arith.constant 0 : i32
        %dma_wait3A_382 = tpu.memref_slice %arg10[%dma_wait3A_380, %dma_wait3A_381] : memref<3x80xi32, #tpu.memory_space<vmem>> -> memref<1x80xi32, #tpu.memory_space<vmem>>
        %dma_wait3A_383 = tpu.memref_squeeze %dma_wait3A_382 : memref<1x80xi32, #tpu.memory_space<vmem>> -> memref<80xi32, #tpu.memory_space<vmem>>
        %dma_wait3A_384 = tpu.memref_slice %arg2[%add3A_379] : memref<640000xi32, #tpu.memory_space<hbm>> -> memref<80xi32, #tpu.memory_space<hbm>>
        %dma_wait3A_385 = arith.constant 0 : i32
        %dma_wait3A_386 = tpu.memref_slice %arg10[%dma_wait3A_380, %dma_wait3A_385] : memref<3x80xi32, #tpu.memory_space<vmem>> -> memref<1x80xi32, #tpu.memory_space<vmem>>
        %dma_wait3A_387 = tpu.memref_squeeze %dma_wait3A_386 : memref<1x80xi32, #tpu.memory_space<vmem>> -> memref<80xi32, #tpu.memory_space<vmem>>
        %dma_wait3A_388 = tpu.memref_slice %arg2[%add3A_379] : memref<640000xi32, #tpu.memory_space<hbm>> -> memref<80xi32, #tpu.memory_space<hbm>>
        tpu.wait_dma2 semaphore(%arg20 : memref<!tpu.dma_semaphore, #tpu.memory_space<semaphore_mem>>) src(%dma_wait3A_388 : memref<80xi32, #tpu.memory_space<hbm>>) dst(%dma_wait3A_387 : memref<80xi32, #tpu.memory_space<vmem>>)
        %ge3A = arith.constant 1 : i32
        %ge3A_389 = arith.cmpi sge, %add3A_275, %ge3A : i32
        %convert_element_type3A_390 = arith.extui %ge3A_389 : i1 to i32
        %cond3A_391 = arith.constant 0 : i32
        %cond3A_392 = arith.cmpi ne, %convert_element_type3A_390, %cond3A_391 : i32
        scf.if %cond3A_392 {
          %dma_wait3A_407 = arith.constant 2 : i32
          %dma_wait3A_408 = arith.constant 0 : i32
          %dma_wait3A_409 = tpu.memref_slice %arg10[%dma_wait3A_407, %dma_wait3A_408] : memref<3x80xi32, #tpu.memory_space<vmem>> -> memref<1x80xi32, #tpu.memory_space<vmem>>
          %dma_wait3A_410 = tpu.memref_squeeze %dma_wait3A_409 : memref<1x80xi32, #tpu.memory_space<vmem>> -> memref<80xi32, #tpu.memory_space<vmem>>
          %dma_wait3A_411 = arith.constant 0 : i32
          %dma_wait3A_412 = arith.constant 0 : i32
          %dma_wait3A_413 = tpu.memref_slice %arg15[%dma_wait3A_411, %dma_wait3A_412] : memref<10000x128xf32, #tpu.memory_space<vmem_shared>> -> memref<10000x128xf32, #tpu.memory_space<vmem_shared>>
          tpu.wait_indirect_dma semaphore(%arg26 : memref<!tpu.dma_semaphore, #tpu.memory_space<semaphore_mem>>) src(%arg12 : memref<80x128xf32, #tpu.memory_space<vmem>>) dst(%dma_wait3A_413 : memref<10000x128xf32, #tpu.memory_space<vmem_shared>>)
        } else {
        }
        %dma_start3A_393 = arith.constant 0 : i32
        %dma_start3A_394 = arith.constant 0 : i32
        %dma_start3A_395 = tpu.memref_slice %arg10[%dma_start3A_393, %dma_start3A_394] : memref<3x80xi32, #tpu.memory_space<vmem>> -> memref<1x80xi32, #tpu.memory_space<vmem>>
        %dma_start3A_396 = tpu.memref_squeeze %dma_start3A_395 : memref<1x80xi32, #tpu.memory_space<vmem>> -> memref<80xi32, #tpu.memory_space<vmem>>
        %dma_start3A_397 = arith.constant 0 : i32
        %dma_start3A_398 = arith.constant 0 : i32
        %dma_start3A_399 = tpu.memref_slice %arg4[%dma_start3A_397, %dma_start3A_398] : memref<10000x128xf32, #tpu.memory_space<hbm>> -> memref<10000x128xf32, #tpu.memory_space<hbm>>
        tpu.enqueue_indirect_dma source(%dma_start3A_399 : memref<10000x128xf32, #tpu.memory_space<hbm>>) target(%arg12 : memref<80x128xf32, #tpu.memory_space<vmem>>) offsets(%dma_start3A_396 : memref<80xi32, #tpu.memory_space<vmem>>) semaphore(%arg22 : memref<!tpu.dma_semaphore, #tpu.memory_space<semaphore_mem>>)
        %dma_start3A_400 = arith.constant 1 : i32
        %dma_start3A_401 = arith.constant 0 : i32
        %dma_start3A_402 = tpu.memref_slice %arg10[%dma_start3A_400, %dma_start3A_401] : memref<3x80xi32, #tpu.memory_space<vmem>> -> memref<1x80xi32, #tpu.memory_space<vmem>>
        %dma_start3A_403 = tpu.memref_squeeze %dma_start3A_402 : memref<1x80xi32, #tpu.memory_space<vmem>> -> memref<80xi32, #tpu.memory_space<vmem>>
        %dma_start3A_404 = arith.constant 0 : i32
        %dma_start3A_405 = arith.constant 0 : i32
        %dma_start3A_406 = tpu.memref_slice %arg16[%dma_start3A_404, %dma_start3A_405] : memref<400x128xf32, #tpu.memory_space<vmem_shared>> -> memref<400x128xf32, #tpu.memory_space<vmem_shared>>
        tpu.enqueue_indirect_dma source(%dma_start3A_406 : memref<400x128xf32, #tpu.memory_space<vmem_shared>>) target(%arg14 : memref<80x128xf32, #tpu.memory_space<vmem>>) offsets(%dma_start3A_403 : memref<80xi32, #tpu.memory_space<vmem>>) semaphore(%arg24 : memref<!tpu.dma_semaphore, #tpu.memory_space<semaphore_mem>>)
      } else {
      }
      %dma_wait3A_290 = arith.constant 0 : i32
      %dma_wait3A_291 = arith.constant 0 : i32
      %dma_wait3A_292 = tpu.memref_slice %arg9[%dma_wait3A_290, %dma_wait3A_291] : memref<3x80xi32, #tpu.memory_space<vmem>> -> memref<1x80xi32, #tpu.memory_space<vmem>>
      %dma_wait3A_293 = tpu.memref_squeeze %dma_wait3A_292 : memref<1x80xi32, #tpu.memory_space<vmem>> -> memref<80xi32, #tpu.memory_space<vmem>>
      %dma_wait3A_294 = arith.constant 0 : i32
      %dma_wait3A_295 = arith.constant 0 : i32
      %dma_wait3A_296 = tpu.memref_slice %arg4[%dma_wait3A_294, %dma_wait3A_295] : memref<10000x128xf32, #tpu.memory_space<hbm>> -> memref<10000x128xf32, #tpu.memory_space<hbm>>
      tpu.wait_indirect_dma semaphore(%arg21 : memref<!tpu.dma_semaphore, #tpu.memory_space<semaphore_mem>>) src(%dma_wait3A_296 : memref<10000x128xf32, #tpu.memory_space<hbm>>) dst(%arg11 : memref<80x128xf32, #tpu.memory_space<vmem>>)
      %dma_wait3A_297 = arith.constant 1 : i32
      %dma_wait3A_298 = arith.constant 0 : i32
      %dma_wait3A_299 = tpu.memref_slice %arg9[%dma_wait3A_297, %dma_wait3A_298] : memref<3x80xi32, #tpu.memory_space<vmem>> -> memref<1x80xi32, #tpu.memory_space<vmem>>
      %dma_wait3A_300 = tpu.memref_squeeze %dma_wait3A_299 : memref<1x80xi32, #tpu.memory_space<vmem>> -> memref<80xi32, #tpu.memory_space<vmem>>
      %dma_wait3A_301 = arith.constant 0 : i32
      %dma_wait3A_302 = arith.constant 0 : i32
      %dma_wait3A_303 = tpu.memref_slice %arg16[%dma_wait3A_301, %dma_wait3A_302] : memref<400x128xf32, #tpu.memory_space<vmem_shared>> -> memref<400x128xf32, #tpu.memory_space<vmem_shared>>
      tpu.wait_indirect_dma semaphore(%arg23 : memref<!tpu.dma_semaphore, #tpu.memory_space<semaphore_mem>>) src(%dma_wait3A_303 : memref<400x128xf32, #tpu.memory_space<vmem_shared>>) dst(%arg13 : memref<80x128xf32, #tpu.memory_space<vmem>>)
      %parallel_loop3A_304 = arith.constant 0 : i32
      %parallel_loop3A_305 = arith.constant 80 : i32
      %parallel_loop3A_306 = arith.constant 1 : i32
      scf.for %parallel_loop3A_355 = %parallel_loop3A_304 to %parallel_loop3A_305 step %parallel_loop3A_306  : i32 {
        %parallel_loop3A_356 = arith.index_cast %parallel_loop3A_355 : i32 to index
        %parallel_loop3A_357 = arith.constant 0 : index
        %parallel_loop3A_358 = tpu.vector_load %arg11[%parallel_loop3A_356, %parallel_loop3A_357] {strides = array<i32>} : memref<80x128xf32, #tpu.memory_space<vmem>>, vector<1x16xf32>,
        %parallel_loop3A_359 = vector.shape_cast %parallel_loop3A_358 : vector<1x16xf32> to vector<16xf32>
        %parallel_loop3A_360 = arith.index_cast %parallel_loop3A_355 : i32 to index
        %parallel_loop3A_361 = arith.constant 0 : index
        %parallel_loop3A_362 = tpu.vector_load %arg13[%parallel_loop3A_360, %parallel_loop3A_361] {strides = array<i32>} : memref<80x128xf32, #tpu.memory_space<vmem>>, vector<1x16xf32>,
        %parallel_loop3A_363 = vector.shape_cast %parallel_loop3A_362 : vector<1x16xf32> to vector<16xf32>
        %parallel_loop3A_364 = arith.mulf %parallel_loop3A_359, %parallel_loop3A_363 : vector<16xf32>
        %parallel_loop3A_365 = arith.index_cast %parallel_loop3A_355 : i32 to index
        %parallel_loop3A_366 = arith.constant 0 : index
        %parallel_loop3A_367 = tpu.vector_load %arg11[%parallel_loop3A_365, %parallel_loop3A_366] {strides = array<i32>} : memref<80x128xf32, #tpu.memory_space<vmem>>, vector<1x16xf32>,
        %parallel_loop3A_368 = vector.shape_cast %parallel_loop3A_367 : vector<1x16xf32> to vector<16xf32>
        %parallel_loop3A_369 = vector.shape_cast %parallel_loop3A_364 : vector<16xf32> to vector<1x16xf32>
        tpu.vector_store %arg11[%parallel_loop3A_365, %parallel_loop3A_366], %parallel_loop3A_369 {strides = array<i32>} : memref<80x128xf32, #tpu.memory_space<vmem>>, vector<1x16xf32>,
        %parallel_loop3A_370 = arith.index_cast %parallel_loop3A_355 : i32 to index
        %parallel_loop3A_371 = arith.constant 16 : index
        %parallel_loop3A_372 = tpu.vector_load %arg11[%parallel_loop3A_370, %parallel_loop3A_371] {strides = array<i32>} : memref<80x128xf32, #tpu.memory_space<vmem>>, vector<1x16xf32>,
        %parallel_loop3A_373 = vector.shape_cast %parallel_loop3A_372 : vector<1x16xf32> to vector<16xf32>
        %parallel_loop3A_374 = arith.index_cast %parallel_loop3A_355 : i32 to index
        %parallel_loop3A_375 = arith.constant 16 : index
        %parallel_loop3A_376 = tpu.vector_load %arg13[%parallel_loop3A_374, %parallel_loop3A_375] {strides = array<i32>} : memref<80x128xf32, #tpu.memory_space<vmem>>, vector<1x16xf32>,
        %parallel_loop3A_377 = vector.shape_cast %parallel_loop3A_376 : vector<1x16xf32> to vector<16xf32>
        %parallel_loop3A_378 = arith.mulf %parallel_loop3A_373, %parallel_loop3A_377 : vector<16xf32>
        %parallel_loop3A_379 = arith.index_cast %parallel_loop3A_355 : i32 to index
        %parallel_loop3A_380 = arith.constant 16 : index
        %parallel_loop3A_381 = tpu.vector_load %arg11[%parallel_loop3A_379, %parallel_loop3A_380] {strides = array<i32>} : memref<80x128xf32, #tpu.memory_space<vmem>>, vector<1x16xf32>,
        %parallel_loop3A_382 = vector.shape_cast %parallel_loop3A_381 : vector<1x16xf32> to vector<16xf32>
        %parallel_loop3A_383 = vector.shape_cast %parallel_loop3A_378 : vector<16xf32> to vector<1x16xf32>
        tpu.vector_store %arg11[%parallel_loop3A_379, %parallel_loop3A_380], %parallel_loop3A_383 {strides = array<i32>} : memref<80x128xf32, #tpu.memory_space<vmem>>, vector<1x16xf32>,
        %parallel_loop3A_384 = arith.index_cast %parallel_loop3A_355 : i32 to index
        %parallel_loop3A_385 = arith.constant 32 : index
        %parallel_loop3A_386 = tpu.vector_load %arg11[%parallel_loop3A_384, %parallel_loop3A_385] {strides = array<i32>} : memref<80x128xf32, #tpu.memory_space<vmem>>, vector<1x16xf32>,
        %parallel_loop3A_387 = vector.shape_cast %parallel_loop3A_386 : vector<1x16xf32> to vector<16xf32>
        %parallel_loop3A_388 = arith.index_cast %parallel_loop3A_355 : i32 to index
        %parallel_loop3A_389 = arith.constant 32 : index
        %parallel_loop3A_390 = tpu.vector_load %arg13[%parallel_loop3A_388, %parallel_loop3A_389] {strides = array<i32>} : memref<80x128xf32, #tpu.memory_space<vmem>>, vector<1x16xf32>,
        %parallel_loop3A_391 = vector.shape_cast %parallel_loop3A_390 : vector<1x16xf32> to vector<16xf32>
        %parallel_loop3A_392 = arith.mulf %parallel_loop3A_387, %parallel_loop3A_391 : vector<16xf32>
        %parallel_loop3A_393 = arith.index_cast %parallel_loop3A_355 : i32 to index
        %parallel_loop3A_394 = arith.constant 32 : index
        %parallel_loop3A_395 = tpu.vector_load %arg11[%parallel_loop3A_393, %parallel_loop3A_394] {strides = array<i32>} : memref<80x128xf32, #tpu.memory_space<vmem>>, vector<1x16xf32>,
        %parallel_loop3A_396 = vector.shape_cast %parallel_loop3A_395 : vector<1x16xf32> to vector<16xf32>
        %parallel_loop3A_397 = vector.shape_cast %parallel_loop3A_392 : vector<16xf32> to vector<1x16xf32>
        tpu.vector_store %arg11[%parallel_loop3A_393, %parallel_loop3A_394], %parallel_loop3A_397 {strides = array<i32>} : memref<80x128xf32, #tpu.memory_space<vmem>>, vector<1x16xf32>,
        %parallel_loop3A_398 = arith.index_cast %parallel_loop3A_355 : i32 to index
        %parallel_loop3A_399 = arith.constant 48 : index
        %parallel_loop3A_400 = tpu.vector_load %arg11[%parallel_loop3A_398, %parallel_loop3A_399] {strides = array<i32>} : memref<80x128xf32, #tpu.memory_space<vmem>>, vector<1x16xf32>,
        %parallel_loop3A_401 = vector.shape_cast %parallel_loop3A_400 : vector<1x16xf32> to vector<16xf32>
        %parallel_loop3A_402 = arith.index_cast %parallel_loop3A_355 : i32 to index
        %parallel_loop3A_403 = arith.constant 48 : index
        %parallel_loop3A_404 = tpu.vector_load %arg13[%parallel_loop3A_402, %parallel_loop3A_403] {strides = array<i32>} : memref<80x128xf32, #tpu.memory_space<vmem>>, vector<1x16xf32>,
        %parallel_loop3A_405 = vector.shape_cast %parallel_loop3A_404 : vector<1x16xf32> to vector<16xf32>
        %parallel_loop3A_406 = arith.mulf %parallel_loop3A_401, %parallel_loop3A_405 : vector<16xf32>
        %parallel_loop3A_407 = arith.index_cast %parallel_loop3A_355 : i32 to index
        %parallel_loop3A_408 = arith.constant 48 : index
        %parallel_loop3A_409 = tpu.vector_load %arg11[%parallel_loop3A_407, %parallel_loop3A_408] {strides = array<i32>} : memref<80x128xf32, #tpu.memory_space<vmem>>, vector<1x16xf32>,
        %parallel_loop3A_410 = vector.shape_cast %parallel_loop3A_409 : vector<1x16xf32> to vector<16xf32>
        %parallel_loop3A_411 = vector.shape_cast %parallel_loop3A_406 : vector<16xf32> to vector<1x16xf32>
        tpu.vector_store %arg11[%parallel_loop3A_407, %parallel_loop3A_408], %parallel_loop3A_411 {strides = array<i32>} : memref<80x128xf32, #tpu.memory_space<vmem>>, vector<1x16xf32>,
        %parallel_loop3A_412 = arith.index_cast %parallel_loop3A_355 : i32 to index
        %parallel_loop3A_413 = arith.constant 64 : index
        %parallel_loop3A_414 = tpu.vector_load %arg11[%parallel_loop3A_412, %parallel_loop3A_413] {strides = array<i32>} : memref<80x128xf32, #tpu.memory_space<vmem>>, vector<1x16xf32>,
        %parallel_loop3A_415 = vector.shape_cast %parallel_loop3A_414 : vector<1x16xf32> to vector<16xf32>
        %parallel_loop3A_416 = arith.index_cast %parallel_loop3A_355 : i32 to index
        %parallel_loop3A_417 = arith.constant 64 : index
        %parallel_loop3A_418 = tpu.vector_load %arg13[%parallel_loop3A_416, %parallel_loop3A_417] {strides = array<i32>} : memref<80x128xf32, #tpu.memory_space<vmem>>, vector<1x16xf32>,
        %parallel_loop3A_419 = vector.shape_cast %parallel_loop3A_418 : vector<1x16xf32> to vector<16xf32>
        %parallel_loop3A_420 = arith.mulf %parallel_loop3A_415, %parallel_loop3A_419 : vector<16xf32>
        %parallel_loop3A_421 = arith.index_cast %parallel_loop3A_355 : i32 to index
        %parallel_loop3A_422 = arith.constant 64 : index
        %parallel_loop3A_423 = tpu.vector_load %arg11[%parallel_loop3A_421, %parallel_loop3A_422] {strides = array<i32>} : memref<80x128xf32, #tpu.memory_space<vmem>>, vector<1x16xf32>,
        %parallel_loop3A_424 = vector.shape_cast %parallel_loop3A_423 : vector<1x16xf32> to vector<16xf32>
        %parallel_loop3A_425 = vector.shape_cast %parallel_loop3A_420 : vector<16xf32> to vector<1x16xf32>
        tpu.vector_store %arg11[%parallel_loop3A_421, %parallel_loop3A_422], %parallel_loop3A_425 {strides = array<i32>} : memref<80x128xf32, #tpu.memory_space<vmem>>, vector<1x16xf32>,
        %parallel_loop3A_426 = arith.index_cast %parallel_loop3A_355 : i32 to index
        %parallel_loop3A_427 = arith.constant 80 : index
        %parallel_loop3A_428 = tpu.vector_load %arg11[%parallel_loop3A_426, %parallel_loop3A_427] {strides = array<i32>} : memref<80x128xf32, #tpu.memory_space<vmem>>, vector<1x16xf32>,
        %parallel_loop3A_429 = vector.shape_cast %parallel_loop3A_428 : vector<1x16xf32> to vector<16xf32>
        %parallel_loop3A_430 = arith.index_cast %parallel_loop3A_355 : i32 to index
        %parallel_loop3A_431 = arith.constant 80 : index
        %parallel_loop3A_432 = tpu.vector_load %arg13[%parallel_loop3A_430, %parallel_loop3A_431] {strides = array<i32>} : memref<80x128xf32, #tpu.memory_space<vmem>>, vector<1x16xf32>,
        %parallel_loop3A_433 = vector.shape_cast %parallel_loop3A_432 : vector<1x16xf32> to vector<16xf32>
        %parallel_loop3A_434 = arith.mulf %parallel_loop3A_429, %parallel_loop3A_433 : vector<16xf32>
        %parallel_loop3A_435 = arith.index_cast %parallel_loop3A_355 : i32 to index
        %parallel_loop3A_436 = arith.constant 80 : index
        %parallel_loop3A_437 = tpu.vector_load %arg11[%parallel_loop3A_435, %parallel_loop3A_436] {strides = array<i32>} : memref<80x128xf32, #tpu.memory_space<vmem>>, vector<1x16xf32>,
        %parallel_loop3A_438 = vector.shape_cast %parallel_loop3A_437 : vector<1x16xf32> to vector<16xf32>
        %parallel_loop3A_439 = vector.shape_cast %parallel_loop3A_434 : vector<16xf32> to vector<1x16xf32>
        tpu.vector_store %arg11[%parallel_loop3A_435, %parallel_loop3A_436], %parallel_loop3A_439 {strides = array<i32>} : memref<80x128xf32, #tpu.memory_space<vmem>>, vector<1x16xf32>,
        %parallel_loop3A_440 = arith.index_cast %parallel_loop3A_355 : i32 to index
        %parallel_loop3A_441 = arith.constant 96 : index
        %parallel_loop3A_442 = tpu.vector_load %arg11[%parallel_loop3A_440, %parallel_loop3A_441] {strides = array<i32>} : memref<80x128xf32, #tpu.memory_space<vmem>>, vector<1x16xf32>,
        %parallel_loop3A_443 = vector.shape_cast %parallel_loop3A_442 : vector<1x16xf32> to vector<16xf32>
        %parallel_loop3A_444 = arith.index_cast %parallel_loop3A_355 : i32 to index
        %parallel_loop3A_445 = arith.constant 96 : index
        %parallel_loop3A_446 = tpu.vector_load %arg13[%parallel_loop3A_444, %parallel_loop3A_445] {strides = array<i32>} : memref<80x128xf32, #tpu.memory_space<vmem>>, vector<1x16xf32>,
        %parallel_loop3A_447 = vector.shape_cast %parallel_loop3A_446 : vector<1x16xf32> to vector<16xf32>
        %parallel_loop3A_448 = arith.mulf %parallel_loop3A_443, %parallel_loop3A_447 : vector<16xf32>
        %parallel_loop3A_449 = arith.index_cast %parallel_loop3A_355 : i32 to index
        %parallel_loop3A_450 = arith.constant 96 : index
        %parallel_loop3A_451 = tpu.vector_load %arg11[%parallel_loop3A_449, %parallel_loop3A_450] {strides = array<i32>} : memref<80x128xf32, #tpu.memory_space<vmem>>, vector<1x16xf32>,
        %parallel_loop3A_452 = vector.shape_cast %parallel_loop3A_451 : vector<1x16xf32> to vector<16xf32>
        %parallel_loop3A_453 = vector.shape_cast %parallel_loop3A_448 : vector<16xf32> to vector<1x16xf32>
        tpu.vector_store %arg11[%parallel_loop3A_449, %parallel_loop3A_450], %parallel_loop3A_453 {strides = array<i32>} : memref<80x128xf32, #tpu.memory_space<vmem>>, vector<1x16xf32>,
        %parallel_loop3A_454 = arith.index_cast %parallel_loop3A_355 : i32 to index
        %parallel_loop3A_455 = arith.constant 112 : index
        %parallel_loop3A_456 = tpu.vector_load %arg11[%parallel_loop3A_454, %parallel_loop3A_455] {strides = array<i32>} : memref<80x128xf32, #tpu.memory_space<vmem>>, vector<1x16xf32>,
        %parallel_loop3A_457 = vector.shape_cast %parallel_loop3A_456 : vector<1x16xf32> to vector<16xf32>
        %parallel_loop3A_458 = arith.index_cast %parallel_loop3A_355 : i32 to index
        %parallel_loop3A_459 = arith.constant 112 : index
        %parallel_loop3A_460 = tpu.vector_load %arg13[%parallel_loop3A_458, %parallel_loop3A_459] {strides = array<i32>} : memref<80x128xf32, #tpu.memory_space<vmem>>, vector<1x16xf32>,
        %parallel_loop3A_461 = vector.shape_cast %parallel_loop3A_460 : vector<1x16xf32> to vector<16xf32>
        %parallel_loop3A_462 = arith.mulf %parallel_loop3A_457, %parallel_loop3A_461 : vector<16xf32>
        %parallel_loop3A_463 = arith.index_cast %parallel_loop3A_355 : i32 to index
        %parallel_loop3A_464 = arith.constant 112 : index
        %parallel_loop3A_465 = tpu.vector_load %arg11[%parallel_loop3A_463, %parallel_loop3A_464] {strides = array<i32>} : memref<80x128xf32, #tpu.memory_space<vmem>>, vector<1x16xf32>,
        %parallel_loop3A_466 = vector.shape_cast %parallel_loop3A_465 : vector<1x16xf32> to vector<16xf32>
        %parallel_loop3A_467 = vector.shape_cast %parallel_loop3A_462 : vector<16xf32> to vector<1x16xf32>
        tpu.vector_store %arg11[%parallel_loop3A_463, %parallel_loop3A_464], %parallel_loop3A_467 {strides = array<i32>} : memref<80x128xf32, #tpu.memory_space<vmem>>, vector<1x16xf32>,
      } {sc.loop_unroll_factor = 4 : i64, sc.parallel_access}
      %dma_start3A_307 = arith.constant 2 : i32
      %dma_start3A_308 = arith.constant 0 : i32
      %dma_start3A_309 = tpu.memref_slice %arg9[%dma_start3A_307, %dma_start3A_308] : memref<3x80xi32, #tpu.memory_space<vmem>> -> memref<1x80xi32, #tpu.memory_space<vmem>>
      %dma_start3A_310 = tpu.memref_squeeze %dma_start3A_309 : memref<1x80xi32, #tpu.memory_space<vmem>> -> memref<80xi32, #tpu.memory_space<vmem>>
      %dma_start3A_311 = arith.constant 0 : i32
      %dma_start3A_312 = arith.constant 0 : i32
      %dma_start3A_313 = tpu.memref_slice %arg15[%dma_start3A_311, %dma_start3A_312] : memref<10000x128xf32, #tpu.memory_space<vmem_shared>> -> memref<10000x128xf32, #tpu.memory_space<vmem_shared>>
      tpu.enqueue_indirect_dma source(%arg11 : memref<80x128xf32, #tpu.memory_space<vmem>>) target(%dma_start3A_313 : memref<10000x128xf32, #tpu.memory_space<vmem_shared>>) offsets(%dma_start3A_310 : memref<80xi32, #tpu.memory_space<vmem>>) semaphore(%arg25 : memref<!tpu.dma_semaphore, #tpu.memory_space<semaphore_mem>>) {add = true}
      %add3A_314 = arith.constant 3 : i32
      %add3A_315 = arith.addi %mul3A_194, %add3A_314 : i32
      %add3A_316 = arith.constant 2 : i32
      %add3A_317 = arith.addi %add3A_315, %add3A_316 : i32
      %lt3A_318 = arith.constant 125 : i32
      %lt3A_319 = arith.cmpi slt, %add3A_317, %lt3A_318 : i32
      %convert_element_type3A_320 = arith.extui %lt3A_319 : i1 to i32
      %cond3A_321 = arith.constant 0 : i32
      %cond3A_322 = arith.cmpi ne, %convert_element_type3A_320, %cond3A_321 : i32
      scf.if %cond3A_322 {
        %add3A_355 = arith.constant 2 : i32
        %add3A_356 = arith.addi %add3A_315, %add3A_355 : i32
        %mul3A_357 = arith.constant 80 : i32
        %mul3A_358 = arith.muli %add3A_356, %mul3A_357 : i32
        %add3A_359 = arith.addi %mul3A_35, %mul3A_358 : i32
        %dma_start3A_360 = arith.constant 0 : i32
        %dma_start3A_361 = arith.constant 0 : i32
        %dma_start3A_362 = tpu.memref_slice %arg8[%dma_start3A_360, %dma_start3A_361] : memref<3x80xi32, #tpu.memory_space<vmem>> -> memref<1x80xi32, #tpu.memory_space<vmem>>
        %dma_start3A_363 = tpu.memref_squeeze %dma_start3A_362 : memref<1x80xi32, #tpu.memory_space<vmem>> -> memref<80xi32, #tpu.memory_space<vmem>>
        %dma_start3A_364 = tpu.memref_slice %arg2[%add3A_359] : memref<640000xi32, #tpu.memory_space<hbm>> -> memref<80xi32, #tpu.memory_space<hbm>>
        %dma_start3A_365 = arith.constant 0 : i32
        %dma_start3A_366 = tpu.memref_slice %arg8[%dma_start3A_360, %dma_start3A_365] : memref<3x80xi32, #tpu.memory_space<vmem>> -> memref<1x80xi32, #tpu.memory_space<vmem>>
        %dma_start3A_367 = tpu.memref_squeeze %dma_start3A_366 : memref<1x80xi32, #tpu.memory_space<vmem>> -> memref<80xi32, #tpu.memory_space<vmem>>
        %dma_start3A_368 = tpu.memref_slice %arg2[%add3A_359] : memref<640000xi32, #tpu.memory_space<hbm>> -> memref<80xi32, #tpu.memory_space<hbm>>
        tpu.enqueue_dma source(%dma_start3A_368 : memref<80xi32, #tpu.memory_space<hbm>>) target(%dma_start3A_367 : memref<80xi32, #tpu.memory_space<vmem>>) target_semaphore(%arg18 : memref<!tpu.dma_semaphore, #tpu.memory_space<semaphore_mem>>)
        %dma_start3A_369 = arith.constant 1 : i32
        %dma_start3A_370 = arith.constant 0 : i32
        %dma_start3A_371 = tpu.memref_slice %arg8[%dma_start3A_369, %dma_start3A_370] : memref<3x80xi32, #tpu.memory_space<vmem>> -> memref<1x80xi32, #tpu.memory_space<vmem>>
        %dma_start3A_372 = tpu.memref_squeeze %dma_start3A_371 : memref<1x80xi32, #tpu.memory_space<vmem>> -> memref<80xi32, #tpu.memory_space<vmem>>
        %dma_start3A_373 = tpu.memref_slice %arg3[%add3A_359] : memref<320000xi32, #tpu.memory_space<hbm>> -> memref<80xi32, #tpu.memory_space<hbm>>
        %dma_start3A_374 = arith.constant 0 : i32
        %dma_start3A_375 = tpu.memref_slice %arg8[%dma_start3A_369, %dma_start3A_374] : memref<3x80xi32, #tpu.memory_space<vmem>> -> memref<1x80xi32, #tpu.memory_space<vmem>>
        %dma_start3A_376 = tpu.memref_squeeze %dma_start3A_375 : memref<1x80xi32, #tpu.memory_space<vmem>> -> memref<80xi32, #tpu.memory_space<vmem>>
        %dma_start3A_377 = tpu.memref_slice %arg3[%add3A_359] : memref<320000xi32, #tpu.memory_space<hbm>> -> memref<80xi32, #tpu.memory_space<hbm>>
        tpu.enqueue_dma source(%dma_start3A_377 : memref<80xi32, #tpu.memory_space<hbm>>) target(%dma_start3A_376 : memref<80xi32, #tpu.memory_space<vmem>>) target_semaphore(%arg18 : memref<!tpu.dma_semaphore, #tpu.memory_space<semaphore_mem>>)
        %add3A_378 = arith.constant 320000 : i32
        %add3A_379 = arith.addi %add3A_378, %add3A_359 : i32
        %dma_start3A_380 = arith.constant 2 : i32
        %dma_start3A_381 = arith.constant 0 : i32
        %dma_start3A_382 = tpu.memref_slice %arg8[%dma_start3A_380, %dma_start3A_381] : memref<3x80xi32, #tpu.memory_space<vmem>> -> memref<1x80xi32, #tpu.memory_space<vmem>>
        %dma_start3A_383 = tpu.memref_squeeze %dma_start3A_382 : memref<1x80xi32, #tpu.memory_space<vmem>> -> memref<80xi32, #tpu.memory_space<vmem>>
        %dma_start3A_384 = tpu.memref_slice %arg2[%add3A_379] : memref<640000xi32, #tpu.memory_space<hbm>> -> memref<80xi32, #tpu.memory_space<hbm>>
        %dma_start3A_385 = arith.constant 0 : i32
        %dma_start3A_386 = tpu.memref_slice %arg8[%dma_start3A_380, %dma_start3A_385] : memref<3x80xi32, #tpu.memory_space<vmem>> -> memref<1x80xi32, #tpu.memory_space<vmem>>
        %dma_start3A_387 = tpu.memref_squeeze %dma_start3A_386 : memref<1x80xi32, #tpu.memory_space<vmem>> -> memref<80xi32, #tpu.memory_space<vmem>>
        %dma_start3A_388 = tpu.memref_slice %arg2[%add3A_379] : memref<640000xi32, #tpu.memory_space<hbm>> -> memref<80xi32, #tpu.memory_space<hbm>>
        tpu.enqueue_dma source(%dma_start3A_388 : memref<80xi32, #tpu.memory_space<hbm>>) target(%dma_start3A_387 : memref<80xi32, #tpu.memory_space<vmem>>) target_semaphore(%arg18 : memref<!tpu.dma_semaphore, #tpu.memory_space<semaphore_mem>>)
      } else {
      }
      %add3A_323 = arith.constant 1 : i32
      %add3A_324 = arith.addi %add3A_315, %add3A_323 : i32
      %lt3A_325 = arith.constant 125 : i32
      %lt3A_326 = arith.cmpi slt, %add3A_324, %lt3A_325 : i32
      %convert_element_type3A_327 = arith.extui %lt3A_326 : i1 to i32
      %cond3A_328 = arith.constant 0 : i32
      %cond3A_329 = arith.cmpi ne, %convert_element_type3A_327, %cond3A_328 : i32
      scf.if %cond3A_329 {
        %add3A_355 = arith.constant 1 : i32
        %add3A_356 = arith.addi %add3A_315, %add3A_355 : i32
        %mul3A_357 = arith.constant 80 : i32
        %mul3A_358 = arith.muli %add3A_356, %mul3A_357 : i32
        %add3A_359 = arith.addi %mul3A_35, %mul3A_358 : i32
        %dma_wait3A_360 = arith.constant 0 : i32
        %dma_wait3A_361 = arith.constant 0 : i32
        %dma_wait3A_362 = tpu.memref_slice %arg7[%dma_wait3A_360, %dma_wait3A_361] : memref<3x80xi32, #tpu.memory_space<vmem>> -> memref<1x80xi32, #tpu.memory_space<vmem>>
        %dma_wait3A_363 = tpu.memref_squeeze %dma_wait3A_362 : memref<1x80xi32, #tpu.memory_space<vmem>> -> memref<80xi32, #tpu.memory_space<vmem>>
        %dma_wait3A_364 = tpu.memref_slice %arg2[%add3A_359] : memref<640000xi32, #tpu.memory_space<hbm>> -> memref<80xi32, #tpu.memory_space<hbm>>
        %dma_wait3A_365 = arith.constant 0 : i32
        %dma_wait3A_366 = tpu.memref_slice %arg7[%dma_wait3A_360, %dma_wait3A_365] : memref<3x80xi32, #tpu.memory_space<vmem>> -> memref<1x80xi32, #tpu.memory_space<vmem>>
        %dma_wait3A_367 = tpu.memref_squeeze %dma_wait3A_366 : memref<1x80xi32, #tpu.memory_space<vmem>> -> memref<80xi32, #tpu.memory_space<vmem>>
        %dma_wait3A_368 = tpu.memref_slice %arg2[%add3A_359] : memref<640000xi32, #tpu.memory_space<hbm>> -> memref<80xi32, #tpu.memory_space<hbm>>
        tpu.wait_dma2 semaphore(%arg17 : memref<!tpu.dma_semaphore, #tpu.memory_space<semaphore_mem>>) src(%dma_wait3A_368 : memref<80xi32, #tpu.memory_space<hbm>>) dst(%dma_wait3A_367 : memref<80xi32, #tpu.memory_space<vmem>>)
        %dma_wait3A_369 = arith.constant 1 : i32
        %dma_wait3A_370 = arith.constant 0 : i32
        %dma_wait3A_371 = tpu.memref_slice %arg7[%dma_wait3A_369, %dma_wait3A_370] : memref<3x80xi32, #tpu.memory_space<vmem>> -> memref<1x80xi32, #tpu.memory_space<vmem>>
        %dma_wait3A_372 = tpu.memref_squeeze %dma_wait3A_371 : memref<1x80xi32, #tpu.memory_space<vmem>> -> memref<80xi32, #tpu.memory_space<vmem>>
        %dma_wait3A_373 = tpu.memref_slice %arg3[%add3A_359] : memref<320000xi32, #tpu.memory_space<hbm>> -> memref<80xi32, #tpu.memory_space<hbm>>
        %dma_wait3A_374 = arith.constant 0 : i32
        %dma_wait3A_375 = tpu.memref_slice %arg7[%dma_wait3A_369, %dma_wait3A_374] : memref<3x80xi32, #tpu.memory_space<vmem>> -> memref<1x80xi32, #tpu.memory_space<vmem>>
        %dma_wait3A_376 = tpu.memref_squeeze %dma_wait3A_375 : memref<1x80xi32, #tpu.memory_space<vmem>> -> memref<80xi32, #tpu.memory_space<vmem>>
        %dma_wait3A_377 = tpu.memref_slice %arg3[%add3A_359] : memref<320000xi32, #tpu.memory_space<hbm>> -> memref<80xi32, #tpu.memory_space<hbm>>
        tpu.wait_dma2 semaphore(%arg17 : memref<!tpu.dma_semaphore, #tpu.memory_space<semaphore_mem>>) src(%dma_wait3A_377 : memref<80xi32, #tpu.memory_space<hbm>>) dst(%dma_wait3A_376 : memref<80xi32, #tpu.memory_space<vmem>>)
        %add3A_378 = arith.constant 320000 : i32
        %add3A_379 = arith.addi %add3A_378, %add3A_359 : i32
        %dma_wait3A_380 = arith.constant 2 : i32
        %dma_wait3A_381 = arith.constant 0 : i32
        %dma_wait3A_382 = tpu.memref_slice %arg7[%dma_wait3A_380, %dma_wait3A_381] : memref<3x80xi32, #tpu.memory_space<vmem>> -> memref<1x80xi32, #tpu.memory_space<vmem>>
        %dma_wait3A_383 = tpu.memref_squeeze %dma_wait3A_382 : memref<1x80xi32, #tpu.memory_space<vmem>> -> memref<80xi32, #tpu.memory_space<vmem>>
        %dma_wait3A_384 = tpu.memref_slice %arg2[%add3A_379] : memref<640000xi32, #tpu.memory_space<hbm>> -> memref<80xi32, #tpu.memory_space<hbm>>
        %dma_wait3A_385 = arith.constant 0 : i32
        %dma_wait3A_386 = tpu.memref_slice %arg7[%dma_wait3A_380, %dma_wait3A_385] : memref<3x80xi32, #tpu.memory_space<vmem>> -> memref<1x80xi32, #tpu.memory_space<vmem>>
        %dma_wait3A_387 = tpu.memref_squeeze %dma_wait3A_386 : memref<1x80xi32, #tpu.memory_space<vmem>> -> memref<80xi32, #tpu.memory_space<vmem>>
        %dma_wait3A_388 = tpu.memref_slice %arg2[%add3A_379] : memref<640000xi32, #tpu.memory_space<hbm>> -> memref<80xi32, #tpu.memory_space<hbm>>
        tpu.wait_dma2 semaphore(%arg17 : memref<!tpu.dma_semaphore, #tpu.memory_space<semaphore_mem>>) src(%dma_wait3A_388 : memref<80xi32, #tpu.memory_space<hbm>>) dst(%dma_wait3A_387 : memref<80xi32, #tpu.memory_space<vmem>>)
        %ge3A = arith.constant 1 : i32
        %ge3A_389 = arith.cmpi sge, %add3A_315, %ge3A : i32
        %convert_element_type3A_390 = arith.extui %ge3A_389 : i1 to i32
        %cond3A_391 = arith.constant 0 : i32
        %cond3A_392 = arith.cmpi ne, %convert_element_type3A_390, %cond3A_391 : i32
        scf.if %cond3A_392 {
          %dma_wait3A_407 = arith.constant 2 : i32
          %dma_wait3A_408 = arith.constant 0 : i32
          %dma_wait3A_409 = tpu.memref_slice %arg7[%dma_wait3A_407, %dma_wait3A_408] : memref<3x80xi32, #tpu.memory_space<vmem>> -> memref<1x80xi32, #tpu.memory_space<vmem>>
          %dma_wait3A_410 = tpu.memref_squeeze %dma_wait3A_409 : memref<1x80xi32, #tpu.memory_space<vmem>> -> memref<80xi32, #tpu.memory_space<vmem>>
          %dma_wait3A_411 = arith.constant 0 : i32
          %dma_wait3A_412 = arith.constant 0 : i32
          %dma_wait3A_413 = tpu.memref_slice %arg15[%dma_wait3A_411, %dma_wait3A_412] : memref<10000x128xf32, #tpu.memory_space<vmem_shared>> -> memref<10000x128xf32, #tpu.memory_space<vmem_shared>>
          tpu.wait_indirect_dma semaphore(%arg25 : memref<!tpu.dma_semaphore, #tpu.memory_space<semaphore_mem>>) src(%arg11 : memref<80x128xf32, #tpu.memory_space<vmem>>) dst(%dma_wait3A_413 : memref<10000x128xf32, #tpu.memory_space<vmem_shared>>)
        } else {
        }
        %dma_start3A_393 = arith.constant 0 : i32
        %dma_start3A_394 = arith.constant 0 : i32
        %dma_start3A_395 = tpu.memref_slice %arg7[%dma_start3A_393, %dma_start3A_394] : memref<3x80xi32, #tpu.memory_space<vmem>> -> memref<1x80xi32, #tpu.memory_space<vmem>>
        %dma_start3A_396 = tpu.memref_squeeze %dma_start3A_395 : memref<1x80xi32, #tpu.memory_space<vmem>> -> memref<80xi32, #tpu.memory_space<vmem>>
        %dma_start3A_397 = arith.constant 0 : i32
        %dma_start3A_398 = arith.constant 0 : i32
        %dma_start3A_399 = tpu.memref_slice %arg4[%dma_start3A_397, %dma_start3A_398] : memref<10000x128xf32, #tpu.memory_space<hbm>> -> memref<10000x128xf32, #tpu.memory_space<hbm>>
        tpu.enqueue_indirect_dma source(%dma_start3A_399 : memref<10000x128xf32, #tpu.memory_space<hbm>>) target(%arg11 : memref<80x128xf32, #tpu.memory_space<vmem>>) offsets(%dma_start3A_396 : memref<80xi32, #tpu.memory_space<vmem>>) semaphore(%arg21 : memref<!tpu.dma_semaphore, #tpu.memory_space<semaphore_mem>>)
        %dma_start3A_400 = arith.constant 1 : i32
        %dma_start3A_401 = arith.constant 0 : i32
        %dma_start3A_402 = tpu.memref_slice %arg7[%dma_start3A_400, %dma_start3A_401] : memref<3x80xi32, #tpu.memory_space<vmem>> -> memref<1x80xi32, #tpu.memory_space<vmem>>
        %dma_start3A_403 = tpu.memref_squeeze %dma_start3A_402 : memref<1x80xi32, #tpu.memory_space<vmem>> -> memref<80xi32, #tpu.memory_space<vmem>>
        %dma_start3A_404 = arith.constant 0 : i32
        %dma_start3A_405 = arith.constant 0 : i32
        %dma_start3A_406 = tpu.memref_slice %arg16[%dma_start3A_404, %dma_start3A_405] : memref<400x128xf32, #tpu.memory_space<vmem_shared>> -> memref<400x128xf32, #tpu.memory_space<vmem_shared>>
        tpu.enqueue_indirect_dma source(%dma_start3A_406 : memref<400x128xf32, #tpu.memory_space<vmem_shared>>) target(%arg13 : memref<80x128xf32, #tpu.memory_space<vmem>>) offsets(%dma_start3A_403 : memref<80xi32, #tpu.memory_space<vmem>>) semaphore(%arg23 : memref<!tpu.dma_semaphore, #tpu.memory_space<semaphore_mem>>)
      } else {
      }
      %dma_wait3A_330 = arith.constant 0 : i32
      %dma_wait3A_331 = arith.constant 0 : i32
      %dma_wait3A_332 = tpu.memref_slice %arg10[%dma_wait3A_330, %dma_wait3A_331] : memref<3x80xi32, #tpu.memory_space<vmem>> -> memref<1x80xi32, #tpu.memory_space<vmem>>
      %dma_wait3A_333 = tpu.memref_squeeze %dma_wait3A_332 : memref<1x80xi32, #tpu.memory_space<vmem>> -> memref<80xi32, #tpu.memory_space<vmem>>
      %dma_wait3A_334 = arith.constant 0 : i32
      %dma_wait3A_335 = arith.constant 0 : i32
      %dma_wait3A_336 = tpu.memref_slice %arg4[%dma_wait3A_334, %dma_wait3A_335] : memref<10000x128xf32, #tpu.memory_space<hbm>> -> memref<10000x128xf32, #tpu.memory_space<hbm>>
      tpu.wait_indirect_dma semaphore(%arg22 : memref<!tpu.dma_semaphore, #tpu.memory_space<semaphore_mem>>) src(%dma_wait3A_336 : memref<10000x128xf32, #tpu.memory_space<hbm>>) dst(%arg12 : memref<80x128xf32, #tpu.memory_space<vmem>>)
      %dma_wait3A_337 = arith.constant 1 : i32
      %dma_wait3A_338 = arith.constant 0 : i32
      %dma_wait3A_339 = tpu.memref_slice %arg10[%dma_wait3A_337, %dma_wait3A_338] : memref<3x80xi32, #tpu.memory_space<vmem>> -> memref<1x80xi32, #tpu.memory_space<vmem>>
      %dma_wait3A_340 = tpu.memref_squeeze %dma_wait3A_339 : memref<1x80xi32, #tpu.memory_space<vmem>> -> memref<80xi32, #tpu.memory_space<vmem>>
      %dma_wait3A_341 = arith.constant 0 : i32
      %dma_wait3A_342 = arith.constant 0 : i32
      %dma_wait3A_343 = tpu.memref_slice %arg16[%dma_wait3A_341, %dma_wait3A_342] : memref<400x128xf32, #tpu.memory_space<vmem_shared>> -> memref<400x128xf32, #tpu.memory_space<vmem_shared>>
      tpu.wait_indirect_dma semaphore(%arg24 : memref<!tpu.dma_semaphore, #tpu.memory_space<semaphore_mem>>) src(%dma_wait3A_343 : memref<400x128xf32, #tpu.memory_space<vmem_shared>>) dst(%arg14 : memref<80x128xf32, #tpu.memory_space<vmem>>)
      %parallel_loop3A_344 = arith.constant 0 : i32
      %parallel_loop3A_345 = arith.constant 80 : i32
      %parallel_loop3A_346 = arith.constant 1 : i32
      scf.for %parallel_loop3A_355 = %parallel_loop3A_344 to %parallel_loop3A_345 step %parallel_loop3A_346  : i32 {
        %parallel_loop3A_356 = arith.index_cast %parallel_loop3A_355 : i32 to index
        %parallel_loop3A_357 = arith.constant 0 : index
        %parallel_loop3A_358 = tpu.vector_load %arg12[%parallel_loop3A_356, %parallel_loop3A_357] {strides = array<i32>} : memref<80x128xf32, #tpu.memory_space<vmem>>, vector<1x16xf32>,
        %parallel_loop3A_359 = vector.shape_cast %parallel_loop3A_358 : vector<1x16xf32> to vector<16xf32>
        %parallel_loop3A_360 = arith.index_cast %parallel_loop3A_355 : i32 to index
        %parallel_loop3A_361 = arith.constant 0 : index
        %parallel_loop3A_362 = tpu.vector_load %arg14[%parallel_loop3A_360, %parallel_loop3A_361] {strides = array<i32>} : memref<80x128xf32, #tpu.memory_space<vmem>>, vector<1x16xf32>,
        %parallel_loop3A_363 = vector.shape_cast %parallel_loop3A_362 : vector<1x16xf32> to vector<16xf32>
        %parallel_loop3A_364 = arith.mulf %parallel_loop3A_359, %parallel_loop3A_363 : vector<16xf32>
        %parallel_loop3A_365 = arith.index_cast %parallel_loop3A_355 : i32 to index
        %parallel_loop3A_366 = arith.constant 0 : index
        %parallel_loop3A_367 = tpu.vector_load %arg12[%parallel_loop3A_365, %parallel_loop3A_366] {strides = array<i32>} : memref<80x128xf32, #tpu.memory_space<vmem>>, vector<1x16xf32>,
        %parallel_loop3A_368 = vector.shape_cast %parallel_loop3A_367 : vector<1x16xf32> to vector<16xf32>
        %parallel_loop3A_369 = vector.shape_cast %parallel_loop3A_364 : vector<16xf32> to vector<1x16xf32>
        tpu.vector_store %arg12[%parallel_loop3A_365, %parallel_loop3A_366], %parallel_loop3A_369 {strides = array<i32>} : memref<80x128xf32, #tpu.memory_space<vmem>>, vector<1x16xf32>,
        %parallel_loop3A_370 = arith.index_cast %parallel_loop3A_355 : i32 to index
        %parallel_loop3A_371 = arith.constant 16 : index
        %parallel_loop3A_372 = tpu.vector_load %arg12[%parallel_loop3A_370, %parallel_loop3A_371] {strides = array<i32>} : memref<80x128xf32, #tpu.memory_space<vmem>>, vector<1x16xf32>,
        %parallel_loop3A_373 = vector.shape_cast %parallel_loop3A_372 : vector<1x16xf32> to vector<16xf32>
        %parallel_loop3A_374 = arith.index_cast %parallel_loop3A_355 : i32 to index
        %parallel_loop3A_375 = arith.constant 16 : index
        %parallel_loop3A_376 = tpu.vector_load %arg14[%parallel_loop3A_374, %parallel_loop3A_375] {strides = array<i32>} : memref<80x128xf32, #tpu.memory_space<vmem>>, vector<1x16xf32>,
        %parallel_loop3A_377 = vector.shape_cast %parallel_loop3A_376 : vector<1x16xf32> to vector<16xf32>
        %parallel_loop3A_378 = arith.mulf %parallel_loop3A_373, %parallel_loop3A_377 : vector<16xf32>
        %parallel_loop3A_379 = arith.index_cast %parallel_loop3A_355 : i32 to index
        %parallel_loop3A_380 = arith.constant 16 : index
        %parallel_loop3A_381 = tpu.vector_load %arg12[%parallel_loop3A_379, %parallel_loop3A_380] {strides = array<i32>} : memref<80x128xf32, #tpu.memory_space<vmem>>, vector<1x16xf32>,
        %parallel_loop3A_382 = vector.shape_cast %parallel_loop3A_381 : vector<1x16xf32> to vector<16xf32>
        %parallel_loop3A_383 = vector.shape_cast %parallel_loop3A_378 : vector<16xf32> to vector<1x16xf32>
        tpu.vector_store %arg12[%parallel_loop3A_379, %parallel_loop3A_380], %parallel_loop3A_383 {strides = array<i32>} : memref<80x128xf32, #tpu.memory_space<vmem>>, vector<1x16xf32>,
        %parallel_loop3A_384 = arith.index_cast %parallel_loop3A_355 : i32 to index
        %parallel_loop3A_385 = arith.constant 32 : index
        %parallel_loop3A_386 = tpu.vector_load %arg12[%parallel_loop3A_384, %parallel_loop3A_385] {strides = array<i32>} : memref<80x128xf32, #tpu.memory_space<vmem>>, vector<1x16xf32>,
        %parallel_loop3A_387 = vector.shape_cast %parallel_loop3A_386 : vector<1x16xf32> to vector<16xf32>
        %parallel_loop3A_388 = arith.index_cast %parallel_loop3A_355 : i32 to index
        %parallel_loop3A_389 = arith.constant 32 : index
        %parallel_loop3A_390 = tpu.vector_load %arg14[%parallel_loop3A_388, %parallel_loop3A_389] {strides = array<i32>} : memref<80x128xf32, #tpu.memory_space<vmem>>, vector<1x16xf32>,
        %parallel_loop3A_391 = vector.shape_cast %parallel_loop3A_390 : vector<1x16xf32> to vector<16xf32>
        %parallel_loop3A_392 = arith.mulf %parallel_loop3A_387, %parallel_loop3A_391 : vector<16xf32>
        %parallel_loop3A_393 = arith.index_cast %parallel_loop3A_355 : i32 to index
        %parallel_loop3A_394 = arith.constant 32 : index
        %parallel_loop3A_395 = tpu.vector_load %arg12[%parallel_loop3A_393, %parallel_loop3A_394] {strides = array<i32>} : memref<80x128xf32, #tpu.memory_space<vmem>>, vector<1x16xf32>,
        %parallel_loop3A_396 = vector.shape_cast %parallel_loop3A_395 : vector<1x16xf32> to vector<16xf32>
        %parallel_loop3A_397 = vector.shape_cast %parallel_loop3A_392 : vector<16xf32> to vector<1x16xf32>
        tpu.vector_store %arg12[%parallel_loop3A_393, %parallel_loop3A_394], %parallel_loop3A_397 {strides = array<i32>} : memref<80x128xf32, #tpu.memory_space<vmem>>, vector<1x16xf32>,
        %parallel_loop3A_398 = arith.index_cast %parallel_loop3A_355 : i32 to index
        %parallel_loop3A_399 = arith.constant 48 : index
        %parallel_loop3A_400 = tpu.vector_load %arg12[%parallel_loop3A_398, %parallel_loop3A_399] {strides = array<i32>} : memref<80x128xf32, #tpu.memory_space<vmem>>, vector<1x16xf32>,
        %parallel_loop3A_401 = vector.shape_cast %parallel_loop3A_400 : vector<1x16xf32> to vector<16xf32>
        %parallel_loop3A_402 = arith.index_cast %parallel_loop3A_355 : i32 to index
        %parallel_loop3A_403 = arith.constant 48 : index
        %parallel_loop3A_404 = tpu.vector_load %arg14[%parallel_loop3A_402, %parallel_loop3A_403] {strides = array<i32>} : memref<80x128xf32, #tpu.memory_space<vmem>>, vector<1x16xf32>,
        %parallel_loop3A_405 = vector.shape_cast %parallel_loop3A_404 : vector<1x16xf32> to vector<16xf32>
        %parallel_loop3A_406 = arith.mulf %parallel_loop3A_401, %parallel_loop3A_405 : vector<16xf32>
        %parallel_loop3A_407 = arith.index_cast %parallel_loop3A_355 : i32 to index
        %parallel_loop3A_408 = arith.constant 48 : index
        %parallel_loop3A_409 = tpu.vector_load %arg12[%parallel_loop3A_407, %parallel_loop3A_408] {strides = array<i32>} : memref<80x128xf32, #tpu.memory_space<vmem>>, vector<1x16xf32>,
        %parallel_loop3A_410 = vector.shape_cast %parallel_loop3A_409 : vector<1x16xf32> to vector<16xf32>
        %parallel_loop3A_411 = vector.shape_cast %parallel_loop3A_406 : vector<16xf32> to vector<1x16xf32>
        tpu.vector_store %arg12[%parallel_loop3A_407, %parallel_loop3A_408], %parallel_loop3A_411 {strides = array<i32>} : memref<80x128xf32, #tpu.memory_space<vmem>>, vector<1x16xf32>,
        %parallel_loop3A_412 = arith.index_cast %parallel_loop3A_355 : i32 to index
        %parallel_loop3A_413 = arith.constant 64 : index
        %parallel_loop3A_414 = tpu.vector_load %arg12[%parallel_loop3A_412, %parallel_loop3A_413] {strides = array<i32>} : memref<80x128xf32, #tpu.memory_space<vmem>>, vector<1x16xf32>,
        %parallel_loop3A_415 = vector.shape_cast %parallel_loop3A_414 : vector<1x16xf32> to vector<16xf32>
        %parallel_loop3A_416 = arith.index_cast %parallel_loop3A_355 : i32 to index
        %parallel_loop3A_417 = arith.constant 64 : index
        %parallel_loop3A_418 = tpu.vector_load %arg14[%parallel_loop3A_416, %parallel_loop3A_417] {strides = array<i32>} : memref<80x128xf32, #tpu.memory_space<vmem>>, vector<1x16xf32>,
        %parallel_loop3A_419 = vector.shape_cast %parallel_loop3A_418 : vector<1x16xf32> to vector<16xf32>
        %parallel_loop3A_420 = arith.mulf %parallel_loop3A_415, %parallel_loop3A_419 : vector<16xf32>
        %parallel_loop3A_421 = arith.index_cast %parallel_loop3A_355 : i32 to index
        %parallel_loop3A_422 = arith.constant 64 : index
        %parallel_loop3A_423 = tpu.vector_load %arg12[%parallel_loop3A_421, %parallel_loop3A_422] {strides = array<i32>} : memref<80x128xf32, #tpu.memory_space<vmem>>, vector<1x16xf32>,
        %parallel_loop3A_424 = vector.shape_cast %parallel_loop3A_423 : vector<1x16xf32> to vector<16xf32>
        %parallel_loop3A_425 = vector.shape_cast %parallel_loop3A_420 : vector<16xf32> to vector<1x16xf32>
        tpu.vector_store %arg12[%parallel_loop3A_421, %parallel_loop3A_422], %parallel_loop3A_425 {strides = array<i32>} : memref<80x128xf32, #tpu.memory_space<vmem>>, vector<1x16xf32>,
        %parallel_loop3A_426 = arith.index_cast %parallel_loop3A_355 : i32 to index
        %parallel_loop3A_427 = arith.constant 80 : index
        %parallel_loop3A_428 = tpu.vector_load %arg12[%parallel_loop3A_426, %parallel_loop3A_427] {strides = array<i32>} : memref<80x128xf32, #tpu.memory_space<vmem>>, vector<1x16xf32>,
        %parallel_loop3A_429 = vector.shape_cast %parallel_loop3A_428 : vector<1x16xf32> to vector<16xf32>
        %parallel_loop3A_430 = arith.index_cast %parallel_loop3A_355 : i32 to index
        %parallel_loop3A_431 = arith.constant 80 : index
        %parallel_loop3A_432 = tpu.vector_load %arg14[%parallel_loop3A_430, %parallel_loop3A_431] {strides = array<i32>} : memref<80x128xf32, #tpu.memory_space<vmem>>, vector<1x16xf32>,
        %parallel_loop3A_433 = vector.shape_cast %parallel_loop3A_432 : vector<1x16xf32> to vector<16xf32>
        %parallel_loop3A_434 = arith.mulf %parallel_loop3A_429, %parallel_loop3A_433 : vector<16xf32>
        %parallel_loop3A_435 = arith.index_cast %parallel_loop3A_355 : i32 to index
        %parallel_loop3A_436 = arith.constant 80 : index
        %parallel_loop3A_437 = tpu.vector_load %arg12[%parallel_loop3A_435, %parallel_loop3A_436] {strides = array<i32>} : memref<80x128xf32, #tpu.memory_space<vmem>>, vector<1x16xf32>,
        %parallel_loop3A_438 = vector.shape_cast %parallel_loop3A_437 : vector<1x16xf32> to vector<16xf32>
        %parallel_loop3A_439 = vector.shape_cast %parallel_loop3A_434 : vector<16xf32> to vector<1x16xf32>
        tpu.vector_store %arg12[%parallel_loop3A_435, %parallel_loop3A_436], %parallel_loop3A_439 {strides = array<i32>} : memref<80x128xf32, #tpu.memory_space<vmem>>, vector<1x16xf32>,
        %parallel_loop3A_440 = arith.index_cast %parallel_loop3A_355 : i32 to index
        %parallel_loop3A_441 = arith.constant 96 : index
        %parallel_loop3A_442 = tpu.vector_load %arg12[%parallel_loop3A_440, %parallel_loop3A_441] {strides = array<i32>} : memref<80x128xf32, #tpu.memory_space<vmem>>, vector<1x16xf32>,
        %parallel_loop3A_443 = vector.shape_cast %parallel_loop3A_442 : vector<1x16xf32> to vector<16xf32>
        %parallel_loop3A_444 = arith.index_cast %parallel_loop3A_355 : i32 to index
        %parallel_loop3A_445 = arith.constant 96 : index
        %parallel_loop3A_446 = tpu.vector_load %arg14[%parallel_loop3A_444, %parallel_loop3A_445] {strides = array<i32>} : memref<80x128xf32, #tpu.memory_space<vmem>>, vector<1x16xf32>,
        %parallel_loop3A_447 = vector.shape_cast %parallel_loop3A_446 : vector<1x16xf32> to vector<16xf32>
        %parallel_loop3A_448 = arith.mulf %parallel_loop3A_443, %parallel_loop3A_447 : vector<16xf32>
        %parallel_loop3A_449 = arith.index_cast %parallel_loop3A_355 : i32 to index
        %parallel_loop3A_450 = arith.constant 96 : index
        %parallel_loop3A_451 = tpu.vector_load %arg12[%parallel_loop3A_449, %parallel_loop3A_450] {strides = array<i32>} : memref<80x128xf32, #tpu.memory_space<vmem>>, vector<1x16xf32>,
        %parallel_loop3A_452 = vector.shape_cast %parallel_loop3A_451 : vector<1x16xf32> to vector<16xf32>
        %parallel_loop3A_453 = vector.shape_cast %parallel_loop3A_448 : vector<16xf32> to vector<1x16xf32>
        tpu.vector_store %arg12[%parallel_loop3A_449, %parallel_loop3A_450], %parallel_loop3A_453 {strides = array<i32>} : memref<80x128xf32, #tpu.memory_space<vmem>>, vector<1x16xf32>,
        %parallel_loop3A_454 = arith.index_cast %parallel_loop3A_355 : i32 to index
        %parallel_loop3A_455 = arith.constant 112 : index
        %parallel_loop3A_456 = tpu.vector_load %arg12[%parallel_loop3A_454, %parallel_loop3A_455] {strides = array<i32>} : memref<80x128xf32, #tpu.memory_space<vmem>>, vector<1x16xf32>,
        %parallel_loop3A_457 = vector.shape_cast %parallel_loop3A_456 : vector<1x16xf32> to vector<16xf32>
        %parallel_loop3A_458 = arith.index_cast %parallel_loop3A_355 : i32 to index
        %parallel_loop3A_459 = arith.constant 112 : index
        %parallel_loop3A_460 = tpu.vector_load %arg14[%parallel_loop3A_458, %parallel_loop3A_459] {strides = array<i32>} : memref<80x128xf32, #tpu.memory_space<vmem>>, vector<1x16xf32>,
        %parallel_loop3A_461 = vector.shape_cast %parallel_loop3A_460 : vector<1x16xf32> to vector<16xf32>
        %parallel_loop3A_462 = arith.mulf %parallel_loop3A_457, %parallel_loop3A_461 : vector<16xf32>
        %parallel_loop3A_463 = arith.index_cast %parallel_loop3A_355 : i32 to index
        %parallel_loop3A_464 = arith.constant 112 : index
        %parallel_loop3A_465 = tpu.vector_load %arg12[%parallel_loop3A_463, %parallel_loop3A_464] {strides = array<i32>} : memref<80x128xf32, #tpu.memory_space<vmem>>, vector<1x16xf32>,
        %parallel_loop3A_466 = vector.shape_cast %parallel_loop3A_465 : vector<1x16xf32> to vector<16xf32>
        %parallel_loop3A_467 = vector.shape_cast %parallel_loop3A_462 : vector<16xf32> to vector<1x16xf32>
        tpu.vector_store %arg12[%parallel_loop3A_463, %parallel_loop3A_464], %parallel_loop3A_467 {strides = array<i32>} : memref<80x128xf32, #tpu.memory_space<vmem>>, vector<1x16xf32>,
      } {sc.loop_unroll_factor = 4 : i64, sc.parallel_access}
      %dma_start3A_347 = arith.constant 2 : i32
      %dma_start3A_348 = arith.constant 0 : i32
      %dma_start3A_349 = tpu.memref_slice %arg10[%dma_start3A_347, %dma_start3A_348] : memref<3x80xi32, #tpu.memory_space<vmem>> -> memref<1x80xi32, #tpu.memory_space<vmem>>
      %dma_start3A_350 = tpu.memref_squeeze %dma_start3A_349 : memref<1x80xi32, #tpu.memory_space<vmem>> -> memref<80xi32, #tpu.memory_space<vmem>>
      %dma_start3A_351 = arith.constant 0 : i32
      %dma_start3A_352 = arith.constant 0 : i32
      %dma_start3A_353 = tpu.memref_slice %arg15[%dma_start3A_351, %dma_start3A_352] : memref<10000x128xf32, #tpu.memory_space<vmem_shared>> -> memref<10000x128xf32, #tpu.memory_space<vmem_shared>>
      tpu.enqueue_indirect_dma source(%arg12 : memref<80x128xf32, #tpu.memory_space<vmem>>) target(%dma_start3A_353 : memref<10000x128xf32, #tpu.memory_space<vmem_shared>>) offsets(%dma_start3A_350 : memref<80xi32, #tpu.memory_space<vmem>>) semaphore(%arg26 : memref<!tpu.dma_semaphore, #tpu.memory_space<semaphore_mem>>) {add = true}
      %scan3A_354 = arith.constant 0 : i32
      scf.yield %scan3A_354 : i32
    }
    %scan3A_147 = arith.constant 31 : i32
    %dma_wait3A_148 = arith.constant 0 : i32
    %dma_wait3A_149 = arith.constant 0 : i32
    %dma_wait3A_150 = tpu.memref_slice %arg7[%dma_wait3A_148, %dma_wait3A_149] : memref<3x80xi32, #tpu.memory_space<vmem>> -> memref<1x80xi32, #tpu.memory_space<vmem>>
    %dma_wait3A_151 = tpu.memref_squeeze %dma_wait3A_150 : memref<1x80xi32, #tpu.memory_space<vmem>> -> memref<80xi32, #tpu.memory_space<vmem>>
    %dma_wait3A_152 = arith.constant 0 : i32
    %dma_wait3A_153 = arith.constant 0 : i32
    %dma_wait3A_154 = tpu.memref_slice %arg4[%dma_wait3A_152, %dma_wait3A_153] : memref<10000x128xf32, #tpu.memory_space<hbm>> -> memref<10000x128xf32, #tpu.memory_space<hbm>>
    tpu.wait_indirect_dma semaphore(%arg21 : memref<!tpu.dma_semaphore, #tpu.memory_space<semaphore_mem>>) src(%dma_wait3A_154 : memref<10000x128xf32, #tpu.memory_space<hbm>>) dst(%arg11 : memref<80x128xf32, #tpu.memory_space<vmem>>)
    %dma_wait3A_155 = arith.constant 1 : i32
    %dma_wait3A_156 = arith.constant 0 : i32
    %dma_wait3A_157 = tpu.memref_slice %arg7[%dma_wait3A_155, %dma_wait3A_156] : memref<3x80xi32, #tpu.memory_space<vmem>> -> memref<1x80xi32, #tpu.memory_space<vmem>>
    %dma_wait3A_158 = tpu.memref_squeeze %dma_wait3A_157 : memref<1x80xi32, #tpu.memory_space<vmem>> -> memref<80xi32, #tpu.memory_space<vmem>>
    %dma_wait3A_159 = arith.constant 0 : i32
    %dma_wait3A_160 = arith.constant 0 : i32
    %dma_wait3A_161 = tpu.memref_slice %arg16[%dma_wait3A_159, %dma_wait3A_160] : memref<400x128xf32, #tpu.memory_space<vmem_shared>> -> memref<400x128xf32, #tpu.memory_space<vmem_shared>>
    tpu.wait_indirect_dma semaphore(%arg23 : memref<!tpu.dma_semaphore, #tpu.memory_space<semaphore_mem>>) src(%dma_wait3A_161 : memref<400x128xf32, #tpu.memory_space<vmem_shared>>) dst(%arg13 : memref<80x128xf32, #tpu.memory_space<vmem>>)
    %parallel_loop3A = arith.constant 0 : i32
    %parallel_loop3A_162 = arith.constant 80 : i32
    %parallel_loop3A_163 = arith.constant 1 : i32
    scf.for %parallel_loop3A_191 = %parallel_loop3A to %parallel_loop3A_162 step %parallel_loop3A_163  : i32 {
      %parallel_loop3A_192 = arith.index_cast %parallel_loop3A_191 : i32 to index
      %parallel_loop3A_193 = arith.constant 0 : index
      %parallel_loop3A_194 = tpu.vector_load %arg11[%parallel_loop3A_192, %parallel_loop3A_193] {strides = array<i32>} : memref<80x128xf32, #tpu.memory_space<vmem>>, vector<1x16xf32>,
      %parallel_loop3A_195 = vector.shape_cast %parallel_loop3A_194 : vector<1x16xf32> to vector<16xf32>
      %parallel_loop3A_196 = arith.index_cast %parallel_loop3A_191 : i32 to index
      %parallel_loop3A_197 = arith.constant 0 : index
      %parallel_loop3A_198 = tpu.vector_load %arg13[%parallel_loop3A_196, %parallel_loop3A_197] {strides = array<i32>} : memref<80x128xf32, #tpu.memory_space<vmem>>, vector<1x16xf32>,
      %parallel_loop3A_199 = vector.shape_cast %parallel_loop3A_198 : vector<1x16xf32> to vector<16xf32>
      %parallel_loop3A_200 = arith.mulf %parallel_loop3A_195, %parallel_loop3A_199 : vector<16xf32>
      %parallel_loop3A_201 = arith.index_cast %parallel_loop3A_191 : i32 to index
      %parallel_loop3A_202 = arith.constant 0 : index
      %parallel_loop3A_203 = tpu.vector_load %arg11[%parallel_loop3A_201, %parallel_loop3A_202] {strides = array<i32>} : memref<80x128xf32, #tpu.memory_space<vmem>>, vector<1x16xf32>,
      %parallel_loop3A_204 = vector.shape_cast %parallel_loop3A_203 : vector<1x16xf32> to vector<16xf32>
      %parallel_loop3A_205 = vector.shape_cast %parallel_loop3A_200 : vector<16xf32> to vector<1x16xf32>
      tpu.vector_store %arg11[%parallel_loop3A_201, %parallel_loop3A_202], %parallel_loop3A_205 {strides = array<i32>} : memref<80x128xf32, #tpu.memory_space<vmem>>, vector<1x16xf32>,
      %parallel_loop3A_206 = arith.index_cast %parallel_loop3A_191 : i32 to index
      %parallel_loop3A_207 = arith.constant 16 : index
      %parallel_loop3A_208 = tpu.vector_load %arg11[%parallel_loop3A_206, %parallel_loop3A_207] {strides = array<i32>} : memref<80x128xf32, #tpu.memory_space<vmem>>, vector<1x16xf32>,
      %parallel_loop3A_209 = vector.shape_cast %parallel_loop3A_208 : vector<1x16xf32> to vector<16xf32>
      %parallel_loop3A_210 = arith.index_cast %parallel_loop3A_191 : i32 to index
      %parallel_loop3A_211 = arith.constant 16 : index
      %parallel_loop3A_212 = tpu.vector_load %arg13[%parallel_loop3A_210, %parallel_loop3A_211] {strides = array<i32>} : memref<80x128xf32, #tpu.memory_space<vmem>>, vector<1x16xf32>,
      %parallel_loop3A_213 = vector.shape_cast %parallel_loop3A_212 : vector<1x16xf32> to vector<16xf32>
      %parallel_loop3A_214 = arith.mulf %parallel_loop3A_209, %parallel_loop3A_213 : vector<16xf32>
      %parallel_loop3A_215 = arith.index_cast %parallel_loop3A_191 : i32 to index
      %parallel_loop3A_216 = arith.constant 16 : index
      %parallel_loop3A_217 = tpu.vector_load %arg11[%parallel_loop3A_215, %parallel_loop3A_216] {strides = array<i32>} : memref<80x128xf32, #tpu.memory_space<vmem>>, vector<1x16xf32>,
      %parallel_loop3A_218 = vector.shape_cast %parallel_loop3A_217 : vector<1x16xf32> to vector<16xf32>
      %parallel_loop3A_219 = vector.shape_cast %parallel_loop3A_214 : vector<16xf32> to vector<1x16xf32>
      tpu.vector_store %arg11[%parallel_loop3A_215, %parallel_loop3A_216], %parallel_loop3A_219 {strides = array<i32>} : memref<80x128xf32, #tpu.memory_space<vmem>>, vector<1x16xf32>,
      %parallel_loop3A_220 = arith.index_cast %parallel_loop3A_191 : i32 to index
      %parallel_loop3A_221 = arith.constant 32 : index
      %parallel_loop3A_222 = tpu.vector_load %arg11[%parallel_loop3A_220, %parallel_loop3A_221] {strides = array<i32>} : memref<80x128xf32, #tpu.memory_space<vmem>>, vector<1x16xf32>,
      %parallel_loop3A_223 = vector.shape_cast %parallel_loop3A_222 : vector<1x16xf32> to vector<16xf32>
      %parallel_loop3A_224 = arith.index_cast %parallel_loop3A_191 : i32 to index
      %parallel_loop3A_225 = arith.constant 32 : index
      %parallel_loop3A_226 = tpu.vector_load %arg13[%parallel_loop3A_224, %parallel_loop3A_225] {strides = array<i32>} : memref<80x128xf32, #tpu.memory_space<vmem>>, vector<1x16xf32>,
      %parallel_loop3A_227 = vector.shape_cast %parallel_loop3A_226 : vector<1x16xf32> to vector<16xf32>
      %parallel_loop3A_228 = arith.mulf %parallel_loop3A_223, %parallel_loop3A_227 : vector<16xf32>
      %parallel_loop3A_229 = arith.index_cast %parallel_loop3A_191 : i32 to index
      %parallel_loop3A_230 = arith.constant 32 : index
      %parallel_loop3A_231 = tpu.vector_load %arg11[%parallel_loop3A_229, %parallel_loop3A_230] {strides = array<i32>} : memref<80x128xf32, #tpu.memory_space<vmem>>, vector<1x16xf32>,
      %parallel_loop3A_232 = vector.shape_cast %parallel_loop3A_231 : vector<1x16xf32> to vector<16xf32>
      %parallel_loop3A_233 = vector.shape_cast %parallel_loop3A_228 : vector<16xf32> to vector<1x16xf32>
      tpu.vector_store %arg11[%parallel_loop3A_229, %parallel_loop3A_230], %parallel_loop3A_233 {strides = array<i32>} : memref<80x128xf32, #tpu.memory_space<vmem>>, vector<1x16xf32>,
      %parallel_loop3A_234 = arith.index_cast %parallel_loop3A_191 : i32 to index
      %parallel_loop3A_235 = arith.constant 48 : index
      %parallel_loop3A_236 = tpu.vector_load %arg11[%parallel_loop3A_234, %parallel_loop3A_235] {strides = array<i32>} : memref<80x128xf32, #tpu.memory_space<vmem>>, vector<1x16xf32>,
      %parallel_loop3A_237 = vector.shape_cast %parallel_loop3A_236 : vector<1x16xf32> to vector<16xf32>
      %parallel_loop3A_238 = arith.index_cast %parallel_loop3A_191 : i32 to index
      %parallel_loop3A_239 = arith.constant 48 : index
      %parallel_loop3A_240 = tpu.vector_load %arg13[%parallel_loop3A_238, %parallel_loop3A_239] {strides = array<i32>} : memref<80x128xf32, #tpu.memory_space<vmem>>, vector<1x16xf32>,
      %parallel_loop3A_241 = vector.shape_cast %parallel_loop3A_240 : vector<1x16xf32> to vector<16xf32>
      %parallel_loop3A_242 = arith.mulf %parallel_loop3A_237, %parallel_loop3A_241 : vector<16xf32>
      %parallel_loop3A_243 = arith.index_cast %parallel_loop3A_191 : i32 to index
      %parallel_loop3A_244 = arith.constant 48 : index
      %parallel_loop3A_245 = tpu.vector_load %arg11[%parallel_loop3A_243, %parallel_loop3A_244] {strides = array<i32>} : memref<80x128xf32, #tpu.memory_space<vmem>>, vector<1x16xf32>,
      %parallel_loop3A_246 = vector.shape_cast %parallel_loop3A_245 : vector<1x16xf32> to vector<16xf32>
      %parallel_loop3A_247 = vector.shape_cast %parallel_loop3A_242 : vector<16xf32> to vector<1x16xf32>
      tpu.vector_store %arg11[%parallel_loop3A_243, %parallel_loop3A_244], %parallel_loop3A_247 {strides = array<i32>} : memref<80x128xf32, #tpu.memory_space<vmem>>, vector<1x16xf32>,
      %parallel_loop3A_248 = arith.index_cast %parallel_loop3A_191 : i32 to index
      %parallel_loop3A_249 = arith.constant 64 : index
      %parallel_loop3A_250 = tpu.vector_load %arg11[%parallel_loop3A_248, %parallel_loop3A_249] {strides = array<i32>} : memref<80x128xf32, #tpu.memory_space<vmem>>, vector<1x16xf32>,
      %parallel_loop3A_251 = vector.shape_cast %parallel_loop3A_250 : vector<1x16xf32> to vector<16xf32>
      %parallel_loop3A_252 = arith.index_cast %parallel_loop3A_191 : i32 to index
      %parallel_loop3A_253 = arith.constant 64 : index
      %parallel_loop3A_254 = tpu.vector_load %arg13[%parallel_loop3A_252, %parallel_loop3A_253] {strides = array<i32>} : memref<80x128xf32, #tpu.memory_space<vmem>>, vector<1x16xf32>,
      %parallel_loop3A_255 = vector.shape_cast %parallel_loop3A_254 : vector<1x16xf32> to vector<16xf32>
      %parallel_loop3A_256 = arith.mulf %parallel_loop3A_251, %parallel_loop3A_255 : vector<16xf32>
      %parallel_loop3A_257 = arith.index_cast %parallel_loop3A_191 : i32 to index
      %parallel_loop3A_258 = arith.constant 64 : index
      %parallel_loop3A_259 = tpu.vector_load %arg11[%parallel_loop3A_257, %parallel_loop3A_258] {strides = array<i32>} : memref<80x128xf32, #tpu.memory_space<vmem>>, vector<1x16xf32>,
      %parallel_loop3A_260 = vector.shape_cast %parallel_loop3A_259 : vector<1x16xf32> to vector<16xf32>
      %parallel_loop3A_261 = vector.shape_cast %parallel_loop3A_256 : vector<16xf32> to vector<1x16xf32>
      tpu.vector_store %arg11[%parallel_loop3A_257, %parallel_loop3A_258], %parallel_loop3A_261 {strides = array<i32>} : memref<80x128xf32, #tpu.memory_space<vmem>>, vector<1x16xf32>,
      %parallel_loop3A_262 = arith.index_cast %parallel_loop3A_191 : i32 to index
      %parallel_loop3A_263 = arith.constant 80 : index
      %parallel_loop3A_264 = tpu.vector_load %arg11[%parallel_loop3A_262, %parallel_loop3A_263] {strides = array<i32>} : memref<80x128xf32, #tpu.memory_space<vmem>>, vector<1x16xf32>,
      %parallel_loop3A_265 = vector.shape_cast %parallel_loop3A_264 : vector<1x16xf32> to vector<16xf32>
      %parallel_loop3A_266 = arith.index_cast %parallel_loop3A_191 : i32 to index
      %parallel_loop3A_267 = arith.constant 80 : index
      %parallel_loop3A_268 = tpu.vector_load %arg13[%parallel_loop3A_266, %parallel_loop3A_267] {strides = array<i32>} : memref<80x128xf32, #tpu.memory_space<vmem>>, vector<1x16xf32>,
      %parallel_loop3A_269 = vector.shape_cast %parallel_loop3A_268 : vector<1x16xf32> to vector<16xf32>
      %parallel_loop3A_270 = arith.mulf %parallel_loop3A_265, %parallel_loop3A_269 : vector<16xf32>
      %parallel_loop3A_271 = arith.index_cast %parallel_loop3A_191 : i32 to index
      %parallel_loop3A_272 = arith.constant 80 : index
      %parallel_loop3A_273 = tpu.vector_load %arg11[%parallel_loop3A_271, %parallel_loop3A_272] {strides = array<i32>} : memref<80x128xf32, #tpu.memory_space<vmem>>, vector<1x16xf32>,
      %parallel_loop3A_274 = vector.shape_cast %parallel_loop3A_273 : vector<1x16xf32> to vector<16xf32>
      %parallel_loop3A_275 = vector.shape_cast %parallel_loop3A_270 : vector<16xf32> to vector<1x16xf32>
      tpu.vector_store %arg11[%parallel_loop3A_271, %parallel_loop3A_272], %parallel_loop3A_275 {strides = array<i32>} : memref<80x128xf32, #tpu.memory_space<vmem>>, vector<1x16xf32>,
      %parallel_loop3A_276 = arith.index_cast %parallel_loop3A_191 : i32 to index
      %parallel_loop3A_277 = arith.constant 96 : index
      %parallel_loop3A_278 = tpu.vector_load %arg11[%parallel_loop3A_276, %parallel_loop3A_277] {strides = array<i32>} : memref<80x128xf32, #tpu.memory_space<vmem>>, vector<1x16xf32>,
      %parallel_loop3A_279 = vector.shape_cast %parallel_loop3A_278 : vector<1x16xf32> to vector<16xf32>
      %parallel_loop3A_280 = arith.index_cast %parallel_loop3A_191 : i32 to index
      %parallel_loop3A_281 = arith.constant 96 : index
      %parallel_loop3A_282 = tpu.vector_load %arg13[%parallel_loop3A_280, %parallel_loop3A_281] {strides = array<i32>} : memref<80x128xf32, #tpu.memory_space<vmem>>, vector<1x16xf32>,
      %parallel_loop3A_283 = vector.shape_cast %parallel_loop3A_282 : vector<1x16xf32> to vector<16xf32>
      %parallel_loop3A_284 = arith.mulf %parallel_loop3A_279, %parallel_loop3A_283 : vector<16xf32>
      %parallel_loop3A_285 = arith.index_cast %parallel_loop3A_191 : i32 to index
      %parallel_loop3A_286 = arith.constant 96 : index
      %parallel_loop3A_287 = tpu.vector_load %arg11[%parallel_loop3A_285, %parallel_loop3A_286] {strides = array<i32>} : memref<80x128xf32, #tpu.memory_space<vmem>>, vector<1x16xf32>,
      %parallel_loop3A_288 = vector.shape_cast %parallel_loop3A_287 : vector<1x16xf32> to vector<16xf32>
      %parallel_loop3A_289 = vector.shape_cast %parallel_loop3A_284 : vector<16xf32> to vector<1x16xf32>
      tpu.vector_store %arg11[%parallel_loop3A_285, %parallel_loop3A_286], %parallel_loop3A_289 {strides = array<i32>} : memref<80x128xf32, #tpu.memory_space<vmem>>, vector<1x16xf32>,
      %parallel_loop3A_290 = arith.index_cast %parallel_loop3A_191 : i32 to index
      %parallel_loop3A_291 = arith.constant 112 : index
      %parallel_loop3A_292 = tpu.vector_load %arg11[%parallel_loop3A_290, %parallel_loop3A_291] {strides = array<i32>} : memref<80x128xf32, #tpu.memory_space<vmem>>, vector<1x16xf32>,
      %parallel_loop3A_293 = vector.shape_cast %parallel_loop3A_292 : vector<1x16xf32> to vector<16xf32>
      %parallel_loop3A_294 = arith.index_cast %parallel_loop3A_191 : i32 to index
      %parallel_loop3A_295 = arith.constant 112 : index
      %parallel_loop3A_296 = tpu.vector_load %arg13[%parallel_loop3A_294, %parallel_loop3A_295] {strides = array<i32>} : memref<80x128xf32, #tpu.memory_space<vmem>>, vector<1x16xf32>,
      %parallel_loop3A_297 = vector.shape_cast %parallel_loop3A_296 : vector<1x16xf32> to vector<16xf32>
      %parallel_loop3A_298 = arith.mulf %parallel_loop3A_293, %parallel_loop3A_297 : vector<16xf32>
      %parallel_loop3A_299 = arith.index_cast %parallel_loop3A_191 : i32 to index
      %parallel_loop3A_300 = arith.constant 112 : index
      %parallel_loop3A_301 = tpu.vector_load %arg11[%parallel_loop3A_299, %parallel_loop3A_300] {strides = array<i32>} : memref<80x128xf32, #tpu.memory_space<vmem>>, vector<1x16xf32>,
      %parallel_loop3A_302 = vector.shape_cast %parallel_loop3A_301 : vector<1x16xf32> to vector<16xf32>
      %parallel_loop3A_303 = vector.shape_cast %parallel_loop3A_298 : vector<16xf32> to vector<1x16xf32>
      tpu.vector_store %arg11[%parallel_loop3A_299, %parallel_loop3A_300], %parallel_loop3A_303 {strides = array<i32>} : memref<80x128xf32, #tpu.memory_space<vmem>>, vector<1x16xf32>,
    } {sc.loop_unroll_factor = 4 : i64, sc.parallel_access}
    %dma_start3A_164 = arith.constant 2 : i32
    %dma_start3A_165 = arith.constant 0 : i32
    %dma_start3A_166 = tpu.memref_slice %arg7[%dma_start3A_164, %dma_start3A_165] : memref<3x80xi32, #tpu.memory_space<vmem>> -> memref<1x80xi32, #tpu.memory_space<vmem>>
    %dma_start3A_167 = tpu.memref_squeeze %dma_start3A_166 : memref<1x80xi32, #tpu.memory_space<vmem>> -> memref<80xi32, #tpu.memory_space<vmem>>
    %dma_start3A_168 = arith.constant 0 : i32
    %dma_start3A_169 = arith.constant 0 : i32
    %dma_start3A_170 = tpu.memref_slice %arg15[%dma_start3A_168, %dma_start3A_169] : memref<10000x128xf32, #tpu.memory_space<vmem_shared>> -> memref<10000x128xf32, #tpu.memory_space<vmem_shared>>
    tpu.enqueue_indirect_dma source(%arg11 : memref<80x128xf32, #tpu.memory_space<vmem>>) target(%dma_start3A_170 : memref<10000x128xf32, #tpu.memory_space<vmem_shared>>) offsets(%dma_start3A_167 : memref<80xi32, #tpu.memory_space<vmem>>) semaphore(%arg25 : memref<!tpu.dma_semaphore, #tpu.memory_space<semaphore_mem>>) {add = true}
    %dma_wait3A_171 = arith.constant 2 : i32
    %dma_wait3A_172 = arith.constant 0 : i32
    %dma_wait3A_173 = tpu.memref_slice %arg10[%dma_wait3A_171, %dma_wait3A_172] : memref<3x80xi32, #tpu.memory_space<vmem>> -> memref<1x80xi32, #tpu.memory_space<vmem>>
    %dma_wait3A_174 = tpu.memref_squeeze %dma_wait3A_173 : memref<1x80xi32, #tpu.memory_space<vmem>> -> memref<80xi32, #tpu.memory_space<vmem>>
    %dma_wait3A_175 = arith.constant 0 : i32
    %dma_wait3A_176 = arith.constant 0 : i32
    %dma_wait3A_177 = tpu.memref_slice %arg15[%dma_wait3A_175, %dma_wait3A_176] : memref<10000x128xf32, #tpu.memory_space<vmem_shared>> -> memref<10000x128xf32, #tpu.memory_space<vmem_shared>>
    tpu.wait_indirect_dma semaphore(%arg26 : memref<!tpu.dma_semaphore, #tpu.memory_space<semaphore_mem>>) src(%arg12 : memref<80x128xf32, #tpu.memory_space<vmem>>) dst(%dma_wait3A_177 : memref<10000x128xf32, #tpu.memory_space<vmem_shared>>)
    %dma_wait3A_178 = arith.constant 2 : i32
    %dma_wait3A_179 = arith.constant 0 : i32
    %dma_wait3A_180 = tpu.memref_slice %arg7[%dma_wait3A_178, %dma_wait3A_179] : memref<3x80xi32, #tpu.memory_space<vmem>> -> memref<1x80xi32, #tpu.memory_space<vmem>>
    %dma_wait3A_181 = tpu.memref_squeeze %dma_wait3A_180 : memref<1x80xi32, #tpu.memory_space<vmem>> -> memref<80xi32, #tpu.memory_space<vmem>>
    %dma_wait3A_182 = arith.constant 0 : i32
    %dma_wait3A_183 = arith.constant 0 : i32
    %dma_wait3A_184 = tpu.memref_slice %arg15[%dma_wait3A_182, %dma_wait3A_183] : memref<10000x128xf32, #tpu.memory_space<vmem_shared>> -> memref<10000x128xf32, #tpu.memory_space<vmem_shared>>
    tpu.wait_indirect_dma semaphore(%arg25 : memref<!tpu.dma_semaphore, #tpu.memory_space<semaphore_mem>>) src(%arg11 : memref<80x128xf32, #tpu.memory_space<vmem>>) dst(%dma_wait3A_184 : memref<10000x128xf32, #tpu.memory_space<vmem_shared>>)
    %barrier3A_185 = arith.constant 0 : index
    tpu.barrier barrier_id(%barrier3A_185)
    "tpu.region"() ({
      %run_scoped3A = tpu.sem_alloc : memref<!tpu.dma_semaphore, #tpu.memory_space<semaphore_mem>>
      %dma_start3A_191 = arith.constant 0 : i32
      %dma_start3A_192 = tpu.memref_slice %arg6[%arg0, %mul3A_11, %dma_start3A_191] : memref<2x10000x128xf32, #tpu.memory_space<hbm>> -> memref<1x624x128xf32, #tpu.memory_space<hbm>>
      %dma_start3A_193 = tpu.memref_squeeze %dma_start3A_192 : memref<1x624x128xf32, #tpu.memory_space<hbm>> -> memref<624x128xf32, #tpu.memory_space<hbm>>
      %dma_start3A_194 = arith.constant 0 : i32
      %dma_start3A_195 = tpu.memref_slice %arg15[%mul3A_11, %dma_start3A_194] : memref<10000x128xf32, #tpu.memory_space<vmem_shared>> -> memref<624x128xf32, #tpu.memory_space<vmem_shared>>
      tpu.enqueue_dma source(%dma_start3A_195 : memref<624x128xf32, #tpu.memory_space<vmem_shared>>) target(%dma_start3A_193 : memref<624x128xf32, #tpu.memory_space<hbm>>) target_semaphore(%run_scoped3A : memref<!tpu.dma_semaphore, #tpu.memory_space<semaphore_mem>>)
      %dma_wait3A_196 = arith.constant 0 : i32
      %dma_wait3A_197 = tpu.memref_slice %arg6[%arg0, %mul3A_11, %dma_wait3A_196] : memref<2x10000x128xf32, #tpu.memory_space<hbm>> -> memref<1x624x128xf32, #tpu.memory_space<hbm>>
      %dma_wait3A_198 = tpu.memref_squeeze %dma_wait3A_197 : memref<1x624x128xf32, #tpu.memory_space<hbm>> -> memref<624x128xf32, #tpu.memory_space<hbm>>
      %dma_wait3A_199 = arith.constant 0 : i32
      %dma_wait3A_200 = tpu.memref_slice %arg15[%mul3A_11, %dma_wait3A_199] : memref<10000x128xf32, #tpu.memory_space<vmem_shared>> -> memref<624x128xf32, #tpu.memory_space<vmem_shared>>
      tpu.wait_dma2 semaphore(%run_scoped3A : memref<!tpu.dma_semaphore, #tpu.memory_space<semaphore_mem>>) src(%dma_wait3A_200 : memref<624x128xf32, #tpu.memory_space<vmem_shared>>) dst(%dma_wait3A_198 : memref<624x128xf32, #tpu.memory_space<hbm>>)
      tpu.yield
    }) : () -> ()
    %eq3A_186 = arith.constant 15 : i32
    %eq3A_187 = arith.cmpi eq, %arg1, %eq3A_186 : i32
    %convert_element_type3A_188 = arith.extui %eq3A_187 : i1 to i32
    %cond3A_189 = arith.constant 0 : i32
    %cond3A_190 = arith.cmpi ne, %convert_element_type3A_188, %cond3A_189 : i32
    scf.if %cond3A_190 {
      "tpu.region"() ({
        %run_scoped3A = tpu.sem_alloc : memref<!tpu.dma_semaphore, #tpu.memory_space<semaphore_mem>>
        %dma_start3A_191 = arith.constant 9984 : i32
        %dma_start3A_192 = arith.constant 0 : i32
        %dma_start3A_193 = tpu.memref_slice %arg6[%arg0, %dma_start3A_191, %dma_start3A_192] : memref<2x10000x128xf32, #tpu.memory_space<hbm>> -> memref<1x16x128xf32, #tpu.memory_space<hbm>>
        %dma_start3A_194 = tpu.memref_squeeze %dma_start3A_193 : memref<1x16x128xf32, #tpu.memory_space<hbm>> -> memref<16x128xf32, #tpu.memory_space<hbm>>
        %dma_start3A_195 = arith.constant 9984 : i32
        %dma_start3A_196 = arith.constant 0 : i32
        %dma_start3A_197 = tpu.memref_slice %arg15[%dma_start3A_195, %dma_start3A_196] : memref<10000x128xf32, #tpu.memory_space<vmem_shared>> -> memref<16x128xf32, #tpu.memory_space<vmem_shared>>
        tpu.enqueue_dma source(%dma_start3A_197 : memref<16x128xf32, #tpu.memory_space<vmem_shared>>) target(%dma_start3A_194 : memref<16x128xf32, #tpu.memory_space<hbm>>) target_semaphore(%run_scoped3A : memref<!tpu.dma_semaphore, #tpu.memory_space<semaphore_mem>>)
        %dma_wait3A_198 = arith.constant 9984 : i32
        %dma_wait3A_199 = arith.constant 0 : i32
        %dma_wait3A_200 = tpu.memref_slice %arg6[%arg0, %dma_wait3A_198, %dma_wait3A_199] : memref<2x10000x128xf32, #tpu.memory_space<hbm>> -> memref<1x16x128xf32, #tpu.memory_space<hbm>>
        %dma_wait3A_201 = tpu.memref_squeeze %dma_wait3A_200 : memref<1x16x128xf32, #tpu.memory_space<hbm>> -> memref<16x128xf32, #tpu.memory_space<hbm>>
        %dma_wait3A_202 = arith.constant 9984 : i32
        %dma_wait3A_203 = arith.constant 0 : i32
        %dma_wait3A_204 = tpu.memref_slice %arg15[%dma_wait3A_202, %dma_wait3A_203] : memref<10000x128xf32, #tpu.memory_space<vmem_shared>> -> memref<16x128xf32, #tpu.memory_space<vmem_shared>>
        tpu.wait_dma2 semaphore(%run_scoped3A : memref<!tpu.dma_semaphore, #tpu.memory_space<semaphore_mem>>) src(%dma_wait3A_204 : memref<16x128xf32, #tpu.memory_space<vmem_shared>>) dst(%dma_wait3A_201 : memref<16x128xf32, #tpu.memory_space<hbm>>)
        tpu.yield
      }) : () -> ()
    } else {
    }
    return
  }
}

module attributes {stable_mosaic.version = 14 : i64} {
  func.func @_tc_epilogue_body(%arg0: memref<2x10000x128xf32, #tpu.memory_space<vmem>>, %arg1: memref<10000x128xf32, #tpu.memory_space<vmem>>, %arg2: memref<10000x1xf32, #tpu.memory_space<vmem>>, %arg3: memref<400x128xf32, #tpu.memory_space<vmem>>, %arg4: memref<128x128xf32, #tpu.memory_space<vmem>>, %arg5: memref<128x128xf32, #tpu.memory_space<vmem>>, %arg6: memref<128x128xf32, #tpu.memory_space<vmem>>, %arg7: memref<1x128xf32, #tpu.memory_space<vmem>>, %arg8: memref<1x128xf32, #tpu.memory_space<vmem>>, %arg9: memref<1x128xf32, #tpu.memory_space<vmem>>, %arg10: memref<1x128xf32, #tpu.memory_space<vmem>>, %arg11: memref<128x128xf32, #tpu.memory_space<vmem>>, %arg12: memref<10000x128xf32, #tpu.memory_space<vmem>>, %arg13: memref<400x128xf32, #tpu.memory_space<vmem>>) attributes {dimension_semantics = [], scalar_prefetch = 0 : i64, scratch_operands = 0 : i64, tpu.core_type = #tpu.core_type<tc>} {
    %get3A = arith.constant 0 : index
    %get3A_0 = arith.constant 0 : index
    %get3A_1 = arith.constant 0 : index
    %get3A_2 = vector.load %arg0[%get3A, %get3A_0, %get3A_1] : memref<2x10000x128xf32, #tpu.memory_space<vmem>>, vector<1x10000x128xf32>
    %get3A_3 = vector.shape_cast %get3A_2 : vector<1x10000x128xf32> to vector<10000x128xf32>
    %get3A_4 = arith.constant 0 : index
    %get3A_5 = arith.constant 0 : index
    %get3A_6 = vector.load %arg4[%get3A_4, %get3A_5] : memref<128x128xf32, #tpu.memory_space<vmem>>, vector<128x128xf32>
    %dot_general3A = arith.constant dense<0.000000e+00> : vector<10000x128xf32>
    %dot_general3A_7 = tpu.matmul %get3A_3, %get3A_6, %dot_general3A {dimension_numbers = #tpu.dot_dimension_numbers<[1], [0], [0], [1], [0, 0, 1, 1], [], []>, transpose_lhs_hint = false} : vector<10000x128xf32>, vector<128x128xf32>, vector<10000x128xf32> -> vector<10000x128xf32>
    %get3A_8 = arith.constant 1 : index
    %get3A_9 = arith.constant 0 : index
    %get3A_10 = arith.constant 0 : index
    %get3A_11 = vector.load %arg0[%get3A_8, %get3A_9, %get3A_10] : memref<2x10000x128xf32, #tpu.memory_space<vmem>>, vector<1x10000x128xf32>
    %get3A_12 = vector.shape_cast %get3A_11 : vector<1x10000x128xf32> to vector<10000x128xf32>
    %get3A_13 = arith.constant 0 : index
    %get3A_14 = arith.constant 0 : index
    %get3A_15 = vector.load %arg5[%get3A_13, %get3A_14] : memref<128x128xf32, #tpu.memory_space<vmem>>, vector<128x128xf32>
    %dot_general3A_16 = arith.constant dense<0.000000e+00> : vector<10000x128xf32>
    %dot_general3A_17 = tpu.matmul %get3A_12, %get3A_15, %dot_general3A_16 {dimension_numbers = #tpu.dot_dimension_numbers<[1], [0], [0], [1], [0, 0, 1, 1], [], []>, transpose_lhs_hint = false} : vector<10000x128xf32>, vector<128x128xf32>, vector<10000x128xf32> -> vector<10000x128xf32>
    %add3A = arith.addf %dot_general3A_7, %dot_general3A_17 : vector<10000x128xf32>
    %get3A_18 = arith.constant 0 : index
    %get3A_19 = arith.constant 0 : index
    %get3A_20 = vector.load %arg2[%get3A_18, %get3A_19] : memref<10000x1xf32, #tpu.memory_space<vmem>>, vector<10000x1xf32>
    %mul3A = vector.broadcast %get3A_20 : vector<10000x1xf32> to vector<10000x128xf32>
    %mul3A_21 = arith.mulf %add3A, %mul3A : vector<10000x128xf32>
    %get3A_22 = arith.constant 0 : index
    %get3A_23 = arith.constant 0 : index
    %get3A_24 = vector.load %arg1[%get3A_22, %get3A_23] : memref<10000x128xf32, #tpu.memory_space<vmem>>, vector<10000x128xf32>
    %get3A_25 = arith.constant 0 : index
    %get3A_26 = arith.constant 0 : index
    %get3A_27 = vector.load %arg7[%get3A_25, %get3A_26] : memref<1x128xf32, #tpu.memory_space<vmem>>, vector<1x128xf32>
    %mul3A_28 = vector.broadcast %get3A_27 : vector<1x128xf32> to vector<10000x128xf32>
    %mul3A_29 = arith.mulf %get3A_24, %mul3A_28 : vector<10000x128xf32>
    %get3A_30 = arith.constant 0 : index
    %get3A_31 = arith.constant 0 : index
    %get3A_32 = vector.load %arg6[%get3A_30, %get3A_31] : memref<128x128xf32, #tpu.memory_space<vmem>>, vector<128x128xf32>
    %dot_general3A_33 = arith.constant dense<0.000000e+00> : vector<10000x128xf32>
    %dot_general3A_34 = tpu.matmul %mul3A_29, %get3A_32, %dot_general3A_33 {dimension_numbers = #tpu.dot_dimension_numbers<[1], [0], [0], [1], [0, 0, 1, 1], [], []>, transpose_lhs_hint = false} : vector<10000x128xf32>, vector<128x128xf32>, vector<10000x128xf32> -> vector<10000x128xf32>
    %div3A = arith.constant 3.000000e+00 : f32
    %div3A_35 = vector.broadcast %div3A : f32 to vector<10000x128xf32>
    %div3A_36 = arith.divf %dot_general3A_34, %div3A_35 : vector<10000x128xf32>
    %add3A_37 = arith.addf %mul3A_21, %div3A_36 : vector<10000x128xf32>
    %get3A_38 = arith.constant 0 : index
    %get3A_39 = arith.constant 0 : index
    %get3A_40 = vector.load %arg8[%get3A_38, %get3A_39] : memref<1x128xf32, #tpu.memory_space<vmem>>, vector<1x128xf32>
    %add3A_41 = vector.broadcast %get3A_40 : vector<1x128xf32> to vector<10000x128xf32>
    %add3A_42 = arith.addf %add3A_37, %add3A_41 : vector<10000x128xf32>
    %reduce_sum3A = arith.constant dense<0.000000e+00> : vector<128xf32>
    %reduce_sum3A_43 = vector.multi_reduction <add>, %add3A_42, %reduce_sum3A [0] : vector<10000x128xf32> to vector<128xf32>
    %broadcast_in_dim3A = vector.shape_cast %reduce_sum3A_43 : vector<128xf32> to vector<1x128xf32>
    %div3A_44 = arith.constant 1.000000e+04 : f32
    %div3A_45 = vector.broadcast %div3A_44 : f32 to vector<1x128xf32>
    %div3A_46 = arith.divf %broadcast_in_dim3A, %div3A_45 : vector<1x128xf32>
    %sub3A = vector.broadcast %div3A_46 : vector<1x128xf32> to vector<10000x128xf32>
    %sub3A_47 = arith.subf %add3A_42, %sub3A : vector<10000x128xf32>
    %mul3A_48 = arith.mulf %sub3A_47, %sub3A_47 : vector<10000x128xf32>
    %reduce_sum3A_49 = arith.constant dense<0.000000e+00> : vector<128xf32>
    %reduce_sum3A_50 = vector.multi_reduction <add>, %mul3A_48, %reduce_sum3A_49 [0] : vector<10000x128xf32> to vector<128xf32>
    %broadcast_in_dim3A_51 = vector.shape_cast %reduce_sum3A_50 : vector<128xf32> to vector<1x128xf32>
    %div3A_52 = arith.constant 1.000000e+04 : f32
    %div3A_53 = vector.broadcast %div3A_52 : f32 to vector<1x128xf32>
    %div3A_54 = arith.divf %broadcast_in_dim3A_51, %div3A_53 : vector<1x128xf32>
    %add3A_55 = arith.constant 9.99999974E-6 : f32
    %add3A_56 = vector.broadcast %add3A_55 : f32 to vector<1x128xf32>
    %add3A_57 = arith.addf %div3A_54, %add3A_56 : vector<1x128xf32>
    %sqrt3A = math.sqrt %add3A_57 : vector<1x128xf32>
    %div3A_58 = vector.broadcast %sqrt3A : vector<1x128xf32> to vector<10000x128xf32>
    %div3A_59 = arith.divf %sub3A_47, %div3A_58 : vector<10000x128xf32>
    %get3A_60 = arith.constant 0 : index
    %get3A_61 = arith.constant 0 : index
    %get3A_62 = vector.load %arg9[%get3A_60, %get3A_61] : memref<1x128xf32, #tpu.memory_space<vmem>>, vector<1x128xf32>
    %mul3A_63 = vector.broadcast %get3A_62 : vector<1x128xf32> to vector<10000x128xf32>
    %mul3A_64 = arith.mulf %div3A_59, %mul3A_63 : vector<10000x128xf32>
    %get3A_65 = arith.constant 0 : index
    %get3A_66 = arith.constant 0 : index
    %get3A_67 = vector.load %arg10[%get3A_65, %get3A_66] : memref<1x128xf32, #tpu.memory_space<vmem>>, vector<1x128xf32>
    %add3A_68 = vector.broadcast %get3A_67 : vector<1x128xf32> to vector<10000x128xf32>
    %add3A_69 = arith.addf %mul3A_64, %add3A_68 : vector<10000x128xf32>
    %max3A = arith.constant 0.000000e+00 : f32
    %max3A_70 = vector.broadcast %max3A : f32 to vector<10000x128xf32>
    %max3A_71 = arith.maximumf %add3A_69, %max3A_70 : vector<10000x128xf32>
    %swap3A = arith.constant 0 : index
    %swap3A_72 = arith.constant 0 : index
    %swap3A_73 = vector.load %arg12[%swap3A, %swap3A_72] : memref<10000x128xf32, #tpu.memory_space<vmem>>, vector<10000x128xf32>
    tpu.vector_store %arg12[%swap3A, %swap3A_72], %max3A_71 {strides = array<i32>} : memref<10000x128xf32, #tpu.memory_space<vmem>>, vector<10000x128xf32>,
    %get3A_74 = arith.constant 0 : index
    %get3A_75 = arith.constant 0 : index
    %get3A_76 = vector.load %arg3[%get3A_74, %get3A_75] : memref<400x128xf32, #tpu.memory_space<vmem>>, vector<400x128xf32>
    %get3A_77 = arith.constant 0 : index
    %get3A_78 = arith.constant 0 : index
    %get3A_79 = vector.load %arg11[%get3A_77, %get3A_78] : memref<128x128xf32, #tpu.memory_space<vmem>>, vector<128x128xf32>
    %dot_general3A_80 = arith.constant dense<0.000000e+00> : vector<400x128xf32>
    %dot_general3A_81 = tpu.matmul %get3A_76, %get3A_79, %dot_general3A_80 {dimension_numbers = #tpu.dot_dimension_numbers<[1], [0], [0], [1], [0, 0, 1, 1], [], []>, transpose_lhs_hint = false} : vector<400x128xf32>, vector<128x128xf32>, vector<400x128xf32> -> vector<400x128xf32>
    %swap3A_82 = arith.constant 0 : index
    %swap3A_83 = arith.constant 0 : index
    %swap3A_84 = vector.load %arg13[%swap3A_82, %swap3A_83] : memref<400x128xf32, #tpu.memory_space<vmem>>, vector<400x128xf32>
    tpu.vector_store %arg13[%swap3A_82, %swap3A_83], %dot_general3A_81 {strides = array<i32>} : memref<400x128xf32, #tpu.memory_space<vmem>>, vector<400x128xf32>,
    return
  }
}

</mosaic_0001>

<sc_bundles>
// kernel: kernel.4.cloned.1.call-start
scs
__scs_entry_jumppad:
0x0: {  	(pc) =	sbr.rel $0x88, $3  }
0x1: {  	(tag) =	ssettag $0x0;
	lr =	simm.s32 $0x1  }
0x2: {  	[smem:$0x3F94] =	sst lr;
	_ =	strace $0xD0000000  }
0x3: {  	_ = 	snop  }
0x4: {  	_ = 	snop  }
0x5: {  	_ = 	snop  }
0x6: {  	_ = 	snop  }
0x7: {  	_ = 	snop  }
__scs_overlays_trampoline_lowered:
0x8: {  	[smem:$0x3FA3] =	sst s0  }
0x9: {  	[smem:$0x3FA4] =	sst s1  }
0xa: {  	[smem:$0x3FA5] =	sst s2  }
0xb: {  	[smem:$0x3FA6] =	sst s3  }
0xc: {  	[smem:$0x3FA7] =	sst s4  }
0xd: {  	[smem:$0x3FA8] =	sst s5  }
0xe: {  	[smem:$0x3FA9] =	sst s6  }
0xf: {  	[smem:$0x3FAA] =	sst s7  }
0x10: {  	[smem:$0x3FAB] =	sst s8  }
0x11: {  	[smem:$0x3FAC] =	sst s9;
	s0 =	simm.s32 @!p0 $0x0  }
0x12: {  	s1 =	sld [smem:$0x3F92];
	s0 =	simm.s32 @p0 $0x1  }
0x13: {  	[smem:$0x3FAD] =	sst s0;
	s0 =	simm.s32 @!p1 $0x0  }
0x14: {  	s2 =	sld [smem:$0x3F91];
	s0 =	simm.s32 @p1 $0x1  }
0x15: {  	[smem:$0x3FAE] =	sst s0;
	s0 =	simm.s32 @!p2 $0x0  }
0x16: {  	s3 =	sld [smem:$0x3FDB];
	s0 =	simm.s32 @p2 $0x1  }
0x17: {  	s4 =	simm.s32 $0x1BF5;
	[smem:$0x3FB0] =	sst s0  }
0x18: {  	s0 =	sld [smem:$0x3F93];
	_ =	swait.ge [sflag:s4], $0x0  }
0x19: {  	s7 =	sld [smem:$0x3F94]  }
0x1a: {  	s8 =	sadd.s32 $0xFFFFE003, lr  }
0x1b: {  	s9 =	sadd.s32 $0xFFFFFEF7, lr;
	s5 =	simm.s32 $0xFFFFFFFF;
	p2 =	slt.u32 s8, $0xFFFFF086  }
0x1c: {  	p1 =	slt.u32 s9, $0xF7A;
	s5 =	simm.s32 @!p2 $0x0  }
0x1d: {  	s5 =	simm.s32 @p1 $0x1;
	p0 =	seq.s32 s7, s2  }
0x1e: {  	s7 =	smul.u32 @!p0 $0xF7A, s2;
	p2 =	seq.s32 @!p0 s5, $0x0  }
0x1f: {  	s9 =	smul.u32 $0xF7A, s1;
	s8 =	simm.s32 @!p0 $0x1BF5;
	p2 =	por !p2, p0  }
0x20: {  	[sflag:s8] =	ssyncset.s32 @!p0 $0xFFFFF086;
	s6 =	sadd.s32 @!p0 s3, s7;
	s7 =	simm.s32 @!p0 $0x108  }
0x21: {  	s3 =	sadd.s32 s3, s9;
	s6 =	sadd.s32 @!p0 $0x88, s6;
	s7 =	simm.s32 @p2 $0x1082  }
0x22: {  	[simem:s7], [sflag:s8] =	dma.local @!p0 [hbm:s6], $0xF7A  }
0x23: {  	s9 =	sor.u32 $0xD0000000, s2;
	s6 =	simm.s32 $0x108;
	_ =	swait.ge @!p0 [sflag:s8], $0x0  }
0x24: {  	s3 =	sadd.s32 $0x88, s3;
	s6 =	simm.s32 @!p1 $0x1082;
	[sflag:s4] =	ssyncset.s32 $0xFFFFF086  }
0x25: {  	[simem:s6], [sflag:s4] =	dma.local [hbm:s3], $0xF7A  }
0x26: {  	[smem:$0x3F94] =	sst s1;
	(tag) =	ssettag s2;
	_ =	strace s9  }
0x27: {  	s1 =	sld [smem:$0x3FA4]  }
0x28: {  	s2 =	sld [smem:$0x3FA5]  }
0x29: {  	s4 =	sld [smem:$0x3FA7]  }
0x2a: {  	p0 =	seq.s32 s5, $0x0;
	s5 =	sld [smem:$0x3FA8]  }
0x2b: {  	s6 =	sld [smem:$0x3FA9]  }
0x2c: {  	s7 =	sld [smem:$0x3FAA]  }
0x2d: {  	s3 =	simm.s32 $0x108;
	s8 =	sld [smem:$0x3FAB]  }
0x2e: {  	s3 =	simm.s32 @!p0 $0x1082;
	s9 =	sld [smem:$0x3FAC]  }
0x2f: {  	lr =	sadd.s32 s0, s3;
	s0 =	sld [smem:$0x3FA3]  }
0x30: {  	s3 =	sld [smem:$0x3FA6]  }
0x31: {  	[smem:$0x3FAF] =	sst s10  }
0x32: {  	s10 =	sld [smem:$0x3FAD];
	_ =	sdelay $0x3  }
0x33: {  	p0 =	seq.s32 s10, $0x1;
	s10 =	sld [smem:$0x3FAF];
	_ =	sdelay $0x3  }
0x34: {  	[smem:$0x3FAF] =	sst s10  }
0x35: {  	s10 =	sld [smem:$0x3FAE];
	_ =	sdelay $0x3  }
0x36: {  	p1 =	seq.s32 s10, $0x1;
	s10 =	sld [smem:$0x3FAF];
	_ =	sdelay $0x3  }
0x37: {  	[smem:$0x3FAF] =	sst s10  }
0x38: {  	s10 =	sld [smem:$0x3FB0]  }
0x39: {  	_ = 	snop;
	(pc) =	sbr.ind lr, $3  }
0x3a: {  	_ = 	snop  }
0x3b: {  	_ = 	snop  }
0x3c: {  	p2 =	seq.s32 s10, $0x1;
	s10 =	sld [smem:$0x3FAF]  }
0x3d: {  	_ =	shalt  }
0x3e: {  	_ =	shalt  }
0x3f: {  	_ =	shalt  }
0x40: {  	_ =	shalt  }
0x41: {  	_ =	shalt  }
0x42: {  	_ =	shalt  }
0x43: {  	_ =	shalt  }
0x44: {  	_ =	shalt  }
0x45: {  	_ =	shalt  }
0x46: {  	_ =	shalt  }
0x47: {  	_ =	shalt  }
0x48: {  	_ =	shalt  }
0x49: {  	_ =	shalt  }
0x4a: {  	_ =	shalt  }
0x4b: {  	_ =	shalt  }
0x4c: {  	_ =	shalt  }
0x4d: {  	_ =	shalt  }
0x4e: {  	_ =	shalt  }
0x4f: {  	_ =	shalt  }
0x50: {  	_ =	shalt  }
0x51: {  	_ =	shalt  }
0x52: {  	_ =	shalt  }
0x53: {  	_ =	shalt  }
0x54: {  	_ =	shalt  }
0x55: {  	_ =	shalt  }
0x56: {  	_ =	shalt  }
0x57: {  	_ =	shalt  }
0x58: {  	_ =	shalt  }
0x59: {  	_ =	shalt  }
0x5a: {  	_ =	shalt  }
0x5b: {  	_ =	shalt  }
0x5c: {  	_ =	shalt  }
0x5d: {  	_ =	shalt  }
0x5e: {  	_ =	shalt  }
0x5f: {  	_ =	shalt  }
0x60: {  	_ =	shalt  }
0x61: {  	_ =	shalt  }
0x62: {  	_ =	shalt  }
0x63: {  	_ =	shalt  }
0x64: {  	_ =	shalt  }
0x65: {  	_ =	shalt  }
0x66: {  	_ =	shalt  }
0x67: {  	_ =	shalt  }
0x68: {  	_ =	shalt  }
0x69: {  	_ =	shalt  }
0x6a: {  	_ =	shalt  }
0x6b: {  	_ =	shalt  }
0x6c: {  	_ =	shalt  }
0x6d: {  	_ =	shalt  }
0x6e: {  	_ =	shalt  }
0x6f: {  	_ =	shalt  }
0x70: {  	_ =	shalt  }
0x71: {  	_ =	shalt  }
0x72: {  	_ =	shalt  }
0x73: {  	_ =	shalt  }
0x74: {  	_ =	shalt  }
0x75: {  	_ =	shalt  }
0x76: {  	_ =	shalt  }
0x77: {  	_ =	shalt  }
0x78: {  	_ =	shalt  }
0x79: {  	_ =	shalt  }
0x7a: {  	_ =	shalt  }
0x7b: {  	_ =	shalt  }
0x7c: {  	_ =	shalt  }
0x7d: {  	_ =	shalt  }
0x7e: {  	_ =	shalt  }
0x7f: {  	_ =	shalt  }
0x80: {  	_ =	shalt  }
0x81: {  	_ =	shalt  }
0x82: {  	_ =	shalt  }
0x83: {  	_ =	shalt  }
0x84: {  	_ =	shalt  }
0x85: {  	_ =	shalt  }
0x86: {  	_ =	shalt  }
0x87: {  	_ =	shalt  }
.Lfunc_end0:
.L_simem_size_0:
called_computation_lowered:
.L_overlay_start_0:
0x88: {  	s2 =	sld [smem:$0x3FD9]  }
0x89: {  	s3 =	sld [smem:$0x3FFE];
	_ =	sdelay $0x1  }
0x8a: {  	s1 =	srdreg.scid  }
0x8b: {  	s0 =	sand.u32 $0x1, s1  }
0x8c: {  	s14 =	sshll.u32 s0, $0xA;
	s2 =	sadd.s32 s3, s2  }
0x8d: {  	s2 =	sadd.s32 s2, s14  }
0x8e: {  	[smem:$0x3FBB] =	sst s2  }
0x8f: {  	_ = 	snop  }
0x90: {  	s2 =	sld [smem:$0x3FD0]  }
0x91: {  	s15 =	sld [smem:$0x3FC9]  }
0x92: {  	s4 =	sld [smem:$0x3FC7]  }
0x93: {  	s6 =	simm.s32 $0xA;
	s7 =	simm.s32 $0x10;
	s5 =	sld [smem:$0x3FC5]  }
0x94: {  	[smem:s7], [sflag:s6] =	dma.local [hbm:s2], $0x1  }
0x95: {  	_ =	swait.eq [sflag:s6], $0x1  }
0x96: {  	[sflag:s6] =	ssyncset.done $0x0  }
0x97: {  	[sflag:s6] =	ssyncadd.s32 $0xFFFFFFFF  }
0x98: {  	s16 =	sld [smem:$0x10];
	(tm) =	ssettm $0x1  }
0x99: {  	s17 =	sld [smem:$0x3FFB];
	_ =	sdelay $0x3  }
0x9a: {  	_ =	strace s17  }
0x9b: {  	s6 =	sld [smem:$0x3FFC];
	_ =	sdelay $0x3  }
0x9c: {  	_ =	strace s6  }
0x9d: {  	s6 =	sld [smem:$0x3FFD];
	_ =	sdelay $0x3  }
0x9e: {  	_ =	strace s6  }
0x9f: {  	_ =	strace $0x8FFFFFFF  }
0xa0: {  	s18 =	sld [smem:$0x3FDB];
	_ =	sdelay $0x1  }
0xa1: {  	s19 =	simm.s32 $_scs_section_size  }
0xa2: {  	s8 =	simm.s32 $_size__tile_overlayer_lowered;
	s9 =	simm.s32 $_tile_overlayer_lowered  }
0xa3: {  	s22 =	simm.s32 $0x1BFF;
	s21 =	sshll.u32 s9, $0x1;
	s6 =	sadd.s32 s19, s18  }
0xa4: {  	s10 =	simm.s32 $0x0;
	s20 =	sshll.u32 s8, $0x1;
	s8 =	sadd.s32 s21, s6  }
0xa5: {  	[timem:s10], [sflag:s22] =	dma.local [hbm:s8], s20  }
0xa6: {  	_ =	swait.ge [sflag:s22], s20  }
0xa7: {  	s7 =	ssub.s32 $0x0, s20;
	[sflag:s22] =	ssyncset.done $0x0  }
0xa8: {  	[sflag:s22] =	ssyncadd.s32 s7;
	_ =	sdelay $0x1  }
0xa9: {  	s23 =	simm.s32 $0x1B8B  }
0xaa: {  	_ =	swait.ge [sflag:s23], $0x1  }
0xab: {  	[sflag:s23] =	ssyncset.done $0x0  }
0xac: {  	s25 =	simm.s32 $0x1B8E;
	s24 =	sld [smem:$0x3FFE];
	[sflag:s23] =	ssyncadd.s32 $0xFFFFFFFF  }
0xad: {  	s26 =	simm.s32 $execute0_lowered;
	[smem:$0x3FD2] =	sst s25  }
0xae: {  	s8 =	sshll.u32 s26, $0x1;
	_ =	strace $0x80000046;
	[dreg:$0x1] =	wrdreg $0xFFFFFFFF  }
0xaf: {  	s28 =	simm.s32 $_size_execute0_lowered;
	s6 =	sadd.s32 s6, s8;
	[dreg:$0x0] =	wrdreg $0x0  }
0xb0: {  	s8 =	sshll.u32 s28, $0x1;
	[dreg:$0x2] =	wrdreg s6  }
0xb1: {  	[dreg:$0x3] =	wrdreg s8  }
0xb2: {  	[dreg:$0x4] =	wrdreg $0xC0  }
0xb3: {  	_ =	task [dreg:s10], $0x5FFFF  }
0xb4: {  	[dreg:$0x1] =	wrdreg $0xFFFFFFFF  }
0xb5: {  	[dreg:$0x0] =	wrdreg $0x60  }
0xb6: {  	[dreg:$0x2] =	wrdreg s16  }
0xb7: {  	[dreg:$0x3] =	wrdreg s4  }
0xb8: {  	[dreg:$0x4] =	wrdreg s15  }
0xb9: {  	[dreg:$0x5] =	wrdreg s5  }
0xba: {  	[dreg:$0x6] =	wrdreg s24  }
0xbb: {  	[dreg:$0x7] =	wrdreg $0xA8000  }
0xbc: {  	[dreg:$0x8] =	wrdreg $0x1E0800  }
0xbd: {  	[dreg:$0x9] =	wrdreg $0x9  }
0xbe: {  	_ =	task.clear_ibuf [dreg:s10], $0xAFFFF;
	_ =	strace $0x90000046  }
0xbf: {  	s29 =	simm.s32 $0x9;
	_ =	strace $0x80000048  }
0xc0: {  	_ =	swait.ge [sflag:s29], $0x1  }
0xc1: {  	[sflag:s29] =	ssyncadd.s32 $0xFFFFFFFF  }
0xc2: {  	_ =	strace $0x90000048  }
0xc3: {  	_ =	sfence  }
0xc4: {  	s30 =	sld [smem:$0x0];
	_ =	sdelay $0x2  }
0xc5: {  	s31 =	sshll.u32 s1, $0xD;
	s1 =	sshrl.u32 s1, $0x2  }
0xc6: {  	s3 =	sand.u32 $0x4000, s31;
	s1 =	sadd.s32 s1, s30  }
0xc7: {  	s0 =	sor.u32 s3, s0;
	s1 =	sshll.u32 s1, $0x11  }
0xc8: {  	s0 =	sor.u32 s1, s0  }
0xc9: {  	s0 =	sadd.s32 $0x8F2B, s0  }
0xca: {  	[sflag:s0] =	ssyncadd.remote.s32 $0x1  }
0xcb: {  	_ =	sfence.sel $0xFFFF  }
0xcc: {  	[dreg:$0x0] =	wrdreg $0xFFFFFFFF;
	(pc) =	sbr.abs _section_cstart, $3  }
0xcd: {  	[dreg:$0x1] =	wrdreg $0xFFFFFFFF  }
0xce: {  	_ =	task.clear_ibuf [dreg:s10], $0x2FFFF;
	_ =	strace $0x9FFFFFFF  }
0xcf: {  	(tm) =	ssettm $0x7FFFFFFF  }
tec
execute0_lowered:
.L_overlay_start_1:
0x0: {  	(tag) =	ssettag $0x1  }
0x1: {  	s0 =	rddreg [dreg:$0x0]  }
0x2: {  	s1 =	rddreg [dreg:$0x1]  }
0x3: {  	s3 =	rddreg [dreg:$0x2]  }
0x4: {  	s2 =	rddreg [dreg:$0x4]  }
0x5: {  	s5 =	rddreg [dreg:$0x5]  }
0x6: {  	s6 =	rddreg [dreg:$0x6]  }
0x7: {  	s7 =	simm.s32 $0x0;
	s4 =	srdreg.scid;
	s12 =	stileid.u32  }
0x8: {  	s28 =	simm.s32 $0xB;
	s30 =	simm.s32 $0x5;
	s31 =	simm.s32 $0x7  }
0x9: {  	s29 =	simm.s32 $0x680;
	s4 =	sand.u32 $0x1, s4;
	s8 =	smul.u32 $0x4E000, s12  }
0xa: {  	[smem:$0x7FF] =	sst s7;
	s25 =	smul.u32 $0x13800, s12;
	s9 =	ssub.s32 $0x2, s4  }
0xb: {  	s11 =	sshll.u32 s4, $0x4;
	s4 =	smul.u32 $0x138800, s4;
	s8 =	sshrl.u32 s8, $0x2  }
0xc: {  	s2 =	sadd.s32 $0x2200, s2;
	_ =	strace $0x80000047;
	s23 =	sadd.s32 s8, s5  }
0xd: {  	s15 =	sadd.s32 s25, s4;
	s25 =	sadd.s32 $0x138000, s5;
	[dreg:$0x8] =	wrdreg s23  }
0xe: {  	p0 =	sne.s32 s12, $0x0;
	s8 =	sadd.s32 $0x2800, s23;
	[dreg:$0x1b] =	wrdreg s25  }
0xf: {  	p1 =	sne.s32 s12, $0xF;
	s19 =	sadd.s32 $0x5000, s23;
	[dreg:$0x9] =	wrdreg s8  }
0x10: {  	s10 =	sshrl.u32 s9, $0x1;
	s20 =	sadd.s32 $0x7800, s23;
	[dreg:$0xa] =	wrdreg s19  }
0x11: {  	s18 =	sor.u32 s12, s11;
	s21 =	sadd.s32 $0xA000, s23;
	[dreg:$0xb] =	wrdreg s20  }
0x12: {  	s9 =	ssub.s32 s9, s10;
	s22 =	sadd.s32 $0xC800, s23;
	[dreg:$0xc] =	wrdreg s21  }
0x13: {  	s11 =	simm.s32 $0x9;
	[dreg:$0xd] =	wrdreg s22;
	s19 =	smax.u32 s9, $0x1  }
0x14: {  	s12 =	simm.s32 $0x6;
	s21 =	sadd.s32 $0xF000, s23;
	[dreg:$0x17] =	wrdreg s19  }
0x15: {  	s8 =	smul.u32 $0x2710, s18;
	s22 =	sadd.s32 $0x11800, s23;
	[dreg:$0x19] =	wrdreg s21  }
0x16: {  	s4 =	sshrl.u32 s4, $0x3;
	s9 =	simm.s32 $0x700;
	[dreg:$0x1a] =	wrdreg s22  }
0x17: {  	s19 =	simm.s32 $0x4;
	s22 =	simm.s32 $0x0;
	s16 =	sadd.s32 $0xA0, s8  }
0x18: {  	s24 =	sshrl.u32 s8, $0x3;
	s17 =	sadd.s32 $0x140, s8;
	[dreg:$0x12] =	wrdreg s16  }
0x19: {  	s18 =	sadd.s32 $0x190, s8;
	s20 =	sadd.s32 $0xF0, s8;
	[dreg:$0x13] =	wrdreg s17  }
0x1a: {  	s8 =	simm.s32 $0x80;
	s13 =	sadd.s32 s0, s24;
	[dreg:$0x15] =	wrdreg s18  }
0x1b: {  	s14 =	sadd.s32 s1, s24;
	s10 =	sadd.s32 $0xA, s24;
	[dreg:$0x18] =	wrdreg s20  }
0x1c: {  	s16 =	simm.s32 $0x50;
	s17 =	simm.s32 $0x5800;
	[dreg:$0xf] =	wrdreg s14  }
0x1d: {  	s20 =	simm.s32 $0xA;
	s26 =	sadd.s32 s0, s10;
	[dreg:$0xe] =	wrdreg s13  }
0x1e: {  	s10 =	sadd.s32 s1, s10;
	s24 =	sadd.s32 $0x9C40, s13;
	[dreg:$0x10] =	wrdreg s26  }
0x1f: {  	s14 =	simm.s32 $0x1;
	[dreg:$0x11] =	wrdreg s10;
	s10 =	sshrl.u32 s15, $0x3  }
0x20: {  	[dreg:$0x1c] =	wrdreg s24;
	s26 =	sadd.s32 $0x9C4A, s13;
	s24 =	simm.s32 $0x2  }
0x21: {  	s15 =	simm.s32 $0x600;
	s13 =	simm.s32 $0x8;
	s10 =	sadd.s32 s2, s10  }
0x22: {  	s2 =	sadd.s32 s2, s4;
	[dreg:$0x1d] =	wrdreg s26;
	s26 =	simm.s32 $0x3000  }
0x23: {  	s4 =	simm.s32 $0x3;
	[dreg:$0x14] =	wrdreg s10;
	s2 =	sadd.s32 $0x27000, s2  }
0x24: {  	v0 =	vimm.f32 $0.0e+00;
	s10 =	simm.s32 $0x100;
	[dreg:$0x16] =	wrdreg s2;
	s2 =	simm.s32 $0x800  }
.LBB2_1:
0x25: {  	[dreg:$0x1e] =	wrdreg s22  }
0x26: {  	s18 =	sshrl.u32 @!p0 s6, $0x3;
	s21 =	simm.s32 @!p0 $0x1C0B;
	s22 =	rddreg [dreg:$0x3]  }
0x27: {  	[spmem:s18], [sflag:s21] =	dma.local @!p0 [hbm:s22], $0x1900  }
0x28: {  	s18 =	simm.s32 @!p0 $0xB  }
0x29: {  	_ =	swait.ge @!p0 [sflag:s18], $0x1900  }
0x2a: {  	[sflag:s18] =	ssyncset.done @!p0 $0x0  }
0x2b: {  	s21 =	simm.s32 $0x200;
	[sflag:s18] =	ssyncadd.s32 @!p0 $0xFFFFE700;
	s18 =	simm.s32 $0x0  }
.LBB2_2:
0x2c: {  	p2 =	sne.s32 s21, $0x9E00;
	[tilespmem:s18+$0x870] =	vst v0  }
0x2d: {  	[tilespmem:s18+$0x800] =	vst v0  }
0x2e: {  	[tilespmem:s18+$0x810] =	vst v0  }
.Ltmp0:
0x2f: {  	[tilespmem:s18+$0x820] =	vst v0;
	(pc) =	sbr.rel @p2 .LBB2_2-.Ltmp0, $4  }
0x30: {  	[tilespmem:s18+$0x830] =	vst v0  }
0x31: {  	[tilespmem:s18+$0x840] =	vst v0  }
0x32: {  	[tilespmem:s18+$0x850] =	vst v0  }
0x33: {  	[tilespmem:s18+$0x860] =	vst v0;
	s18 =	sshra.s32 s21, $0x2;
	s21 =	sadd.s32 $0x200, s21  }
0x34: {  	[tilespmem:s18+$0x870] =	vst v0  }
0x35: {  	[tilespmem:s18+$0x800] =	vst v0  }
0x36: {  	[tilespmem:s18+$0x810] =	vst v0  }
0x37: {  	[tilespmem:s18+$0x820] =	vst v0  }
0x38: {  	[tilespmem:s18+$0x830] =	vst v0  }
0x39: {  	[tilespmem:s18+$0x840] =	vst v0  }
0x3a: {  	[tilespmem:s18+$0x850] =	vst v0  }
0x3b: {  	[tilespmem:s18+$0x860] =	vst v0  }
0x3c: {  	[spmem:s23] =	stream.linear.scatter [tilespmem:s2], [sflag:$0xB], $0x2800, $0x38;
	[tilespmem:$0x1ED00] =	vst v63  }
0x3d: {  	_ =	swait.ge [sflag:s28], $0x2800  }
0x3e: {  	[sflag:s28] =	ssyncset.done $0x0  }
0x3f: {  	s23 =	rddreg [dreg:$0x9];
	[sflag:s28] =	ssyncadd.s32 $0xFFFFD800  }
0x40: {  	[spmem:s23] =	stream.linear.scatter [tilespmem:s2], [sflag:$0xB], $0x2800, $0x38;
	[tilespmem:$0x1ED00] =	vst v63  }
0x41: {  	_ =	swait.ge [sflag:s28], $0x2800  }
0x42: {  	[sflag:s28] =	ssyncset.done $0x0  }
0x43: {  	s21 =	rddreg [dreg:$0xa];
	[sflag:s28] =	ssyncadd.s32 $0xFFFFD800  }
0x44: {  	[spmem:s21] =	stream.linear.scatter [tilespmem:s2], [sflag:$0xB], $0x2800, $0x38;
	[tilespmem:$0x1ED00] =	vst v63  }
0x45: {  	_ =	swait.ge [sflag:s28], $0x2800  }
0x46: {  	[sflag:s28] =	ssyncset.done $0x0  }
0x47: {  	s22 =	rddreg [dreg:$0xb];
	[sflag:s28] =	ssyncadd.s32 $0xFFFFD800  }
0x48: {  	[spmem:s22] =	stream.linear.scatter [tilespmem:s2], [sflag:$0xB], $0x2800, $0x38;
	[tilespmem:$0x1ED00] =	vst v63  }
0x49: {  	_ =	swait.ge [sflag:s28], $0x2800  }
0x4a: {  	[sflag:s28] =	ssyncset.done $0x0  }
0x4b: {  	s23 =	rddreg [dreg:$0xc];
	[sflag:s28] =	ssyncadd.s32 $0xFFFFD800  }
0x4c: {  	[spmem:s23] =	stream.linear.scatter [tilespmem:s2], [sflag:$0xB], $0x2800, $0x38;
	[tilespmem:$0x1ED00] =	vst v63  }
0x4d: {  	_ =	swait.ge [sflag:s28], $0x2800  }
0x4e: {  	[sflag:s28] =	ssyncset.done $0x0  }
0x4f: {  	s21 =	rddreg [dreg:$0xd];
	[sflag:s28] =	ssyncadd.s32 $0xFFFFD800  }
0x50: {  	[spmem:s21] =	stream.linear.scatter [tilespmem:s2], [sflag:$0xB], $0x2800, $0x38;
	[tilespmem:$0x1ED00] =	vst v63  }
0x51: {  	_ =	swait.ge [sflag:s28], $0x2800  }
0x52: {  	[sflag:s28] =	ssyncset.done $0x0  }
0x53: {  	s22 =	rddreg [dreg:$0x19];
	[sflag:s28] =	ssyncadd.s32 $0xFFFFD800  }
0x54: {  	[spmem:s22] =	stream.linear.scatter [tilespmem:s2], [sflag:$0xB], $0x2800, $0x38;
	[tilespmem:$0x1ED00] =	vst v63  }
0x55: {  	_ =	swait.ge [sflag:s28], $0x2800  }
0x56: {  	[sflag:s28] =	ssyncset.done $0x0  }
0x57: {  	s23 =	rddreg [dreg:$0x1a];
	[sflag:s28] =	ssyncadd.s32 $0xFFFFD800  }
0x58: {  	[spmem:s23] =	stream.linear.scatter [tilespmem:s2], [sflag:$0xB], $0x2000, $0x38;
	[tilespmem:$0x1ED00] =	vst v63  }
0x59: {  	_ =	swait.ge [sflag:s28], $0x2000  }
0x5a: {  	[sflag:s28] =	ssyncset.done $0x0  }
0x5b: {  	s18 =	simm.s32 @!p1 $0x800;
	[sflag:s28] =	ssyncadd.s32 $0xFFFFE000  }
0x5c: {  	[spmem:s25] =	stream.linear.scatter @!p1 [tilespmem:s18], [sflag:$0xB], $0x800, $0x38;
	[tilespmem:$0x1ED00] =	vst v63  }
0x5d: {  	s18 =	simm.s32 @!p1 $0xB  }
0x5e: {  	_ =	swait.ge @!p1 [sflag:s18], $0x800  }
0x5f: {  	[sflag:s18] =	ssyncset.done @!p1 $0x0  }
0x60: {  	[sflag:s18] =	ssyncadd.s32 @!p1 $0xFFFFF800  }
0x61: {  	[bflag:$0x0] =	sbarrier.arrive $0xFFFF  }
0x62: {  	s22 =	simm.s32 $0x0;
	s21 =	rddreg [dreg:$0xe]  }
0x63: {  	[tilespmem:s22], [sflag:$0x1] =	stream.linear.gather [hbm4b:s21+s22], $0x50, $0x38;
	[tilespmem:$0x1ED00] =	vst v63  }
0x64: {  	s23 =	rddreg [dreg:$0xf]  }
0x65: {  	[tilespmem:s8], [sflag:$0x1] =	stream.linear.gather [hbm4b:s23+s22], $0x50, $0x38;
	[tilespmem:$0x1ED00] =	vst v63  }
0x66: {  	s25 =	rddreg [dreg:$0x1c]  }
0x67: {  	[tilespmem:s10], [sflag:$0x1] =	stream.linear.gather [hbm4b:s25+s22], $0x50, $0x38;
	[tilespmem:$0x1ED00] =	vst v63  }
0x68: {  	s28 =	rddreg [dreg:$0x10];
	s21 =	simm.s32 $0x200  }
0x69: {  	[tilespmem:s21], [sflag:$0x2] =	stream.linear.gather [hbm4b:s28+s22], $0x50, $0x38;
	[tilespmem:$0x1ED00] =	vst v63  }
0x6a: {  	s23 =	simm.s32 $0x280;
	s21 =	rddreg [dreg:$0x11]  }
0x6b: {  	[tilespmem:s23], [sflag:$0x2] =	stream.linear.gather [hbm4b:s21+s22], $0x50, $0x38;
	[tilespmem:$0x1ED00] =	vst v63  }
0x6c: {  	s25 =	rddreg [dreg:$0x1d];
	s28 =	simm.s32 $0x300  }
0x6d: {  	[tilespmem:s28], [sflag:$0x2] =	stream.linear.gather [hbm4b:s25+s22], $0x50, $0x38;
	[tilespmem:$0x1ED00] =	vst v63  }
0x6e: {  	_ =	swait.ge [sflag:s14], $0x50  }
0x6f: {  	[sflag:s14] =	ssyncset.done $0x0  }
0x70: {  	[sflag:s14] =	ssyncadd.s32 $0xFFFFFFB0  }
0x71: {  	_ =	swait.ge [sflag:s14], $0x50  }
0x72: {  	[sflag:s14] =	ssyncset.done $0x0  }
0x73: {  	[sflag:s14] =	ssyncadd.s32 $0xFFFFFFB0  }
0x74: {  	_ =	swait.ge [sflag:s14], $0x50  }
0x75: {  	[sflag:s14] =	ssyncset.done $0x0  }
0x76: {  	[sflag:s14] =	ssyncadd.s32 $0xFFFFFFB0  }
0x77: {  	[tilespmem:s2], [sflag:$0x5] =	stream.indirect.gather [hbm4b:s3+s16], $0x80, s22, s16, $0xb8;
	[tilespmem:$0x1ED00] =	vst v63  }
0x78: {  	_ = 	snop  }
0x79: {  	[tilespmem:s17], [sflag:$0x7] =	stream.indirect.gather [spmem:s6], $0x80, s8, s16, $0xb8;
	[tilespmem:$0x1ED00] =	vst v63  }
.LBB2_4:
0x7a: {  	s25 =	smul.u32 $0x140, s22  }
0x7b: {  	s18 =	rddreg [dreg:$0x12]  }
0x7c: {  	s18 =	sadd.s32 s25, s18  }
0x7d: {  	s18 =	sshrl.u32 s18, $0x3  }
0x7e: {  	s23 =	simm.s32 $0x400;
	s21 =	sadd.s32 s0, s18  }
0x7f: {  	[tilespmem:s23], [sflag:$0x3] =	stream.linear.gather [hbm4b:s21+s7], $0x50, $0x38;
	[tilespmem:$0x1ED00] =	vst v63  }
0x80: {  	s18 =	sadd.s32 s1, s18;
	s23 =	simm.s32 $0x480  }
0x81: {  	[tilespmem:s23], [sflag:$0x3] =	stream.linear.gather [hbm4b:s18+s7], $0x50, $0x38;
	[tilespmem:$0x1ED00] =	vst v63  }
0x82: {  	s21 =	sadd.s32 $0x9C40, s21;
	s23 =	simm.s32 $0x500  }
0x83: {  	[tilespmem:s23], [sflag:$0x3] =	stream.linear.gather [hbm4b:s21+s7], $0x50, $0x38;
	[tilespmem:$0x1ED00] =	vst v63  }
0x84: {  	_ =	swait.ge [sflag:s24], $0x50  }
0x85: {  	[sflag:s24] =	ssyncset.done $0x0  }
0x86: {  	[sflag:s24] =	ssyncadd.s32 $0xFFFFFFB0  }
0x87: {  	_ =	swait.ge [sflag:s24], $0x50  }
0x88: {  	[sflag:s24] =	ssyncset.done $0x0  }
0x89: {  	[sflag:s24] =	ssyncadd.s32 $0xFFFFFFB0  }
0x8a: {  	_ =	swait.ge [sflag:s24], $0x50  }
0x8b: {  	p2 =	seq.s32 s22, $0x0;
	[sflag:s24] =	ssyncset.done $0x0  }
0x8c: {  	s18 =	simm.s32 @!p2 $0xA;
	[sflag:s24] =	ssyncadd.s32 $0xFFFFFFB0  }
0x8d: {  	_ =	swait.ge @!p2 [sflag:s18], $0x2800  }
0x8e: {  	[sflag:s18] =	ssyncset.done @!p2 $0x0  }
0x8f: {  	s23 =	simm.s32 $0x200;
	[sflag:s18] =	ssyncadd.s32 @!p2 $0xFFFFD800  }
0x90: {  	[tilespmem:s26], [sflag:$0x6] =	stream.indirect.gather [hbm4b:s3+s16], $0x80, s23, s16, $0xb8;
	[tilespmem:$0x1ED00] =	vst v63  }
0x91: {  	s21 =	simm.s32 $0x280;
	s23 =	simm.s32 $0x8000  }
0x92: {  	[tilespmem:s23], [sflag:$0x8] =	stream.indirect.gather [spmem:s6], $0x80, s21, s16, $0xb8;
	[tilespmem:$0x1ED00] =	vst v63  }
0x93: {  	_ =	swait.ge [sflag:s30], $0x2800  }
0x94: {  	[sflag:s30] =	ssyncset.done $0x0  }
0x95: {  	[sflag:s30] =	ssyncadd.s32 $0xFFFFD800  }
0x96: {  	_ =	swait.ge [sflag:s31], $0x2800  }
0x97: {  	[sflag:s31] =	ssyncset.done $0x0  }
0x98: {  	s18 =	simm.s32 $0x900;
	[sflag:s31] =	ssyncadd.s32 $0xFFFFD800  }
0x99: {  	s21 =	simm.s32 $0x5900;
	v1 =	vld [tilespmem:s18+$0x80]  }
0x9a: {  	v2 =	vld [tilespmem:s21+$0x80]  }
0x9b: {  	v3 =	vld [tilespmem:s18+$0xFFFFFF80]  }
0x9c: {  	v4 =	vld [tilespmem:s21+$0xFFFFFF80]  }
0x9d: {  	v5 =	vld [tilespmem:s18+$0x0]  }
0x9e: {  	v6 =	vld [tilespmem:s21+$0x0]  }
0x9f: {  	v7 =	vld [tilespmem:s18+$0xFFFFFF00];
	v1 =	vmul.f32 v2, v1  }
0xa0: {  	v2 =	vld [tilespmem:s21+$0xFFFFFF00]  }
0xa1: {  	[tilespmem:s18+$0x80] =	vst v1;
	v1 =	vld [tilespmem:s18+$0x90]  }
0xa2: {  	v3 =	vmul.f32 v4, v3;
	v4 =	vld [tilespmem:s21+$0x90]  }
0xa3: {  	v8 =	vld [tilespmem:s18+$0xFFFFFF10]  }
0xa4: {  	[tilespmem:s18+$0xFFFFFF80] =	vst v3;
	v3 =	vmul.f32 v6, v5;
	v5 =	vld [tilespmem:s18+$0xFFFFFF90]  }
0xa5: {  	v6 =	vld [tilespmem:s21+$0xFFFFFF90];
	v2 =	vmul.f32 v2, v7  }
0xa6: {  	[tilespmem:s18+$0x0] =	vst v3;
	v3 =	vld [tilespmem:s18+$0x10]  }
0xa7: {  	v7 =	vld [tilespmem:s21+$0x10];
	[tilespmem:s18+$0xFFFFFF00] =	vst v2;
	v1 =	vmul.f32 v4, v1  }
0xa8: {  	v2 =	vld [tilespmem:s21+$0xFFFFFF10]  }
0xa9: {  	[tilespmem:s18+$0x90] =	vst v1;
	v1 =	vld [tilespmem:s18+$0xA0]  }
0xaa: {  	v4 =	vmul.f32 v6, v5;
	v5 =	vld [tilespmem:s21+$0xA0]  }
0xab: {  	v6 =	vld [tilespmem:s18+$0xFFFFFF20]  }
0xac: {  	[tilespmem:s18+$0xFFFFFF90] =	vst v4;
	v3 =	vmul.f32 v7, v3;
	v4 =	vld [tilespmem:s18+$0xFFFFFFA0]  }
0xad: {  	v7 =	vld [tilespmem:s21+$0xFFFFFFA0];
	v2 =	vmul.f32 v2, v8  }
0xae: {  	[tilespmem:s18+$0x10] =	vst v3;
	v3 =	vld [tilespmem:s18+$0x20]  }
0xaf: {  	v8 =	vld [tilespmem:s21+$0x20];
	[tilespmem:s18+$0xFFFFFF10] =	vst v2;
	v1 =	vmul.f32 v5, v1  }
0xb0: {  	v2 =	vld [tilespmem:s21+$0xFFFFFF20]  }
0xb1: {  	[tilespmem:s18+$0xA0] =	vst v1;
	v1 =	vld [tilespmem:s18+$0xB0]  }
0xb2: {  	v4 =	vmul.f32 v7, v4;
	v5 =	vld [tilespmem:s21+$0xB0]  }
0xb3: {  	v7 =	vld [tilespmem:s18+$0xFFFFFF30]  }
0xb4: {  	[tilespmem:s18+$0xFFFFFFA0] =	vst v4;
	v3 =	vmul.f32 v8, v3;
	v4 =	vld [tilespmem:s18+$0xFFFFFFB0]  }
0xb5: {  	v8 =	vld [tilespmem:s21+$0xFFFFFFB0];
	v2 =	vmul.f32 v2, v6  }
0xb6: {  	[tilespmem:s18+$0x20] =	vst v3;
	v3 =	vld [tilespmem:s18+$0x30]  }
0xb7: {  	v6 =	vld [tilespmem:s21+$0x30];
	[tilespmem:s18+$0xFFFFFF20] =	vst v2;
	v1 =	vmul.f32 v5, v1  }
0xb8: {  	v2 =	vld [tilespmem:s21+$0xFFFFFF30]  }
0xb9: {  	[tilespmem:s18+$0xB0] =	vst v1;
	v1 =	vld [tilespmem:s18+$0xC0]  }
0xba: {  	v4 =	vmul.f32 v8, v4;
	v5 =	vld [tilespmem:s21+$0xC0]  }
0xbb: {  	v8 =	vld [tilespmem:s18+$0xFFFFFF40]  }
0xbc: {  	[tilespmem:s18+$0xFFFFFFB0] =	vst v4;
	v3 =	vmul.f32 v6, v3;
	v4 =	vld [tilespmem:s18+$0xFFFFFFC0]  }
0xbd: {  	v6 =	vld [tilespmem:s21+$0xFFFFFFC0];
	v2 =	vmul.f32 v2, v7  }
0xbe: {  	[tilespmem:s18+$0x30] =	vst v3;
	v3 =	vld [tilespmem:s18+$0x40]  }
0xbf: {  	v7 =	vld [tilespmem:s21+$0x40];
	[tilespmem:s18+$0xFFFFFF30] =	vst v2;
	v1 =	vmul.f32 v5, v1  }
0xc0: {  	v2 =	vld [tilespmem:s21+$0xFFFFFF40]  }
0xc1: {  	[tilespmem:s18+$0xC0] =	vst v1;
	v1 =	vld [tilespmem:s18+$0xD0]  }
0xc2: {  	v4 =	vmul.f32 v6, v4;
	v5 =	vld [tilespmem:s21+$0xD0]  }
0xc3: {  	v6 =	vld [tilespmem:s18+$0xFFFFFF50]  }
0xc4: {  	[tilespmem:s18+$0xFFFFFFC0] =	vst v4;
	v3 =	vmul.f32 v7, v3;
	v4 =	vld [tilespmem:s18+$0xFFFFFFD0]  }
0xc5: {  	v7 =	vld [tilespmem:s21+$0xFFFFFFD0];
	v2 =	vmul.f32 v2, v8  }
0xc6: {  	[tilespmem:s18+$0x40] =	vst v3;
	v3 =	vld [tilespmem:s18+$0x50]  }
0xc7: {  	v8 =	vld [tilespmem:s21+$0x50];
	[tilespmem:s18+$0xFFFFFF40] =	vst v2;
	v1 =	vmul.f32 v5, v1  }
0xc8: {  	v2 =	vld [tilespmem:s21+$0xFFFFFF50]  }
0xc9: {  	[tilespmem:s18+$0xD0] =	vst v1;
	v1 =	vld [tilespmem:s18+$0xE0]  }
0xca: {  	v4 =	vmul.f32 v7, v4;
	v5 =	vld [tilespmem:s21+$0xE0]  }
0xcb: {  	v7 =	vld [tilespmem:s18+$0xFFFFFF60]  }
0xcc: {  	[tilespmem:s18+$0xFFFFFFD0] =	vst v4;
	v3 =	vmul.f32 v8, v3;
	v4 =	vld [tilespmem:s18+$0xFFFFFFE0]  }
0xcd: {  	v8 =	vld [tilespmem:s21+$0xFFFFFFE0];
	v2 =	vmul.f32 v2, v6  }
0xce: {  	[tilespmem:s18+$0x50] =	vst v3;
	v3 =	vld [tilespmem:s18+$0x60]  }
0xcf: {  	v6 =	vld [tilespmem:s21+$0x60];
	[tilespmem:s18+$0xFFFFFF50] =	vst v2;
	v1 =	vmul.f32 v5, v1  }
0xd0: {  	v5 =	vld [tilespmem:s21+$0xFFFFFF60]  }
0xd1: {  	v9 =	vld [tilespmem:s18+$0xF0];
	[tilespmem:s18+$0xE0] =	vst v1  }
0xd2: {  	v2 =	vmul.f32 v8, v4;
	v8 =	vld [tilespmem:s21+$0xF0]  }
0xd3: {  	v1 =	vld [tilespmem:s18+$0xFFFFFF70]  }
0xd4: {  	[tilespmem:s18+$0xFFFFFFE0] =	vst v2;
	v3 =	vmul.f32 v6, v3;
	v2 =	vld [tilespmem:s18+$0xFFFFFFF0]  }
0xd5: {  	v4 =	vld [tilespmem:s21+$0xFFFFFFF0];
	v5 =	vmul.f32 v5, v7  }
0xd6: {  	[tilespmem:s18+$0x60] =	vst v3;
	v3 =	vld [tilespmem:s18+$0x70]  }
0xd7: {  	[tilespmem:s18+$0xFFFFFF60] =	vst v5;
	v5 =	vld [tilespmem:s21+$0x70];
	v7 =	vmul.f32 v8, v9  }
0xd8: {  	s28 =	simm.s32 $0xB00;
	s23 =	simm.s32 $0x0;
	v6 =	vld [tilespmem:s21+$0xFFFFFF70]  }
.LBB2_5:
0xd9: {  	v8 =	vld [tilespmem:s28+$0x80];
	[tilespmem:s18+$0xF0] =	vst v7;
	s21 =	sadd.s32 $0x200, s21  }
0xda: {  	s23 =	sadd.s32 $0x4, s23;
	v7 =	vld [tilespmem:s21+$0x80];
	v2 =	vmul.f32 v4, v2  }
0xdb: {  	p2 =	slt.u32 s23, $0x4C;
	v4 =	vld [tilespmem:s21+$0xFFFFFF00]  }
0xdc: {  	v9 =	vld [tilespmem:s28+$0xFFFFFF80];
	[tilespmem:s18+$0xFFFFFFF0] =	vst v2;
	v2 =	vmul.f32 v5, v3  }
0xdd: {  	v3 =	vld [tilespmem:s21+$0xFFFFFF80];
	v1 =	vmul.f32 v6, v1  }
0xde: {  	v5 =	vld [tilespmem:s28+$0x0];
	[tilespmem:s18+$0x70] =	vst v2  }
0xdf: {  	v2 =	vld [tilespmem:s21+$0x0];
	v6 =	vmul.f32 v7, v8;
	[tilespmem:s18+$0xFFFFFF70] =	vst v1;
	s18 =	smov.u32 s28  }
0xe0: {  	v1 =	vld [tilespmem:s28+$0xFFFFFF00]  }
0xe1: {  	[tilespmem:s28+$0x80] =	vst v6;
	v6 =	vld [tilespmem:s28+$0x90]  }
0xe2: {  	v3 =	vmul.f32 v3, v9;
	v7 =	vld [tilespmem:s21+$0x90]  }
0xe3: {  	v8 =	vld [tilespmem:s28+$0xFFFFFF10]  }
0xe4: {  	[tilespmem:s28+$0xFFFFFF80] =	vst v3;
	v3 =	vld [tilespmem:s28+$0xFFFFFF90];
	v2 =	vmul.f32 v2, v5  }
0xe5: {  	v1 =	vmul.f32 v4, v1;
	v4 =	vld [tilespmem:s21+$0xFFFFFF90]  }
0xe6: {  	[tilespmem:s28+$0x0] =	vst v2;
	v2 =	vld [tilespmem:s28+$0x10]  }
0xe7: {  	[tilespmem:s28+$0xFFFFFF00] =	vst v1;
	v1 =	vld [tilespmem:s21+$0x10];
	v5 =	vmul.f32 v7, v6  }
0xe8: {  	v6 =	vld [tilespmem:s21+$0xFFFFFF10]  }
0xe9: {  	[tilespmem:s28+$0x90] =	vst v5;
	v5 =	vld [tilespmem:s28+$0xA0]  }
0xea: {  	v3 =	vmul.f32 v4, v3;
	v4 =	vld [tilespmem:s21+$0xA0]  }
0xeb: {  	v7 =	vld [tilespmem:s28+$0xFFFFFF20]  }
0xec: {  	[tilespmem:s28+$0xFFFFFF90] =	vst v3;
	v3 =	vld [tilespmem:s28+$0xFFFFFFA0];
	v1 =	vmul.f32 v1, v2  }
0xed: {  	v2 =	vmul.f32 v6, v8;
	v6 =	vld [tilespmem:s21+$0xFFFFFFA0]  }
0xee: {  	[tilespmem:s28+$0x10] =	vst v1;
	v1 =	vld [tilespmem:s28+$0x20]  }
0xef: {  	[tilespmem:s28+$0xFFFFFF10] =	vst v2;
	v2 =	vld [tilespmem:s21+$0x20];
	v4 =	vmul.f32 v4, v5  }
0xf0: {  	v5 =	vld [tilespmem:s21+$0xFFFFFF20]  }
0xf1: {  	[tilespmem:s28+$0xA0] =	vst v4;
	v4 =	vld [tilespmem:s28+$0xB0]  }
0xf2: {  	v3 =	vmul.f32 v6, v3;
	v6 =	vld [tilespmem:s21+$0xB0]  }
0xf3: {  	v8 =	vld [tilespmem:s28+$0xFFFFFF30]  }
0xf4: {  	[tilespmem:s28+$0xFFFFFFA0] =	vst v3;
	v3 =	vld [tilespmem:s28+$0xFFFFFFB0];
	v1 =	vmul.f32 v2, v1  }
0xf5: {  	v2 =	vmul.f32 v5, v7;
	v5 =	vld [tilespmem:s21+$0xFFFFFFB0]  }
0xf6: {  	[tilespmem:s28+$0x20] =	vst v1;
	v1 =	vld [tilespmem:s28+$0x30]  }
0xf7: {  	[tilespmem:s28+$0xFFFFFF20] =	vst v2;
	v2 =	vld [tilespmem:s21+$0x30];
	v4 =	vmul.f32 v6, v4  }
0xf8: {  	v6 =	vld [tilespmem:s21+$0xFFFFFF30]  }
0xf9: {  	[tilespmem:s28+$0xB0] =	vst v4;
	v4 =	vld [tilespmem:s28+$0xC0]  }
0xfa: {  	v3 =	vmul.f32 v5, v3;
	v5 =	vld [tilespmem:s21+$0xC0]  }
0xfb: {  	v7 =	vld [tilespmem:s28+$0xFFFFFF40]  }
0xfc: {  	[tilespmem:s28+$0xFFFFFFB0] =	vst v3;
	v3 =	vld [tilespmem:s28+$0xFFFFFFC0];
	v1 =	vmul.f32 v2, v1  }
0xfd: {  	v2 =	vmul.f32 v6, v8;
	v6 =	vld [tilespmem:s21+$0xFFFFFFC0]  }
0xfe: {  	[tilespmem:s28+$0x30] =	vst v1;
	v1 =	vld [tilespmem:s28+$0x40]  }
0xff: {  	[tilespmem:s28+$0xFFFFFF30] =	vst v2;
	v2 =	vld [tilespmem:s21+$0x40];
	v4 =	vmul.f32 v5, v4  }
0x100: {  	v5 =	vld [tilespmem:s21+$0xFFFFFF40]  }
0x101: {  	[tilespmem:s28+$0xC0] =	vst v4;
	v4 =	vld [tilespmem:s28+$0xD0]  }
0x102: {  	v3 =	vmul.f32 v6, v3;
	v6 =	vld [tilespmem:s21+$0xD0]  }
0x103: {  	v8 =	vld [tilespmem:s28+$0xFFFFFF50]  }
0x104: {  	[tilespmem:s28+$0xFFFFFFC0] =	vst v3;
	v3 =	vld [tilespmem:s28+$0xFFFFFFD0];
	v1 =	vmul.f32 v2, v1  }
0x105: {  	v2 =	vmul.f32 v5, v7;
	v5 =	vld [tilespmem:s21+$0xFFFFFFD0]  }
0x106: {  	[tilespmem:s28+$0x40] =	vst v1;
	v1 =	vld [tilespmem:s28+$0x50]  }
0x107: {  	[tilespmem:s28+$0xFFFFFF40] =	vst v2;
	v2 =	vld [tilespmem:s21+$0x50];
	v4 =	vmul.f32 v6, v4  }
0x108: {  	v6 =	vld [tilespmem:s21+$0xFFFFFF50]  }
0x109: {  	[tilespmem:s28+$0xD0] =	vst v4;
	v4 =	vld [tilespmem:s28+$0xE0]  }
0x10a: {  	v3 =	vmul.f32 v5, v3;
	v5 =	vld [tilespmem:s21+$0xE0]  }
0x10b: {  	v7 =	vld [tilespmem:s28+$0xFFFFFF60]  }
0x10c: {  	[tilespmem:s28+$0xFFFFFFD0] =	vst v3;
	v3 =	vld [tilespmem:s28+$0xFFFFFFE0];
	v1 =	vmul.f32 v2, v1  }
0x10d: {  	v2 =	vmul.f32 v6, v8;
	v6 =	vld [tilespmem:s21+$0xFFFFFFE0]  }
0x10e: {  	[tilespmem:s28+$0x50] =	vst v1;
	v8 =	vld [tilespmem:s28+$0x60]  }
0x10f: {  	[tilespmem:s28+$0xFFFFFF50] =	vst v2;
	v9 =	vld [tilespmem:s21+$0x60];
	v1 =	vmul.f32 v5, v4  }
0x110: {  	v4 =	vld [tilespmem:s21+$0xFFFFFF60]  }
0x111: {  	[tilespmem:s28+$0xE0] =	vst v1;
	v10 =	vld [tilespmem:s28+$0xF0]  }
0x112: {  	v2 =	vmul.f32 v6, v3;
	v6 =	vld [tilespmem:s21+$0xF0]  }
0x113: {  	v1 =	vld [tilespmem:s28+$0xFFFFFF70]  }
.Ltmp1:
0x114: {  	[tilespmem:s28+$0xFFFFFFE0] =	vst v2;
	v2 =	vld [tilespmem:s28+$0xFFFFFFF0];
	v3 =	vmul.f32 v9, v8;
	(pc) =	sbr.rel @p2 .LBB2_5-.Ltmp1, $4  }
0x115: {  	v5 =	vmul.f32 v4, v7;
	v4 =	vld [tilespmem:s21+$0xFFFFFFF0]  }
0x116: {  	[tilespmem:s28+$0x60] =	vst v3;
	v3 =	vld [tilespmem:s28+$0x70]  }
0x117: {  	[tilespmem:s28+$0xFFFFFF60] =	vst v5;
	v5 =	vld [tilespmem:s21+$0x70];
	v7 =	vmul.f32 v6, v10  }
0x118: {  	s28 =	sadd.s32 $0x200, s28;
	v6 =	vld [tilespmem:s21+$0xFFFFFF70]  }
0x119: {  	_ =	sdelay $0x1  }
0x11a: {  	v2 =	vmul.f32 v4, v2  }
0x11b: {  	[tilespmem:s18+$0xF0] =	vst v7;
	v3 =	vmul.f32 v5, v3  }
0x11c: {  	[tilespmem:s18+$0xFFFFFFF0] =	vst v2;
	v1 =	vmul.f32 v6, v1  }
0x11d: {  	[tilespmem:s18+$0x70] =	vst v3  }
0x11e: {  	[tilespmem:s18+$0xFFFFFF70] =	vst v1  }
0x11f: {  	[spmem:s5] =	stream.indirect.scatter.add.f32 [tilespmem:s2], [sflag:$0x9], $0x80, s10, s16, $0xb8;
	[tilespmem:$0x1ED00] =	vst v63  }
0x120: {  	s18 =	rddreg [dreg:$0x18]  }
0x121: {  	s18 =	sadd.s32 s18, s25  }
0x122: {  	s18 =	sshrl.u32 s18, $0x3  }
0x123: {  	s21 =	sadd.s32 s0, s18  }
0x124: {  	[tilespmem:s15], [sflag:$0x4] =	stream.linear.gather [hbm4b:s21+s7], $0x50, $0x38;
	[tilespmem:$0x1ED00] =	vst v63  }
0x125: {  	s18 =	sadd.s32 s1, s18  }
0x126: {  	[tilespmem:s29], [sflag:$0x4] =	stream.linear.gather [hbm4b:s18+s7], $0x50, $0x38;
	[tilespmem:$0x1ED00] =	vst v63  }
0x127: {  	s23 =	sadd.s32 $0x9C40, s21  }
0x128: {  	[tilespmem:s9], [sflag:$0x4] =	stream.linear.gather [hbm4b:s23+s7], $0x50, $0x38;
	[tilespmem:$0x1ED00] =	vst v63  }
0x129: {  	_ =	swait.ge [sflag:s4], $0x50  }
0x12a: {  	[sflag:s4] =	ssyncset.done $0x0  }
0x12b: {  	[sflag:s4] =	ssyncadd.s32 $0xFFFFFFB0  }
0x12c: {  	_ =	swait.ge [sflag:s4], $0x50  }
0x12d: {  	[sflag:s4] =	ssyncset.done $0x0  }
0x12e: {  	[sflag:s4] =	ssyncadd.s32 $0xFFFFFFB0  }
0x12f: {  	_ =	swait.ge [sflag:s4], $0x50  }
0x130: {  	[sflag:s4] =	ssyncset.done $0x0  }
0x131: {  	[sflag:s4] =	ssyncadd.s32 $0xFFFFFFB0  }
0x132: {  	_ =	swait.ge [sflag:s11], $0x2800  }
0x133: {  	[sflag:s11] =	ssyncset.done $0x0  }
0x134: {  	s21 =	simm.s32 $0x400;
	[sflag:s11] =	ssyncadd.s32 $0xFFFFD800  }
0x135: {  	[tilespmem:s2], [sflag:$0x5] =	stream.indirect.gather [hbm4b:s3+s16], $0x80, s21, s16, $0xb8;
	[tilespmem:$0x1ED00] =	vst v63  }
0x136: {  	s23 =	simm.s32 $0x480  }
0x137: {  	[tilespmem:s17], [sflag:$0x7] =	stream.indirect.gather [spmem:s6], $0x80, s23, s16, $0xb8;
	[tilespmem:$0x1ED00] =	vst v63  }
0x138: {  	_ =	swait.ge [sflag:s12], $0x2800  }
0x139: {  	[sflag:s12] =	ssyncset.done $0x0  }
0x13a: {  	[sflag:s12] =	ssyncadd.s32 $0xFFFFD800  }
0x13b: {  	_ =	swait.ge [sflag:s13], $0x2800  }
0x13c: {  	[sflag:s13] =	ssyncset.done $0x0  }
0x13d: {  	s18 =	simm.s32 $0x3100;
	[sflag:s13] =	ssyncadd.s32 $0xFFFFD800  }
0x13e: {  	s21 =	simm.s32 $0x8100;
	v1 =	vld [tilespmem:s18+$0x80]  }
0x13f: {  	v2 =	vld [tilespmem:s21+$0x80]  }
0x140: {  	v3 =	vld [tilespmem:s18+$0xFFFFFF80]  }
0x141: {  	v4 =	vld [tilespmem:s21+$0xFFFFFF80]  }
0x142: {  	v5 =	vld [tilespmem:s18+$0x0]  }
0x143: {  	v6 =	vld [tilespmem:s21+$0x0]  }
0x144: {  	v7 =	vld [tilespmem:s18+$0xFFFFFF00];
	v1 =	vmul.f32 v2, v1  }
0x145: {  	v2 =	vld [tilespmem:s21+$0xFFFFFF00]  }
0x146: {  	[tilespmem:s18+$0x80] =	vst v1;
	v1 =	vld [tilespmem:s18+$0x90]  }
0x147: {  	v3 =	vmul.f32 v4, v3;
	v4 =	vld [tilespmem:s21+$0x90]  }
0x148: {  	v8 =	vld [tilespmem:s18+$0xFFFFFF10]  }
0x149: {  	[tilespmem:s18+$0xFFFFFF80] =	vst v3;
	v3 =	vmul.f32 v6, v5;
	v5 =	vld [tilespmem:s18+$0xFFFFFF90]  }
0x14a: {  	v6 =	vld [tilespmem:s21+$0xFFFFFF90];
	v2 =	vmul.f32 v2, v7  }
0x14b: {  	[tilespmem:s18+$0x0] =	vst v3;
	v3 =	vld [tilespmem:s18+$0x10]  }
0x14c: {  	v7 =	vld [tilespmem:s21+$0x10];
	[tilespmem:s18+$0xFFFFFF00] =	vst v2;
	v1 =	vmul.f32 v4, v1  }
0x14d: {  	v2 =	vld [tilespmem:s21+$0xFFFFFF10]  }
0x14e: {  	[tilespmem:s18+$0x90] =	vst v1;
	v1 =	vld [tilespmem:s18+$0xA0]  }
0x14f: {  	v4 =	vmul.f32 v6, v5;
	v5 =	vld [tilespmem:s21+$0xA0]  }
0x150: {  	v6 =	vld [tilespmem:s18+$0xFFFFFF20]  }
0x151: {  	[tilespmem:s18+$0xFFFFFF90] =	vst v4;
	v3 =	vmul.f32 v7, v3;
	v4 =	vld [tilespmem:s18+$0xFFFFFFA0]  }
0x152: {  	v7 =	vld [tilespmem:s21+$0xFFFFFFA0];
	v2 =	vmul.f32 v2, v8  }
0x153: {  	[tilespmem:s18+$0x10] =	vst v3;
	v3 =	vld [tilespmem:s18+$0x20]  }
0x154: {  	v8 =	vld [tilespmem:s21+$0x20];
	[tilespmem:s18+$0xFFFFFF10] =	vst v2;
	v1 =	vmul.f32 v5, v1  }
0x155: {  	v2 =	vld [tilespmem:s21+$0xFFFFFF20]  }
0x156: {  	[tilespmem:s18+$0xA0] =	vst v1;
	v1 =	vld [tilespmem:s18+$0xB0]  }
0x157: {  	v4 =	vmul.f32 v7, v4;
	v5 =	vld [tilespmem:s21+$0xB0]  }
0x158: {  	v7 =	vld [tilespmem:s18+$0xFFFFFF30]  }
0x159: {  	[tilespmem:s18+$0xFFFFFFA0] =	vst v4;
	v3 =	vmul.f32 v8, v3;
	v4 =	vld [tilespmem:s18+$0xFFFFFFB0]  }
0x15a: {  	v8 =	vld [tilespmem:s21+$0xFFFFFFB0];
	v2 =	vmul.f32 v2, v6  }
0x15b: {  	[tilespmem:s18+$0x20] =	vst v3;
	v3 =	vld [tilespmem:s18+$0x30]  }
0x15c: {  	v6 =	vld [tilespmem:s21+$0x30];
	[tilespmem:s18+$0xFFFFFF20] =	vst v2;
	v1 =	vmul.f32 v5, v1  }
0x15d: {  	v2 =	vld [tilespmem:s21+$0xFFFFFF30]  }
0x15e: {  	[tilespmem:s18+$0xB0] =	vst v1;
	v1 =	vld [tilespmem:s18+$0xC0]  }
0x15f: {  	v4 =	vmul.f32 v8, v4;
	v5 =	vld [tilespmem:s21+$0xC0]  }
0x160: {  	v8 =	vld [tilespmem:s18+$0xFFFFFF40]  }
0x161: {  	[tilespmem:s18+$0xFFFFFFB0] =	vst v4;
	v3 =	vmul.f32 v6, v3;
	v4 =	vld [tilespmem:s18+$0xFFFFFFC0]  }
0x162: {  	v6 =	vld [tilespmem:s21+$0xFFFFFFC0];
	v2 =	vmul.f32 v2, v7  }
0x163: {  	[tilespmem:s18+$0x30] =	vst v3;
	v3 =	vld [tilespmem:s18+$0x40]  }
0x164: {  	v7 =	vld [tilespmem:s21+$0x40];
	[tilespmem:s18+$0xFFFFFF30] =	vst v2;
	v1 =	vmul.f32 v5, v1  }
0x165: {  	v2 =	vld [tilespmem:s21+$0xFFFFFF40]  }
0x166: {  	[tilespmem:s18+$0xC0] =	vst v1;
	v1 =	vld [tilespmem:s18+$0xD0]  }
0x167: {  	v4 =	vmul.f32 v6, v4;
	v5 =	vld [tilespmem:s21+$0xD0]  }
0x168: {  	v6 =	vld [tilespmem:s18+$0xFFFFFF50]  }
0x169: {  	[tilespmem:s18+$0xFFFFFFC0] =	vst v4;
	v3 =	vmul.f32 v7, v3;
	v4 =	vld [tilespmem:s18+$0xFFFFFFD0]  }
0x16a: {  	v7 =	vld [tilespmem:s21+$0xFFFFFFD0];
	v2 =	vmul.f32 v2, v8  }
0x16b: {  	[tilespmem:s18+$0x40] =	vst v3;
	v3 =	vld [tilespmem:s18+$0x50]  }
0x16c: {  	v8 =	vld [tilespmem:s21+$0x50];
	[tilespmem:s18+$0xFFFFFF40] =	vst v2;
	v1 =	vmul.f32 v5, v1  }
0x16d: {  	v2 =	vld [tilespmem:s21+$0xFFFFFF50]  }
0x16e: {  	[tilespmem:s18+$0xD0] =	vst v1;
	v1 =	vld [tilespmem:s18+$0xE0]  }
0x16f: {  	v4 =	vmul.f32 v7, v4;
	v5 =	vld [tilespmem:s21+$0xE0]  }
0x170: {  	v7 =	vld [tilespmem:s18+$0xFFFFFF60]  }
0x171: {  	[tilespmem:s18+$0xFFFFFFD0] =	vst v4;
	v3 =	vmul.f32 v8, v3;
	v4 =	vld [tilespmem:s18+$0xFFFFFFE0]  }
0x172: {  	v8 =	vld [tilespmem:s21+$0xFFFFFFE0];
	v2 =	vmul.f32 v2, v6  }
0x173: {  	[tilespmem:s18+$0x50] =	vst v3;
	v3 =	vld [tilespmem:s18+$0x60]  }
0x174: {  	v6 =	vld [tilespmem:s21+$0x60];
	[tilespmem:s18+$0xFFFFFF50] =	vst v2;
	v1 =	vmul.f32 v5, v1  }
0x175: {  	v5 =	vld [tilespmem:s21+$0xFFFFFF60]  }
0x176: {  	v9 =	vld [tilespmem:s18+$0xF0];
	[tilespmem:s18+$0xE0] =	vst v1  }
0x177: {  	v2 =	vmul.f32 v8, v4;
	v8 =	vld [tilespmem:s21+$0xF0]  }
0x178: {  	v1 =	vld [tilespmem:s18+$0xFFFFFF70]  }
0x179: {  	[tilespmem:s18+$0xFFFFFFE0] =	vst v2;
	v3 =	vmul.f32 v6, v3;
	v2 =	vld [tilespmem:s18+$0xFFFFFFF0]  }
0x17a: {  	v4 =	vld [tilespmem:s21+$0xFFFFFFF0];
	v5 =	vmul.f32 v5, v7  }
0x17b: {  	[tilespmem:s18+$0x60] =	vst v3;
	v3 =	vld [tilespmem:s18+$0x70]  }
0x17c: {  	[tilespmem:s18+$0xFFFFFF60] =	vst v5;
	v5 =	vld [tilespmem:s21+$0x70];
	v7 =	vmul.f32 v8, v9  }
0x17d: {  	s28 =	simm.s32 $0x3300;
	s23 =	simm.s32 $0x0;
	v6 =	vld [tilespmem:s21+$0xFFFFFF70]  }
.LBB2_7:
0x17e: {  	v8 =	vld [tilespmem:s28+$0x80];
	[tilespmem:s18+$0xF0] =	vst v7;
	s21 =	sadd.s32 $0x200, s21  }
0x17f: {  	s23 =	sadd.s32 $0x4, s23;
	v7 =	vld [tilespmem:s21+$0x80];
	v2 =	vmul.f32 v4, v2  }
0x180: {  	p2 =	slt.u32 s23, $0x4C;
	v4 =	vld [tilespmem:s21+$0xFFFFFF00]  }
0x181: {  	v9 =	vld [tilespmem:s28+$0xFFFFFF80];
	[tilespmem:s18+$0xFFFFFFF0] =	vst v2;
	v2 =	vmul.f32 v5, v3  }
0x182: {  	v3 =	vld [tilespmem:s21+$0xFFFFFF80];
	v1 =	vmul.f32 v6, v1  }
0x183: {  	v5 =	vld [tilespmem:s28+$0x0];
	[tilespmem:s18+$0x70] =	vst v2  }
0x184: {  	v2 =	vld [tilespmem:s21+$0x0];
	v6 =	vmul.f32 v7, v8;
	[tilespmem:s18+$0xFFFFFF70] =	vst v1;
	s18 =	smov.u32 s28  }
0x185: {  	v1 =	vld [tilespmem:s28+$0xFFFFFF00]  }
0x186: {  	[tilespmem:s28+$0x80] =	vst v6;
	v6 =	vld [tilespmem:s28+$0x90]  }
0x187: {  	v3 =	vmul.f32 v3, v9;
	v7 =	vld [tilespmem:s21+$0x90]  }
0x188: {  	v8 =	vld [tilespmem:s28+$0xFFFFFF10]  }
0x189: {  	[tilespmem:s28+$0xFFFFFF80] =	vst v3;
	v3 =	vld [tilespmem:s28+$0xFFFFFF90];
	v2 =	vmul.f32 v2, v5  }
0x18a: {  	v1 =	vmul.f32 v4, v1;
	v4 =	vld [tilespmem:s21+$0xFFFFFF90]  }
0x18b: {  	[tilespmem:s28+$0x0] =	vst v2;
	v2 =	vld [tilespmem:s28+$0x10]  }
0x18c: {  	[tilespmem:s28+$0xFFFFFF00] =	vst v1;
	v1 =	vld [tilespmem:s21+$0x10];
	v5 =	vmul.f32 v7, v6  }
0x18d: {  	v6 =	vld [tilespmem:s21+$0xFFFFFF10]  }
0x18e: {  	[tilespmem:s28+$0x90] =	vst v5;
	v5 =	vld [tilespmem:s28+$0xA0]  }
0x18f: {  	v3 =	vmul.f32 v4, v3;
	v4 =	vld [tilespmem:s21+$0xA0]  }
0x190: {  	v7 =	vld [tilespmem:s28+$0xFFFFFF20]  }
0x191: {  	[tilespmem:s28+$0xFFFFFF90] =	vst v3;
	v3 =	vld [tilespmem:s28+$0xFFFFFFA0];
	v1 =	vmul.f32 v1, v2  }
0x192: {  	v2 =	vmul.f32 v6, v8;
	v6 =	vld [tilespmem:s21+$0xFFFFFFA0]  }
0x193: {  	[tilespmem:s28+$0x10] =	vst v1;
	v1 =	vld [tilespmem:s28+$0x20]  }
0x194: {  	[tilespmem:s28+$0xFFFFFF10] =	vst v2;
	v2 =	vld [tilespmem:s21+$0x20];
	v4 =	vmul.f32 v4, v5  }
0x195: {  	v5 =	vld [tilespmem:s21+$0xFFFFFF20]  }
0x196: {  	[tilespmem:s28+$0xA0] =	vst v4;
	v4 =	vld [tilespmem:s28+$0xB0]  }
0x197: {  	v3 =	vmul.f32 v6, v3;
	v6 =	vld [tilespmem:s21+$0xB0]  }
0x198: {  	v8 =	vld [tilespmem:s28+$0xFFFFFF30]  }
0x199: {  	[tilespmem:s28+$0xFFFFFFA0] =	vst v3;
	v3 =	vld [tilespmem:s28+$0xFFFFFFB0];
	v1 =	vmul.f32 v2, v1  }
0x19a: {  	v2 =	vmul.f32 v5, v7;
	v5 =	vld [tilespmem:s21+$0xFFFFFFB0]  }
0x19b: {  	[tilespmem:s28+$0x20] =	vst v1;
	v1 =	vld [tilespmem:s28+$0x30]  }
0x19c: {  	[tilespmem:s28+$0xFFFFFF20] =	vst v2;
	v2 =	vld [tilespmem:s21+$0x30];
	v4 =	vmul.f32 v6, v4  }
0x19d: {  	v6 =	vld [tilespmem:s21+$0xFFFFFF30]  }
0x19e: {  	[tilespmem:s28+$0xB0] =	vst v4;
	v4 =	vld [tilespmem:s28+$0xC0]  }
0x19f: {  	v3 =	vmul.f32 v5, v3;
	v5 =	vld [tilespmem:s21+$0xC0]  }
0x1a0: {  	v7 =	vld [tilespmem:s28+$0xFFFFFF40]  }
0x1a1: {  	[tilespmem:s28+$0xFFFFFFB0] =	vst v3;
	v3 =	vld [tilespmem:s28+$0xFFFFFFC0];
	v1 =	vmul.f32 v2, v1  }
0x1a2: {  	v2 =	vmul.f32 v6, v8;
	v6 =	vld [tilespmem:s21+$0xFFFFFFC0]  }
0x1a3: {  	[tilespmem:s28+$0x30] =	vst v1;
	v1 =	vld [tilespmem:s28+$0x40]  }
0x1a4: {  	[tilespmem:s28+$0xFFFFFF30] =	vst v2;
	v2 =	vld [tilespmem:s21+$0x40];
	v4 =	vmul.f32 v5, v4  }
0x1a5: {  	v5 =	vld [tilespmem:s21+$0xFFFFFF40]  }
0x1a6: {  	[tilespmem:s28+$0xC0] =	vst v4;
	v4 =	vld [tilespmem:s28+$0xD0]  }
0x1a7: {  	v3 =	vmul.f32 v6, v3;
	v6 =	vld [tilespmem:s21+$0xD0]  }
0x1a8: {  	v8 =	vld [tilespmem:s28+$0xFFFFFF50]  }
0x1a9: {  	[tilespmem:s28+$0xFFFFFFC0] =	vst v3;
	v3 =	vld [tilespmem:s28+$0xFFFFFFD0];
	v1 =	vmul.f32 v2, v1  }
0x1aa: {  	v2 =	vmul.f32 v5, v7;
	v5 =	vld [tilespmem:s21+$0xFFFFFFD0]  }
0x1ab: {  	[tilespmem:s28+$0x40] =	vst v1;
	v1 =	vld [tilespmem:s28+$0x50]  }
0x1ac: {  	[tilespmem:s28+$0xFFFFFF40] =	vst v2;
	v2 =	vld [tilespmem:s21+$0x50];
	v4 =	vmul.f32 v6, v4  }
0x1ad: {  	v6 =	vld [tilespmem:s21+$0xFFFFFF50]  }
0x1ae: {  	[tilespmem:s28+$0xD0] =	vst v4;
	v4 =	vld [tilespmem:s28+$0xE0]  }
0x1af: {  	v3 =	vmul.f32 v5, v3;
	v5 =	vld [tilespmem:s21+$0xE0]  }
0x1b0: {  	v7 =	vld [tilespmem:s28+$0xFFFFFF60]  }
0x1b1: {  	[tilespmem:s28+$0xFFFFFFD0] =	vst v3;
	v3 =	vld [tilespmem:s28+$0xFFFFFFE0];
	v1 =	vmul.f32 v2, v1  }
0x1b2: {  	v2 =	vmul.f32 v6, v8;
	v6 =	vld [tilespmem:s21+$0xFFFFFFE0]  }
0x1b3: {  	[tilespmem:s28+$0x50] =	vst v1;
	v8 =	vld [tilespmem:s28+$0x60]  }
0x1b4: {  	[tilespmem:s28+$0xFFFFFF50] =	vst v2;
	v9 =	vld [tilespmem:s21+$0x60];
	v1 =	vmul.f32 v5, v4  }
0x1b5: {  	v4 =	vld [tilespmem:s21+$0xFFFFFF60]  }
0x1b6: {  	[tilespmem:s28+$0xE0] =	vst v1;
	v10 =	vld [tilespmem:s28+$0xF0]  }
0x1b7: {  	v2 =	vmul.f32 v6, v3;
	v6 =	vld [tilespmem:s21+$0xF0]  }
0x1b8: {  	v1 =	vld [tilespmem:s28+$0xFFFFFF70]  }
.Ltmp2:
0x1b9: {  	[tilespmem:s28+$0xFFFFFFE0] =	vst v2;
	v2 =	vld [tilespmem:s28+$0xFFFFFFF0];
	v3 =	vmul.f32 v9, v8;
	(pc) =	sbr.rel @p2 .LBB2_7-.Ltmp2, $4  }
0x1ba: {  	v5 =	vmul.f32 v4, v7;
	v4 =	vld [tilespmem:s21+$0xFFFFFFF0]  }
0x1bb: {  	[tilespmem:s28+$0x60] =	vst v3;
	v3 =	vld [tilespmem:s28+$0x70]  }
0x1bc: {  	[tilespmem:s28+$0xFFFFFF60] =	vst v5;
	v5 =	vld [tilespmem:s21+$0x70];
	v7 =	vmul.f32 v6, v10  }
0x1bd: {  	s28 =	sadd.s32 $0x200, s28;
	v6 =	vld [tilespmem:s21+$0xFFFFFF70]  }
0x1be: {  	_ =	sdelay $0x1  }
0x1bf: {  	v2 =	vmul.f32 v4, v2  }
0x1c0: {  	[tilespmem:s18+$0xF0] =	vst v7;
	v3 =	vmul.f32 v5, v3  }
0x1c1: {  	[tilespmem:s18+$0xFFFFFFF0] =	vst v2;
	v1 =	vmul.f32 v6, v1  }
0x1c2: {  	[tilespmem:s18+$0x70] =	vst v3  }
0x1c3: {  	s21 =	simm.s32 $0x300;
	[tilespmem:s18+$0xFFFFFF70] =	vst v1  }
0x1c4: {  	[spmem:s5] =	stream.indirect.scatter.add.f32 [tilespmem:s26], [sflag:$0xA], $0x80, s21, s16, $0xb8;
	[tilespmem:$0x1ED00] =	vst v63  }
0x1c5: {  	s23 =	rddreg [dreg:$0x13]  }
0x1c6: {  	s18 =	sadd.s32 s25, s23  }
0x1c7: {  	s18 =	sshrl.u32 s18, $0x3  }
0x1c8: {  	s21 =	sadd.s32 s0, s18  }
0x1c9: {  	[tilespmem:s7], [sflag:$0x1] =	stream.linear.gather [hbm4b:s21+s7], $0x50, $0x38;
	[tilespmem:$0x1ED00] =	vst v63  }
0x1ca: {  	s18 =	sadd.s32 s1, s18  }
0x1cb: {  	[tilespmem:s8], [sflag:$0x1] =	stream.linear.gather [hbm4b:s18+s7], $0x50, $0x38;
	[tilespmem:$0x1ED00] =	vst v63  }
0x1cc: {  	s21 =	sadd.s32 $0x9C40, s21  }
0x1cd: {  	[tilespmem:s10], [sflag:$0x1] =	stream.linear.gather [hbm4b:s21+s7], $0x50, $0x38;
	[tilespmem:$0x1ED00] =	vst v63  }
0x1ce: {  	_ =	swait.ge [sflag:s19], $0x50  }
0x1cf: {  	[sflag:s19] =	ssyncset.done $0x0  }
0x1d0: {  	[sflag:s19] =	ssyncadd.s32 $0xFFFFFFB0  }
0x1d1: {  	_ =	swait.ge [sflag:s19], $0x50  }
0x1d2: {  	[sflag:s19] =	ssyncset.done $0x0  }
0x1d3: {  	[sflag:s19] =	ssyncadd.s32 $0xFFFFFFB0  }
0x1d4: {  	_ =	swait.ge [sflag:s19], $0x50  }
0x1d5: {  	[sflag:s19] =	ssyncset.done $0x0  }
0x1d6: {  	[sflag:s19] =	ssyncadd.s32 $0xFFFFFFB0  }
0x1d7: {  	_ =	swait.ge [sflag:s20], $0x2800  }
0x1d8: {  	[sflag:s20] =	ssyncset.done $0x0  }
0x1d9: {  	[sflag:s20] =	ssyncadd.s32 $0xFFFFD800  }
0x1da: {  	[tilespmem:s26], [sflag:$0x6] =	stream.indirect.gather [hbm4b:s3+s16], $0x80, s15, s16, $0xb8;
	[tilespmem:$0x1ED00] =	vst v63  }
0x1db: {  	s23 =	simm.s32 $0x8000  }
0x1dc: {  	[tilespmem:s23], [sflag:$0x8] =	stream.indirect.gather [spmem:s6], $0x80, s29, s16, $0xb8;
	[tilespmem:$0x1ED00] =	vst v63  }
0x1dd: {  	_ =	swait.ge [sflag:s30], $0x2800  }
0x1de: {  	[sflag:s30] =	ssyncset.done $0x0  }
0x1df: {  	[sflag:s30] =	ssyncadd.s32 $0xFFFFD800  }
0x1e0: {  	_ =	swait.ge [sflag:s31], $0x2800  }
0x1e1: {  	[sflag:s31] =	ssyncset.done $0x0  }
0x1e2: {  	s18 =	simm.s32 $0x900;
	[sflag:s31] =	ssyncadd.s32 $0xFFFFD800  }
0x1e3: {  	s21 =	simm.s32 $0x5900;
	v1 =	vld [tilespmem:s18+$0x80]  }
0x1e4: {  	v2 =	vld [tilespmem:s21+$0x80]  }
0x1e5: {  	v3 =	vld [tilespmem:s18+$0xFFFFFF80]  }
0x1e6: {  	v4 =	vld [tilespmem:s21+$0xFFFFFF80]  }
0x1e7: {  	v5 =	vld [tilespmem:s18+$0x0]  }
0x1e8: {  	v6 =	vld [tilespmem:s21+$0x0]  }
0x1e9: {  	v7 =	vld [tilespmem:s18+$0xFFFFFF00];
	v1 =	vmul.f32 v2, v1  }
0x1ea: {  	v2 =	vld [tilespmem:s21+$0xFFFFFF00]  }
0x1eb: {  	[tilespmem:s18+$0x80] =	vst v1;
	v1 =	vld [tilespmem:s18+$0x90]  }
0x1ec: {  	v3 =	vmul.f32 v4, v3;
	v4 =	vld [tilespmem:s21+$0x90]  }
0x1ed: {  	v8 =	vld [tilespmem:s18+$0xFFFFFF10]  }
0x1ee: {  	[tilespmem:s18+$0xFFFFFF80] =	vst v3;
	v3 =	vmul.f32 v6, v5;
	v5 =	vld [tilespmem:s18+$0xFFFFFF90]  }
0x1ef: {  	v6 =	vld [tilespmem:s21+$0xFFFFFF90];
	v2 =	vmul.f32 v2, v7  }
0x1f0: {  	[tilespmem:s18+$0x0] =	vst v3;
	v3 =	vld [tilespmem:s18+$0x10]  }
0x1f1: {  	v7 =	vld [tilespmem:s21+$0x10];
	[tilespmem:s18+$0xFFFFFF00] =	vst v2;
	v1 =	vmul.f32 v4, v1  }
0x1f2: {  	v2 =	vld [tilespmem:s21+$0xFFFFFF10]  }
0x1f3: {  	[tilespmem:s18+$0x90] =	vst v1;
	v1 =	vld [tilespmem:s18+$0xA0]  }
0x1f4: {  	v4 =	vmul.f32 v6, v5;
	v5 =	vld [tilespmem:s21+$0xA0]  }
0x1f5: {  	v6 =	vld [tilespmem:s18+$0xFFFFFF20]  }
0x1f6: {  	[tilespmem:s18+$0xFFFFFF90] =	vst v4;
	v3 =	vmul.f32 v7, v3;
	v4 =	vld [tilespmem:s18+$0xFFFFFFA0]  }
0x1f7: {  	v7 =	vld [tilespmem:s21+$0xFFFFFFA0];
	v2 =	vmul.f32 v2, v8  }
0x1f8: {  	[tilespmem:s18+$0x10] =	vst v3;
	v3 =	vld [tilespmem:s18+$0x20]  }
0x1f9: {  	v8 =	vld [tilespmem:s21+$0x20];
	[tilespmem:s18+$0xFFFFFF10] =	vst v2;
	v1 =	vmul.f32 v5, v1  }
0x1fa: {  	v2 =	vld [tilespmem:s21+$0xFFFFFF20]  }
0x1fb: {  	[tilespmem:s18+$0xA0] =	vst v1;
	v1 =	vld [tilespmem:s18+$0xB0]  }
0x1fc: {  	v4 =	vmul.f32 v7, v4;
	v5 =	vld [tilespmem:s21+$0xB0]  }
0x1fd: {  	v7 =	vld [tilespmem:s18+$0xFFFFFF30]  }
0x1fe: {  	[tilespmem:s18+$0xFFFFFFA0] =	vst v4;
	v3 =	vmul.f32 v8, v3;
	v4 =	vld [tilespmem:s18+$0xFFFFFFB0]  }
0x1ff: {  	v8 =	vld [tilespmem:s21+$0xFFFFFFB0];
	v2 =	vmul.f32 v2, v6  }
0x200: {  	[tilespmem:s18+$0x20] =	vst v3;
	v3 =	vld [tilespmem:s18+$0x30]  }
0x201: {  	v6 =	vld [tilespmem:s21+$0x30];
	[tilespmem:s18+$0xFFFFFF20] =	vst v2;
	v1 =	vmul.f32 v5, v1  }
0x202: {  	v2 =	vld [tilespmem:s21+$0xFFFFFF30]  }
0x203: {  	[tilespmem:s18+$0xB0] =	vst v1;
	v1 =	vld [tilespmem:s18+$0xC0]  }
0x204: {  	v4 =	vmul.f32 v8, v4;
	v5 =	vld [tilespmem:s21+$0xC0]  }
0x205: {  	v8 =	vld [tilespmem:s18+$0xFFFFFF40]  }
0x206: {  	[tilespmem:s18+$0xFFFFFFB0] =	vst v4;
	v3 =	vmul.f32 v6, v3;
	v4 =	vld [tilespmem:s18+$0xFFFFFFC0]  }
0x207: {  	v6 =	vld [tilespmem:s21+$0xFFFFFFC0];
	v2 =	vmul.f32 v2, v7  }
0x208: {  	[tilespmem:s18+$0x30] =	vst v3;
	v3 =	vld [tilespmem:s18+$0x40]  }
0x209: {  	v7 =	vld [tilespmem:s21+$0x40];
	[tilespmem:s18+$0xFFFFFF30] =	vst v2;
	v1 =	vmul.f32 v5, v1  }
0x20a: {  	v2 =	vld [tilespmem:s21+$0xFFFFFF40]  }
0x20b: {  	[tilespmem:s18+$0xC0] =	vst v1;
	v1 =	vld [tilespmem:s18+$0xD0]  }
0x20c: {  	v4 =	vmul.f32 v6, v4;
	v5 =	vld [tilespmem:s21+$0xD0]  }
0x20d: {  	v6 =	vld [tilespmem:s18+$0xFFFFFF50]  }
0x20e: {  	[tilespmem:s18+$0xFFFFFFC0] =	vst v4;
	v3 =	vmul.f32 v7, v3;
	v4 =	vld [tilespmem:s18+$0xFFFFFFD0]  }
0x20f: {  	v7 =	vld [tilespmem:s21+$0xFFFFFFD0];
	v2 =	vmul.f32 v2, v8  }
0x210: {  	[tilespmem:s18+$0x40] =	vst v3;
	v3 =	vld [tilespmem:s18+$0x50]  }
0x211: {  	v8 =	vld [tilespmem:s21+$0x50];
	[tilespmem:s18+$0xFFFFFF40] =	vst v2;
	v1 =	vmul.f32 v5, v1  }
0x212: {  	v2 =	vld [tilespmem:s21+$0xFFFFFF50]  }
0x213: {  	[tilespmem:s18+$0xD0] =	vst v1;
	v1 =	vld [tilespmem:s18+$0xE0]  }
0x214: {  	v4 =	vmul.f32 v7, v4;
	v5 =	vld [tilespmem:s21+$0xE0]  }
0x215: {  	v7 =	vld [tilespmem:s18+$0xFFFFFF60]  }
0x216: {  	[tilespmem:s18+$0xFFFFFFD0] =	vst v4;
	v3 =	vmul.f32 v8, v3;
	v4 =	vld [tilespmem:s18+$0xFFFFFFE0]  }
0x217: {  	v8 =	vld [tilespmem:s21+$0xFFFFFFE0];
	v2 =	vmul.f32 v2, v6  }
0x218: {  	[tilespmem:s18+$0x50] =	vst v3;
	v3 =	vld [tilespmem:s18+$0x60]  }
0x219: {  	v6 =	vld [tilespmem:s21+$0x60];
	[tilespmem:s18+$0xFFFFFF50] =	vst v2;
	v1 =	vmul.f32 v5, v1  }
0x21a: {  	v5 =	vld [tilespmem:s21+$0xFFFFFF60]  }
0x21b: {  	v9 =	vld [tilespmem:s18+$0xF0];
	[tilespmem:s18+$0xE0] =	vst v1  }
0x21c: {  	v2 =	vmul.f32 v8, v4;
	v8 =	vld [tilespmem:s21+$0xF0]  }
0x21d: {  	v1 =	vld [tilespmem:s18+$0xFFFFFF70]  }
0x21e: {  	[tilespmem:s18+$0xFFFFFFE0] =	vst v2;
	v3 =	vmul.f32 v6, v3;
	v2 =	vld [tilespmem:s18+$0xFFFFFFF0]  }
0x21f: {  	v4 =	vld [tilespmem:s21+$0xFFFFFFF0];
	v5 =	vmul.f32 v5, v7  }
0x220: {  	[tilespmem:s18+$0x60] =	vst v3;
	v3 =	vld [tilespmem:s18+$0x70]  }
0x221: {  	[tilespmem:s18+$0xFFFFFF60] =	vst v5;
	v5 =	vld [tilespmem:s21+$0x70];
	v7 =	vmul.f32 v8, v9  }
0x222: {  	s28 =	simm.s32 $0xB00;
	s23 =	simm.s32 $0x0;
	v6 =	vld [tilespmem:s21+$0xFFFFFF70]  }
.LBB2_9:
0x223: {  	v8 =	vld [tilespmem:s28+$0x80];
	[tilespmem:s18+$0xF0] =	vst v7;
	s21 =	sadd.s32 $0x200, s21  }
0x224: {  	s23 =	sadd.s32 $0x4, s23;
	v7 =	vld [tilespmem:s21+$0x80];
	v2 =	vmul.f32 v4, v2  }
0x225: {  	p2 =	slt.u32 s23, $0x4C;
	v4 =	vld [tilespmem:s21+$0xFFFFFF00]  }
0x226: {  	v9 =	vld [tilespmem:s28+$0xFFFFFF80];
	[tilespmem:s18+$0xFFFFFFF0] =	vst v2;
	v2 =	vmul.f32 v5, v3  }
0x227: {  	v3 =	vld [tilespmem:s21+$0xFFFFFF80];
	v1 =	vmul.f32 v6, v1  }
0x228: {  	v5 =	vld [tilespmem:s28+$0x0];
	[tilespmem:s18+$0x70] =	vst v2  }
0x229: {  	v2 =	vld [tilespmem:s21+$0x0];
	v6 =	vmul.f32 v7, v8;
	[tilespmem:s18+$0xFFFFFF70] =	vst v1;
	s18 =	smov.u32 s28  }
0x22a: {  	v1 =	vld [tilespmem:s28+$0xFFFFFF00]  }
0x22b: {  	[tilespmem:s28+$0x80] =	vst v6;
	v6 =	vld [tilespmem:s28+$0x90]  }
0x22c: {  	v3 =	vmul.f32 v3, v9;
	v7 =	vld [tilespmem:s21+$0x90]  }
0x22d: {  	v8 =	vld [tilespmem:s28+$0xFFFFFF10]  }
0x22e: {  	[tilespmem:s28+$0xFFFFFF80] =	vst v3;
	v3 =	vld [tilespmem:s28+$0xFFFFFF90];
	v2 =	vmul.f32 v2, v5  }
0x22f: {  	v1 =	vmul.f32 v4, v1;
	v4 =	vld [tilespmem:s21+$0xFFFFFF90]  }
0x230: {  	[tilespmem:s28+$0x0] =	vst v2;
	v2 =	vld [tilespmem:s28+$0x10]  }
0x231: {  	[tilespmem:s28+$0xFFFFFF00] =	vst v1;
	v1 =	vld [tilespmem:s21+$0x10];
	v5 =	vmul.f32 v7, v6  }
0x232: {  	v6 =	vld [tilespmem:s21+$0xFFFFFF10]  }
0x233: {  	[tilespmem:s28+$0x90] =	vst v5;
	v5 =	vld [tilespmem:s28+$0xA0]  }
0x234: {  	v3 =	vmul.f32 v4, v3;
	v4 =	vld [tilespmem:s21+$0xA0]  }
0x235: {  	v7 =	vld [tilespmem:s28+$0xFFFFFF20]  }
0x236: {  	[tilespmem:s28+$0xFFFFFF90] =	vst v3;
	v3 =	vld [tilespmem:s28+$0xFFFFFFA0];
	v1 =	vmul.f32 v1, v2  }
0x237: {  	v2 =	vmul.f32 v6, v8;
	v6 =	vld [tilespmem:s21+$0xFFFFFFA0]  }
0x238: {  	[tilespmem:s28+$0x10] =	vst v1;
	v1 =	vld [tilespmem:s28+$0x20]  }
0x239: {  	[tilespmem:s28+$0xFFFFFF10] =	vst v2;
	v2 =	vld [tilespmem:s21+$0x20];
	v4 =	vmul.f32 v4, v5  }
0x23a: {  	v5 =	vld [tilespmem:s21+$0xFFFFFF20]  }
0x23b: {  	[tilespmem:s28+$0xA0] =	vst v4;
	v4 =	vld [tilespmem:s28+$0xB0]  }
0x23c: {  	v3 =	vmul.f32 v6, v3;
	v6 =	vld [tilespmem:s21+$0xB0]  }
0x23d: {  	v8 =	vld [tilespmem:s28+$0xFFFFFF30]  }
0x23e: {  	[tilespmem:s28+$0xFFFFFFA0] =	vst v3;
	v3 =	vld [tilespmem:s28+$0xFFFFFFB0];
	v1 =	vmul.f32 v2, v1  }
0x23f: {  	v2 =	vmul.f32 v5, v7;
	v5 =	vld [tilespmem:s21+$0xFFFFFFB0]  }
0x240: {  	[tilespmem:s28+$0x20] =	vst v1;
	v1 =	vld [tilespmem:s28+$0x30]  }
0x241: {  	[tilespmem:s28+$0xFFFFFF20] =	vst v2;
	v2 =	vld [tilespmem:s21+$0x30];
	v4 =	vmul.f32 v6, v4  }
0x242: {  	v6 =	vld [tilespmem:s21+$0xFFFFFF30]  }
0x243: {  	[tilespmem:s28+$0xB0] =	vst v4;
	v4 =	vld [tilespmem:s28+$0xC0]  }
0x244: {  	v3 =	vmul.f32 v5, v3;
	v5 =	vld [tilespmem:s21+$0xC0]  }
0x245: {  	v7 =	vld [tilespmem:s28+$0xFFFFFF40]  }
0x246: {  	[tilespmem:s28+$0xFFFFFFB0] =	vst v3;
	v3 =	vld [tilespmem:s28+$0xFFFFFFC0];
	v1 =	vmul.f32 v2, v1  }
0x247: {  	v2 =	vmul.f32 v6, v8;
	v6 =	vld [tilespmem:s21+$0xFFFFFFC0]  }
0x248: {  	[tilespmem:s28+$0x30] =	vst v1;
	v1 =	vld [tilespmem:s28+$0x40]  }
0x249: {  	[tilespmem:s28+$0xFFFFFF30] =	vst v2;
	v2 =	vld [tilespmem:s21+$0x40];
	v4 =	vmul.f32 v5, v4  }
0x24a: {  	v5 =	vld [tilespmem:s21+$0xFFFFFF40]  }
0x24b: {  	[tilespmem:s28+$0xC0] =	vst v4;
	v4 =	vld [tilespmem:s28+$0xD0]  }
0x24c: {  	v3 =	vmul.f32 v6, v3;
	v6 =	vld [tilespmem:s21+$0xD0]  }
0x24d: {  	v8 =	vld [tilespmem:s28+$0xFFFFFF50]  }
0x24e: {  	[tilespmem:s28+$0xFFFFFFC0] =	vst v3;
	v3 =	vld [tilespmem:s28+$0xFFFFFFD0];
	v1 =	vmul.f32 v2, v1  }
0x24f: {  	v2 =	vmul.f32 v5, v7;
	v5 =	vld [tilespmem:s21+$0xFFFFFFD0]  }
0x250: {  	[tilespmem:s28+$0x40] =	vst v1;
	v1 =	vld [tilespmem:s28+$0x50]  }
0x251: {  	[tilespmem:s28+$0xFFFFFF40] =	vst v2;
	v2 =	vld [tilespmem:s21+$0x50];
	v4 =	vmul.f32 v6, v4  }
0x252: {  	v6 =	vld [tilespmem:s21+$0xFFFFFF50]  }
0x253: {  	[tilespmem:s28+$0xD0] =	vst v4;
	v4 =	vld [tilespmem:s28+$0xE0]  }
0x254: {  	v3 =	vmul.f32 v5, v3;
	v5 =	vld [tilespmem:s21+$0xE0]  }
0x255: {  	v7 =	vld [tilespmem:s28+$0xFFFFFF60]  }
0x256: {  	[tilespmem:s28+$0xFFFFFFD0] =	vst v3;
	v3 =	vld [tilespmem:s28+$0xFFFFFFE0];
	v1 =	vmul.f32 v2, v1  }
0x257: {  	v2 =	vmul.f32 v6, v8;
	v6 =	vld [tilespmem:s21+$0xFFFFFFE0]  }
0x258: {  	[tilespmem:s28+$0x50] =	vst v1;
	v8 =	vld [tilespmem:s28+$0x60]  }
0x259: {  	[tilespmem:s28+$0xFFFFFF50] =	vst v2;
	v9 =	vld [tilespmem:s21+$0x60];
	v1 =	vmul.f32 v5, v4  }
0x25a: {  	v4 =	vld [tilespmem:s21+$0xFFFFFF60]  }
0x25b: {  	[tilespmem:s28+$0xE0] =	vst v1;
	v10 =	vld [tilespmem:s28+$0xF0]  }
0x25c: {  	v2 =	vmul.f32 v6, v3;
	v6 =	vld [tilespmem:s21+$0xF0]  }
0x25d: {  	v1 =	vld [tilespmem:s28+$0xFFFFFF70]  }
.Ltmp3:
0x25e: {  	[tilespmem:s28+$0xFFFFFFE0] =	vst v2;
	v2 =	vld [tilespmem:s28+$0xFFFFFFF0];
	v3 =	vmul.f32 v9, v8;
	(pc) =	sbr.rel @p2 .LBB2_9-.Ltmp3, $4  }
0x25f: {  	v5 =	vmul.f32 v4, v7;
	v4 =	vld [tilespmem:s21+$0xFFFFFFF0]  }
0x260: {  	[tilespmem:s28+$0x60] =	vst v3;
	v3 =	vld [tilespmem:s28+$0x70]  }
0x261: {  	[tilespmem:s28+$0xFFFFFF60] =	vst v5;
	v5 =	vld [tilespmem:s21+$0x70];
	v7 =	vmul.f32 v6, v10  }
0x262: {  	s28 =	sadd.s32 $0x200, s28;
	v6 =	vld [tilespmem:s21+$0xFFFFFF70]  }
0x263: {  	_ =	sdelay $0x1  }
0x264: {  	v2 =	vmul.f32 v4, v2  }
0x265: {  	[tilespmem:s18+$0xF0] =	vst v7;
	v3 =	vmul.f32 v5, v3  }
0x266: {  	[tilespmem:s18+$0xFFFFFFF0] =	vst v2;
	v1 =	vmul.f32 v6, v1  }
0x267: {  	[tilespmem:s18+$0x70] =	vst v3  }
0x268: {  	s28 =	simm.s32 $0x500;
	[tilespmem:s18+$0xFFFFFF70] =	vst v1  }
0x269: {  	[spmem:s5] =	stream.indirect.scatter.add.f32 [tilespmem:s2], [sflag:$0x9], $0x80, s28, s16, $0xb8;
	[tilespmem:$0x1ED00] =	vst v63  }
0x26a: {  	p2 =	seq.s32 s22, $0x1E;
	s18 =	rddreg [dreg:$0x15]  }
0x26b: {  	s18 =	sadd.s32 @!p2 s25, s18  }
0x26c: {  	s18 =	sshrl.u32 @!p2 s18, $0x3  }
0x26d: {  	s23 =	simm.s32 @!p2 $0x0;
	s25 =	simm.s32 @!p2 $0x200;
	s21 =	sadd.s32 @!p2 s0, s18  }
0x26e: {  	[tilespmem:s25], [sflag:$0x2] =	stream.linear.gather @!p2 [hbm4b:s21+s23], $0x50, $0x38;
	[tilespmem:$0x1ED00] =	vst v63  }
0x26f: {  	s18 =	sadd.s32 @!p2 s1, s18;
	s25 =	simm.s32 @!p2 $0x280  }
0x270: {  	[tilespmem:s25], [sflag:$0x2] =	stream.linear.gather @!p2 [hbm4b:s18+s23], $0x50, $0x38;
	[tilespmem:$0x1ED00] =	vst v63  }
0x271: {  	s18 =	sadd.s32 @!p2 $0x9C40, s21;
	s21 =	simm.s32 @!p2 $0x300  }
0x272: {  	[tilespmem:s21], [sflag:$0x2] =	stream.linear.gather @!p2 [hbm4b:s18+s23], $0x50, $0x38;
	[tilespmem:$0x1ED00] =	vst v63  }
0x273: {  	_ =	swait.ge [sflag:s14], $0x50  }
0x274: {  	[sflag:s14] =	ssyncset.done $0x0  }
0x275: {  	[sflag:s14] =	ssyncadd.s32 $0xFFFFFFB0  }
0x276: {  	_ =	swait.ge [sflag:s14], $0x50  }
0x277: {  	[sflag:s14] =	ssyncset.done $0x0  }
0x278: {  	[sflag:s14] =	ssyncadd.s32 $0xFFFFFFB0  }
0x279: {  	_ =	swait.ge [sflag:s14], $0x50  }
0x27a: {  	[sflag:s14] =	ssyncset.done $0x0  }
0x27b: {  	[sflag:s14] =	ssyncadd.s32 $0xFFFFFFB0  }
0x27c: {  	_ =	swait.ge [sflag:s11], $0x2800  }
0x27d: {  	[sflag:s11] =	ssyncset.done $0x0  }
0x27e: {  	[sflag:s11] =	ssyncadd.s32 $0xFFFFD800  }
0x27f: {  	[tilespmem:s2], [sflag:$0x5] =	stream.indirect.gather [hbm4b:s3+s16], $0x80, s7, s16, $0xb8;
	[tilespmem:$0x1ED00] =	vst v63  }
0x280: {  	_ = 	snop  }
0x281: {  	[tilespmem:s17], [sflag:$0x7] =	stream.indirect.gather [spmem:s6], $0x80, s8, s16, $0xb8;
	[tilespmem:$0x1ED00] =	vst v63  }
0x282: {  	_ =	swait.ge [sflag:s12], $0x2800  }
0x283: {  	[sflag:s12] =	ssyncset.done $0x0  }
0x284: {  	[sflag:s12] =	ssyncadd.s32 $0xFFFFD800  }
0x285: {  	_ =	swait.ge [sflag:s13], $0x2800  }
0x286: {  	[sflag:s13] =	ssyncset.done $0x0  }
0x287: {  	s18 =	simm.s32 $0x3100;
	[sflag:s13] =	ssyncadd.s32 $0xFFFFD800  }
0x288: {  	s21 =	simm.s32 $0x8100;
	v1 =	vld [tilespmem:s18+$0x80]  }
0x289: {  	v2 =	vld [tilespmem:s21+$0x80]  }
0x28a: {  	v3 =	vld [tilespmem:s18+$0xFFFFFF80]  }
0x28b: {  	v4 =	vld [tilespmem:s21+$0xFFFFFF80]  }
0x28c: {  	v5 =	vld [tilespmem:s18+$0x0]  }
0x28d: {  	v6 =	vld [tilespmem:s21+$0x0]  }
0x28e: {  	v7 =	vld [tilespmem:s18+$0xFFFFFF00];
	v1 =	vmul.f32 v2, v1  }
0x28f: {  	v2 =	vld [tilespmem:s21+$0xFFFFFF00]  }
0x290: {  	[tilespmem:s18+$0x80] =	vst v1;
	v1 =	vld [tilespmem:s18+$0x90]  }
0x291: {  	v3 =	vmul.f32 v4, v3;
	v4 =	vld [tilespmem:s21+$0x90]  }
0x292: {  	v8 =	vld [tilespmem:s18+$0xFFFFFF10]  }
0x293: {  	[tilespmem:s18+$0xFFFFFF80] =	vst v3;
	v3 =	vmul.f32 v6, v5;
	v5 =	vld [tilespmem:s18+$0xFFFFFF90]  }
0x294: {  	v6 =	vld [tilespmem:s21+$0xFFFFFF90];
	v2 =	vmul.f32 v2, v7  }
0x295: {  	[tilespmem:s18+$0x0] =	vst v3;
	v3 =	vld [tilespmem:s18+$0x10]  }
0x296: {  	v7 =	vld [tilespmem:s21+$0x10];
	[tilespmem:s18+$0xFFFFFF00] =	vst v2;
	v1 =	vmul.f32 v4, v1  }
0x297: {  	v2 =	vld [tilespmem:s21+$0xFFFFFF10]  }
0x298: {  	[tilespmem:s18+$0x90] =	vst v1;
	v1 =	vld [tilespmem:s18+$0xA0]  }
0x299: {  	v4 =	vmul.f32 v6, v5;
	v5 =	vld [tilespmem:s21+$0xA0]  }
0x29a: {  	v6 =	vld [tilespmem:s18+$0xFFFFFF20]  }
0x29b: {  	[tilespmem:s18+$0xFFFFFF90] =	vst v4;
	v3 =	vmul.f32 v7, v3;
	v4 =	vld [tilespmem:s18+$0xFFFFFFA0]  }
0x29c: {  	v7 =	vld [tilespmem:s21+$0xFFFFFFA0];
	v2 =	vmul.f32 v2, v8  }
0x29d: {  	[tilespmem:s18+$0x10] =	vst v3;
	v3 =	vld [tilespmem:s18+$0x20]  }
0x29e: {  	v8 =	vld [tilespmem:s21+$0x20];
	[tilespmem:s18+$0xFFFFFF10] =	vst v2;
	v1 =	vmul.f32 v5, v1  }
0x29f: {  	v2 =	vld [tilespmem:s21+$0xFFFFFF20]  }
0x2a0: {  	[tilespmem:s18+$0xA0] =	vst v1;
	v1 =	vld [tilespmem:s18+$0xB0]  }
0x2a1: {  	v4 =	vmul.f32 v7, v4;
	v5 =	vld [tilespmem:s21+$0xB0]  }
0x2a2: {  	v7 =	vld [tilespmem:s18+$0xFFFFFF30]  }
0x2a3: {  	[tilespmem:s18+$0xFFFFFFA0] =	vst v4;
	v3 =	vmul.f32 v8, v3;
	v4 =	vld [tilespmem:s18+$0xFFFFFFB0]  }
0x2a4: {  	v8 =	vld [tilespmem:s21+$0xFFFFFFB0];
	v2 =	vmul.f32 v2, v6  }
0x2a5: {  	[tilespmem:s18+$0x20] =	vst v3;
	v3 =	vld [tilespmem:s18+$0x30]  }
0x2a6: {  	v6 =	vld [tilespmem:s21+$0x30];
	[tilespmem:s18+$0xFFFFFF20] =	vst v2;
	v1 =	vmul.f32 v5, v1  }
0x2a7: {  	v2 =	vld [tilespmem:s21+$0xFFFFFF30]  }
0x2a8: {  	[tilespmem:s18+$0xB0] =	vst v1;
	v1 =	vld [tilespmem:s18+$0xC0]  }
0x2a9: {  	v4 =	vmul.f32 v8, v4;
	v5 =	vld [tilespmem:s21+$0xC0]  }
0x2aa: {  	v8 =	vld [tilespmem:s18+$0xFFFFFF40]  }
0x2ab: {  	[tilespmem:s18+$0xFFFFFFB0] =	vst v4;
	v3 =	vmul.f32 v6, v3;
	v4 =	vld [tilespmem:s18+$0xFFFFFFC0]  }
0x2ac: {  	v6 =	vld [tilespmem:s21+$0xFFFFFFC0];
	v2 =	vmul.f32 v2, v7  }
0x2ad: {  	[tilespmem:s18+$0x30] =	vst v3;
	v3 =	vld [tilespmem:s18+$0x40]  }
0x2ae: {  	v7 =	vld [tilespmem:s21+$0x40];
	[tilespmem:s18+$0xFFFFFF30] =	vst v2;
	v1 =	vmul.f32 v5, v1  }
0x2af: {  	v2 =	vld [tilespmem:s21+$0xFFFFFF40]  }
0x2b0: {  	[tilespmem:s18+$0xC0] =	vst v1;
	v1 =	vld [tilespmem:s18+$0xD0]  }
0x2b1: {  	v4 =	vmul.f32 v6, v4;
	v5 =	vld [tilespmem:s21+$0xD0]  }
0x2b2: {  	v6 =	vld [tilespmem:s18+$0xFFFFFF50]  }
0x2b3: {  	[tilespmem:s18+$0xFFFFFFC0] =	vst v4;
	v3 =	vmul.f32 v7, v3;
	v4 =	vld [tilespmem:s18+$0xFFFFFFD0]  }
0x2b4: {  	v7 =	vld [tilespmem:s21+$0xFFFFFFD0];
	v2 =	vmul.f32 v2, v8  }
0x2b5: {  	[tilespmem:s18+$0x40] =	vst v3;
	v3 =	vld [tilespmem:s18+$0x50]  }
0x2b6: {  	v8 =	vld [tilespmem:s21+$0x50];
	[tilespmem:s18+$0xFFFFFF40] =	vst v2;
	v1 =	vmul.f32 v5, v1  }
0x2b7: {  	v2 =	vld [tilespmem:s21+$0xFFFFFF50]  }
0x2b8: {  	[tilespmem:s18+$0xD0] =	vst v1;
	v1 =	vld [tilespmem:s18+$0xE0]  }
0x2b9: {  	v4 =	vmul.f32 v7, v4;
	v5 =	vld [tilespmem:s21+$0xE0]  }
0x2ba: {  	v7 =	vld [tilespmem:s18+$0xFFFFFF60]  }
0x2bb: {  	[tilespmem:s18+$0xFFFFFFD0] =	vst v4;
	v3 =	vmul.f32 v8, v3;
	v4 =	vld [tilespmem:s18+$0xFFFFFFE0]  }
0x2bc: {  	v8 =	vld [tilespmem:s21+$0xFFFFFFE0];
	v2 =	vmul.f32 v2, v6  }
0x2bd: {  	[tilespmem:s18+$0x50] =	vst v3;
	v3 =	vld [tilespmem:s18+$0x60]  }
0x2be: {  	v6 =	vld [tilespmem:s21+$0x60];
	[tilespmem:s18+$0xFFFFFF50] =	vst v2;
	v1 =	vmul.f32 v5, v1  }
0x2bf: {  	v5 =	vld [tilespmem:s21+$0xFFFFFF60]  }
0x2c0: {  	v9 =	vld [tilespmem:s18+$0xF0];
	[tilespmem:s18+$0xE0] =	vst v1  }
0x2c1: {  	v2 =	vmul.f32 v8, v4;
	v8 =	vld [tilespmem:s21+$0xF0]  }
0x2c2: {  	v1 =	vld [tilespmem:s18+$0xFFFFFF70]  }
0x2c3: {  	[tilespmem:s18+$0xFFFFFFE0] =	vst v2;
	v3 =	vmul.f32 v6, v3;
	v2 =	vld [tilespmem:s18+$0xFFFFFFF0]  }
0x2c4: {  	v4 =	vld [tilespmem:s21+$0xFFFFFFF0];
	v5 =	vmul.f32 v5, v7  }
0x2c5: {  	[tilespmem:s18+$0x60] =	vst v3;
	v3 =	vld [tilespmem:s18+$0x70]  }
0x2c6: {  	[tilespmem:s18+$0xFFFFFF60] =	vst v5;
	v5 =	vld [tilespmem:s21+$0x70];
	v7 =	vmul.f32 v8, v9  }
0x2c7: {  	s25 =	simm.s32 $0x3300;
	s23 =	simm.s32 $0x0;
	v6 =	vld [tilespmem:s21+$0xFFFFFF70]  }
.LBB2_11:
0x2c8: {  	v8 =	vld [tilespmem:s25+$0x80];
	[tilespmem:s18+$0xF0] =	vst v7;
	s21 =	sadd.s32 $0x200, s21  }
0x2c9: {  	s23 =	sadd.s32 $0x4, s23;
	v7 =	vld [tilespmem:s21+$0x80];
	v2 =	vmul.f32 v4, v2  }
0x2ca: {  	p2 =	slt.u32 s23, $0x4C;
	v4 =	vld [tilespmem:s21+$0xFFFFFF00]  }
0x2cb: {  	v9 =	vld [tilespmem:s25+$0xFFFFFF80];
	[tilespmem:s18+$0xFFFFFFF0] =	vst v2;
	v2 =	vmul.f32 v5, v3  }
0x2cc: {  	v3 =	vld [tilespmem:s21+$0xFFFFFF80];
	v1 =	vmul.f32 v6, v1  }
0x2cd: {  	v5 =	vld [tilespmem:s25+$0x0];
	[tilespmem:s18+$0x70] =	vst v2  }
0x2ce: {  	v2 =	vld [tilespmem:s21+$0x0];
	v6 =	vmul.f32 v7, v8;
	[tilespmem:s18+$0xFFFFFF70] =	vst v1;
	s18 =	smov.u32 s25  }
0x2cf: {  	v1 =	vld [tilespmem:s25+$0xFFFFFF00]  }
0x2d0: {  	[tilespmem:s25+$0x80] =	vst v6;
	v6 =	vld [tilespmem:s25+$0x90]  }
0x2d1: {  	v3 =	vmul.f32 v3, v9;
	v7 =	vld [tilespmem:s21+$0x90]  }
0x2d2: {  	v8 =	vld [tilespmem:s25+$0xFFFFFF10]  }
0x2d3: {  	[tilespmem:s25+$0xFFFFFF80] =	vst v3;
	v3 =	vld [tilespmem:s25+$0xFFFFFF90];
	v2 =	vmul.f32 v2, v5  }
0x2d4: {  	v1 =	vmul.f32 v4, v1;
	v4 =	vld [tilespmem:s21+$0xFFFFFF90]  }
0x2d5: {  	[tilespmem:s25+$0x0] =	vst v2;
	v2 =	vld [tilespmem:s25+$0x10]  }
0x2d6: {  	[tilespmem:s25+$0xFFFFFF00] =	vst v1;
	v1 =	vld [tilespmem:s21+$0x10];
	v5 =	vmul.f32 v7, v6  }
0x2d7: {  	v6 =	vld [tilespmem:s21+$0xFFFFFF10]  }
0x2d8: {  	[tilespmem:s25+$0x90] =	vst v5;
	v5 =	vld [tilespmem:s25+$0xA0]  }
0x2d9: {  	v3 =	vmul.f32 v4, v3;
	v4 =	vld [tilespmem:s21+$0xA0]  }
0x2da: {  	v7 =	vld [tilespmem:s25+$0xFFFFFF20]  }
0x2db: {  	[tilespmem:s25+$0xFFFFFF90] =	vst v3;
	v3 =	vld [tilespmem:s25+$0xFFFFFFA0];
	v1 =	vmul.f32 v1, v2  }
0x2dc: {  	v2 =	vmul.f32 v6, v8;
	v6 =	vld [tilespmem:s21+$0xFFFFFFA0]  }
0x2dd: {  	[tilespmem:s25+$0x10] =	vst v1;
	v1 =	vld [tilespmem:s25+$0x20]  }
0x2de: {  	[tilespmem:s25+$0xFFFFFF10] =	vst v2;
	v2 =	vld [tilespmem:s21+$0x20];
	v4 =	vmul.f32 v4, v5  }
0x2df: {  	v5 =	vld [tilespmem:s21+$0xFFFFFF20]  }
0x2e0: {  	[tilespmem:s25+$0xA0] =	vst v4;
	v4 =	vld [tilespmem:s25+$0xB0]  }
0x2e1: {  	v3 =	vmul.f32 v6, v3;
	v6 =	vld [tilespmem:s21+$0xB0]  }
0x2e2: {  	v8 =	vld [tilespmem:s25+$0xFFFFFF30]  }
0x2e3: {  	[tilespmem:s25+$0xFFFFFFA0] =	vst v3;
	v3 =	vld [tilespmem:s25+$0xFFFFFFB0];
	v1 =	vmul.f32 v2, v1  }
0x2e4: {  	v2 =	vmul.f32 v5, v7;
	v5 =	vld [tilespmem:s21+$0xFFFFFFB0]  }
0x2e5: {  	[tilespmem:s25+$0x20] =	vst v1;
	v1 =	vld [tilespmem:s25+$0x30]  }
0x2e6: {  	[tilespmem:s25+$0xFFFFFF20] =	vst v2;
	v2 =	vld [tilespmem:s21+$0x30];
	v4 =	vmul.f32 v6, v4  }
0x2e7: {  	v6 =	vld [tilespmem:s21+$0xFFFFFF30]  }
0x2e8: {  	[tilespmem:s25+$0xB0] =	vst v4;
	v4 =	vld [tilespmem:s25+$0xC0]  }
0x2e9: {  	v3 =	vmul.f32 v5, v3;
	v5 =	vld [tilespmem:s21+$0xC0]  }
0x2ea: {  	v7 =	vld [tilespmem:s25+$0xFFFFFF40]  }
0x2eb: {  	[tilespmem:s25+$0xFFFFFFB0] =	vst v3;
	v3 =	vld [tilespmem:s25+$0xFFFFFFC0];
	v1 =	vmul.f32 v2, v1  }
0x2ec: {  	v2 =	vmul.f32 v6, v8;
	v6 =	vld [tilespmem:s21+$0xFFFFFFC0]  }
0x2ed: {  	[tilespmem:s25+$0x30] =	vst v1;
	v1 =	vld [tilespmem:s25+$0x40]  }
0x2ee: {  	[tilespmem:s25+$0xFFFFFF30] =	vst v2;
	v2 =	vld [tilespmem:s21+$0x40];
	v4 =	vmul.f32 v5, v4  }
0x2ef: {  	v5 =	vld [tilespmem:s21+$0xFFFFFF40]  }
0x2f0: {  	[tilespmem:s25+$0xC0] =	vst v4;
	v4 =	vld [tilespmem:s25+$0xD0]  }
0x2f1: {  	v3 =	vmul.f32 v6, v3;
	v6 =	vld [tilespmem:s21+$0xD0]  }
0x2f2: {  	v8 =	vld [tilespmem:s25+$0xFFFFFF50]  }
0x2f3: {  	[tilespmem:s25+$0xFFFFFFC0] =	vst v3;
	v3 =	vld [tilespmem:s25+$0xFFFFFFD0];
	v1 =	vmul.f32 v2, v1  }
0x2f4: {  	v2 =	vmul.f32 v5, v7;
	v5 =	vld [tilespmem:s21+$0xFFFFFFD0]  }
0x2f5: {  	[tilespmem:s25+$0x40] =	vst v1;
	v1 =	vld [tilespmem:s25+$0x50]  }
0x2f6: {  	[tilespmem:s25+$0xFFFFFF40] =	vst v2;
	v2 =	vld [tilespmem:s21+$0x50];
	v4 =	vmul.f32 v6, v4  }
0x2f7: {  	v6 =	vld [tilespmem:s21+$0xFFFFFF50]  }
0x2f8: {  	[tilespmem:s25+$0xD0] =	vst v4;
	v4 =	vld [tilespmem:s25+$0xE0]  }
0x2f9: {  	v3 =	vmul.f32 v5, v3;
	v5 =	vld [tilespmem:s21+$0xE0]  }
0x2fa: {  	v7 =	vld [tilespmem:s25+$0xFFFFFF60]  }
0x2fb: {  	[tilespmem:s25+$0xFFFFFFD0] =	vst v3;
	v3 =	vld [tilespmem:s25+$0xFFFFFFE0];
	v1 =	vmul.f32 v2, v1  }
0x2fc: {  	v2 =	vmul.f32 v6, v8;
	v6 =	vld [tilespmem:s21+$0xFFFFFFE0]  }
0x2fd: {  	[tilespmem:s25+$0x50] =	vst v1;
	v8 =	vld [tilespmem:s25+$0x60]  }
0x2fe: {  	[tilespmem:s25+$0xFFFFFF50] =	vst v2;
	v9 =	vld [tilespmem:s21+$0x60];
	v1 =	vmul.f32 v5, v4  }
0x2ff: {  	v4 =	vld [tilespmem:s21+$0xFFFFFF60]  }
0x300: {  	[tilespmem:s25+$0xE0] =	vst v1;
	v10 =	vld [tilespmem:s25+$0xF0]  }
0x301: {  	v2 =	vmul.f32 v6, v3;
	v6 =	vld [tilespmem:s21+$0xF0]  }
0x302: {  	v1 =	vld [tilespmem:s25+$0xFFFFFF70]  }
.Ltmp4:
0x303: {  	[tilespmem:s25+$0xFFFFFFE0] =	vst v2;
	v2 =	vld [tilespmem:s25+$0xFFFFFFF0];
	v3 =	vmul.f32 v9, v8;
	(pc) =	sbr.rel @p2 .LBB2_11-.Ltmp4, $4  }
0x304: {  	v5 =	vmul.f32 v4, v7;
	v4 =	vld [tilespmem:s21+$0xFFFFFFF0]  }
0x305: {  	[tilespmem:s25+$0x60] =	vst v3;
	v3 =	vld [tilespmem:s25+$0x70]  }
0x306: {  	[tilespmem:s25+$0xFFFFFF60] =	vst v5;
	v5 =	vld [tilespmem:s21+$0x70];
	v7 =	vmul.f32 v6, v10  }
0x307: {  	s25 =	sadd.s32 $0x200, s25;
	v6 =	vld [tilespmem:s21+$0xFFFFFF70]  }
0x308: {  	_ = 	snop  }
0x309: {  	s22 =	sadd.s32 $0x1, s22  }
0x30a: {  	v2 =	vmul.f32 v4, v2;
	p2 =	sne.s32 s22, $0x1F  }
.Ltmp5:
0x30b: {  	[tilespmem:s18+$0xF0] =	vst v7;
	v3 =	vmul.f32 v5, v3;
	(pc) =	sbr.rel @p2 .LBB2_4-.Ltmp5, $4  }
0x30c: {  	[tilespmem:s18+$0xFFFFFFF0] =	vst v2;
	v1 =	vmul.f32 v6, v1  }
0x30d: {  	[tilespmem:s18+$0x70] =	vst v3  }
0x30e: {  	[tilespmem:s18+$0xFFFFFF70] =	vst v1  }
0x30f: {  	[spmem:s5] =	stream.indirect.scatter.add.f32 [tilespmem:s26], [sflag:$0xA], $0x80, s9, s16, $0xb8;
	[tilespmem:$0x1ED00] =	vst v63  }
0x310: {  	_ =	swait.ge [sflag:s30], $0x2800  }
0x311: {  	[sflag:s30] =	ssyncset.done $0x0  }
0x312: {  	[sflag:s30] =	ssyncadd.s32 $0xFFFFD800  }
0x313: {  	_ =	swait.ge [sflag:s31], $0x2800  }
0x314: {  	[sflag:s31] =	ssyncset.done $0x0  }
0x315: {  	s18 =	simm.s32 $0x900;
	[sflag:s31] =	ssyncadd.s32 $0xFFFFD800  }
0x316: {  	s21 =	simm.s32 $0x5900;
	v1 =	vld [tilespmem:s18+$0x80]  }
0x317: {  	v2 =	vld [tilespmem:s21+$0x80]  }
0x318: {  	v3 =	vld [tilespmem:s18+$0xFFFFFF80]  }
0x319: {  	v4 =	vld [tilespmem:s21+$0xFFFFFF80]  }
0x31a: {  	v5 =	vld [tilespmem:s18+$0x0]  }
0x31b: {  	v6 =	vld [tilespmem:s21+$0x0]  }
0x31c: {  	v7 =	vld [tilespmem:s18+$0xFFFFFF00];
	v1 =	vmul.f32 v2, v1  }
0x31d: {  	v2 =	vld [tilespmem:s21+$0xFFFFFF00]  }
0x31e: {  	[tilespmem:s18+$0x80] =	vst v1;
	v1 =	vld [tilespmem:s18+$0x90]  }
0x31f: {  	v3 =	vmul.f32 v4, v3;
	v4 =	vld [tilespmem:s21+$0x90]  }
0x320: {  	v8 =	vld [tilespmem:s18+$0xFFFFFF10]  }
0x321: {  	[tilespmem:s18+$0xFFFFFF80] =	vst v3;
	v3 =	vmul.f32 v6, v5;
	v5 =	vld [tilespmem:s18+$0xFFFFFF90]  }
0x322: {  	v6 =	vld [tilespmem:s21+$0xFFFFFF90];
	v2 =	vmul.f32 v2, v7  }
0x323: {  	[tilespmem:s18+$0x0] =	vst v3;
	v3 =	vld [tilespmem:s18+$0x10]  }
0x324: {  	v7 =	vld [tilespmem:s21+$0x10];
	[tilespmem:s18+$0xFFFFFF00] =	vst v2;
	v1 =	vmul.f32 v4, v1  }
0x325: {  	v2 =	vld [tilespmem:s21+$0xFFFFFF10]  }
0x326: {  	[tilespmem:s18+$0x90] =	vst v1;
	v1 =	vld [tilespmem:s18+$0xA0]  }
0x327: {  	v4 =	vmul.f32 v6, v5;
	v5 =	vld [tilespmem:s21+$0xA0]  }
0x328: {  	v6 =	vld [tilespmem:s18+$0xFFFFFF20]  }
0x329: {  	[tilespmem:s18+$0xFFFFFF90] =	vst v4;
	v3 =	vmul.f32 v7, v3;
	v4 =	vld [tilespmem:s18+$0xFFFFFFA0]  }
0x32a: {  	v7 =	vld [tilespmem:s21+$0xFFFFFFA0];
	v2 =	vmul.f32 v2, v8  }
0x32b: {  	[tilespmem:s18+$0x10] =	vst v3;
	v3 =	vld [tilespmem:s18+$0x20]  }
0x32c: {  	v8 =	vld [tilespmem:s21+$0x20];
	[tilespmem:s18+$0xFFFFFF10] =	vst v2;
	v1 =	vmul.f32 v5, v1  }
0x32d: {  	v2 =	vld [tilespmem:s21+$0xFFFFFF20]  }
0x32e: {  	[tilespmem:s18+$0xA0] =	vst v1;
	v1 =	vld [tilespmem:s18+$0xB0]  }
0x32f: {  	v4 =	vmul.f32 v7, v4;
	v5 =	vld [tilespmem:s21+$0xB0]  }
0x330: {  	v7 =	vld [tilespmem:s18+$0xFFFFFF30]  }
0x331: {  	[tilespmem:s18+$0xFFFFFFA0] =	vst v4;
	v3 =	vmul.f32 v8, v3;
	v4 =	vld [tilespmem:s18+$0xFFFFFFB0]  }
0x332: {  	v8 =	vld [tilespmem:s21+$0xFFFFFFB0];
	v2 =	vmul.f32 v2, v6  }
0x333: {  	[tilespmem:s18+$0x20] =	vst v3;
	v3 =	vld [tilespmem:s18+$0x30]  }
0x334: {  	v6 =	vld [tilespmem:s21+$0x30];
	[tilespmem:s18+$0xFFFFFF20] =	vst v2;
	v1 =	vmul.f32 v5, v1  }
0x335: {  	v2 =	vld [tilespmem:s21+$0xFFFFFF30]  }
0x336: {  	[tilespmem:s18+$0xB0] =	vst v1;
	v1 =	vld [tilespmem:s18+$0xC0]  }
0x337: {  	v4 =	vmul.f32 v8, v4;
	v5 =	vld [tilespmem:s21+$0xC0]  }
0x338: {  	v8 =	vld [tilespmem:s18+$0xFFFFFF40]  }
0x339: {  	[tilespmem:s18+$0xFFFFFFB0] =	vst v4;
	v3 =	vmul.f32 v6, v3;
	v4 =	vld [tilespmem:s18+$0xFFFFFFC0]  }
0x33a: {  	v6 =	vld [tilespmem:s21+$0xFFFFFFC0];
	v2 =	vmul.f32 v2, v7  }
0x33b: {  	[tilespmem:s18+$0x30] =	vst v3;
	v3 =	vld [tilespmem:s18+$0x40]  }
0x33c: {  	v7 =	vld [tilespmem:s21+$0x40];
	[tilespmem:s18+$0xFFFFFF30] =	vst v2;
	v1 =	vmul.f32 v5, v1  }
0x33d: {  	v2 =	vld [tilespmem:s21+$0xFFFFFF40]  }
0x33e: {  	[tilespmem:s18+$0xC0] =	vst v1;
	v1 =	vld [tilespmem:s18+$0xD0]  }
0x33f: {  	v4 =	vmul.f32 v6, v4;
	v5 =	vld [tilespmem:s21+$0xD0]  }
0x340: {  	v6 =	vld [tilespmem:s18+$0xFFFFFF50]  }
0x341: {  	[tilespmem:s18+$0xFFFFFFC0] =	vst v4;
	v3 =	vmul.f32 v7, v3;
	v4 =	vld [tilespmem:s18+$0xFFFFFFD0]  }
0x342: {  	v7 =	vld [tilespmem:s21+$0xFFFFFFD0];
	v2 =	vmul.f32 v2, v8  }
0x343: {  	[tilespmem:s18+$0x40] =	vst v3;
	v3 =	vld [tilespmem:s18+$0x50]  }
0x344: {  	v8 =	vld [tilespmem:s21+$0x50];
	[tilespmem:s18+$0xFFFFFF40] =	vst v2;
	v1 =	vmul.f32 v5, v1  }
0x345: {  	v2 =	vld [tilespmem:s21+$0xFFFFFF50]  }
0x346: {  	[tilespmem:s18+$0xD0] =	vst v1;
	v1 =	vld [tilespmem:s18+$0xE0]  }
0x347: {  	v4 =	vmul.f32 v7, v4;
	v5 =	vld [tilespmem:s21+$0xE0]  }
0x348: {  	v7 =	vld [tilespmem:s18+$0xFFFFFF60]  }
0x349: {  	[tilespmem:s18+$0xFFFFFFD0] =	vst v4;
	v3 =	vmul.f32 v8, v3;
	v4 =	vld [tilespmem:s18+$0xFFFFFFE0]  }
0x34a: {  	v8 =	vld [tilespmem:s21+$0xFFFFFFE0];
	v2 =	vmul.f32 v2, v6  }
0x34b: {  	[tilespmem:s18+$0x50] =	vst v3;
	v3 =	vld [tilespmem:s18+$0x60]  }
0x34c: {  	v6 =	vld [tilespmem:s21+$0x60];
	[tilespmem:s18+$0xFFFFFF50] =	vst v2;
	v1 =	vmul.f32 v5, v1  }
0x34d: {  	v5 =	vld [tilespmem:s21+$0xFFFFFF60]  }
0x34e: {  	v9 =	vld [tilespmem:s18+$0xF0];
	[tilespmem:s18+$0xE0] =	vst v1  }
0x34f: {  	v2 =	vmul.f32 v8, v4;
	v8 =	vld [tilespmem:s21+$0xF0]  }
0x350: {  	v1 =	vld [tilespmem:s18+$0xFFFFFF70]  }
0x351: {  	[tilespmem:s18+$0xFFFFFFE0] =	vst v2;
	v3 =	vmul.f32 v6, v3;
	v2 =	vld [tilespmem:s18+$0xFFFFFFF0]  }
0x352: {  	v4 =	vld [tilespmem:s21+$0xFFFFFFF0];
	v5 =	vmul.f32 v5, v7  }
0x353: {  	[tilespmem:s18+$0x60] =	vst v3;
	v3 =	vld [tilespmem:s18+$0x70]  }
0x354: {  	[tilespmem:s18+$0xFFFFFF60] =	vst v5;
	v5 =	vld [tilespmem:s21+$0x70];
	v7 =	vmul.f32 v8, v9  }
0x355: {  	s22 =	simm.s32 $0x0;
	s23 =	simm.s32 $0xB00;
	v6 =	vld [tilespmem:s21+$0xFFFFFF70]  }
.LBB2_14:
0x356: {  	v8 =	vld [tilespmem:s23+$0x80];
	[tilespmem:s18+$0xF0] =	vst v7;
	s21 =	sadd.s32 $0x200, s21  }
0x357: {  	s22 =	sadd.s32 $0x4, s22;
	v7 =	vld [tilespmem:s21+$0x80];
	v2 =	vmul.f32 v4, v2  }
0x358: {  	p2 =	slt.u32 s22, $0x4C;
	v4 =	vld [tilespmem:s21+$0xFFFFFF00]  }
0x359: {  	v9 =	vld [tilespmem:s23+$0xFFFFFF80];
	[tilespmem:s18+$0xFFFFFFF0] =	vst v2;
	v2 =	vmul.f32 v5, v3  }
0x35a: {  	v3 =	vld [tilespmem:s21+$0xFFFFFF80];
	v1 =	vmul.f32 v6, v1  }
0x35b: {  	v5 =	vld [tilespmem:s23+$0x0];
	[tilespmem:s18+$0x70] =	vst v2  }
0x35c: {  	v2 =	vld [tilespmem:s21+$0x0];
	v6 =	vmul.f32 v7, v8;
	[tilespmem:s18+$0xFFFFFF70] =	vst v1;
	s18 =	smov.u32 s23  }
0x35d: {  	v1 =	vld [tilespmem:s23+$0xFFFFFF00]  }
0x35e: {  	[tilespmem:s23+$0x80] =	vst v6;
	v6 =	vld [tilespmem:s23+$0x90]  }
0x35f: {  	v3 =	vmul.f32 v3, v9;
	v7 =	vld [tilespmem:s21+$0x90]  }
0x360: {  	v8 =	vld [tilespmem:s23+$0xFFFFFF10]  }
0x361: {  	[tilespmem:s23+$0xFFFFFF80] =	vst v3;
	v3 =	vld [tilespmem:s23+$0xFFFFFF90];
	v2 =	vmul.f32 v2, v5  }
0x362: {  	v1 =	vmul.f32 v4, v1;
	v4 =	vld [tilespmem:s21+$0xFFFFFF90]  }
0x363: {  	[tilespmem:s23+$0x0] =	vst v2;
	v2 =	vld [tilespmem:s23+$0x10]  }
0x364: {  	[tilespmem:s23+$0xFFFFFF00] =	vst v1;
	v1 =	vld [tilespmem:s21+$0x10];
	v5 =	vmul.f32 v7, v6  }
0x365: {  	v6 =	vld [tilespmem:s21+$0xFFFFFF10]  }
0x366: {  	[tilespmem:s23+$0x90] =	vst v5;
	v5 =	vld [tilespmem:s23+$0xA0]  }
0x367: {  	v3 =	vmul.f32 v4, v3;
	v4 =	vld [tilespmem:s21+$0xA0]  }
0x368: {  	v7 =	vld [tilespmem:s23+$0xFFFFFF20]  }
0x369: {  	[tilespmem:s23+$0xFFFFFF90] =	vst v3;
	v3 =	vld [tilespmem:s23+$0xFFFFFFA0];
	v1 =	vmul.f32 v1, v2  }
0x36a: {  	v2 =	vmul.f32 v6, v8;
	v6 =	vld [tilespmem:s21+$0xFFFFFFA0]  }
0x36b: {  	[tilespmem:s23+$0x10] =	vst v1;
	v1 =	vld [tilespmem:s23+$0x20]  }
0x36c: {  	[tilespmem:s23+$0xFFFFFF10] =	vst v2;
	v2 =	vld [tilespmem:s21+$0x20];
	v4 =	vmul.f32 v4, v5  }
0x36d: {  	v5 =	vld [tilespmem:s21+$0xFFFFFF20]  }
0x36e: {  	[tilespmem:s23+$0xA0] =	vst v4;
	v4 =	vld [tilespmem:s23+$0xB0]  }
0x36f: {  	v3 =	vmul.f32 v6, v3;
	v6 =	vld [tilespmem:s21+$0xB0]  }
0x370: {  	v8 =	vld [tilespmem:s23+$0xFFFFFF30]  }
0x371: {  	[tilespmem:s23+$0xFFFFFFA0] =	vst v3;
	v3 =	vld [tilespmem:s23+$0xFFFFFFB0];
	v1 =	vmul.f32 v2, v1  }
0x372: {  	v2 =	vmul.f32 v5, v7;
	v5 =	vld [tilespmem:s21+$0xFFFFFFB0]  }
0x373: {  	[tilespmem:s23+$0x20] =	vst v1;
	v1 =	vld [tilespmem:s23+$0x30]  }
0x374: {  	[tilespmem:s23+$0xFFFFFF20] =	vst v2;
	v2 =	vld [tilespmem:s21+$0x30];
	v4 =	vmul.f32 v6, v4  }
0x375: {  	v6 =	vld [tilespmem:s21+$0xFFFFFF30]  }
0x376: {  	[tilespmem:s23+$0xB0] =	vst v4;
	v4 =	vld [tilespmem:s23+$0xC0]  }
0x377: {  	v3 =	vmul.f32 v5, v3;
	v5 =	vld [tilespmem:s21+$0xC0]  }
0x378: {  	v7 =	vld [tilespmem:s23+$0xFFFFFF40]  }
0x379: {  	[tilespmem:s23+$0xFFFFFFB0] =	vst v3;
	v3 =	vld [tilespmem:s23+$0xFFFFFFC0];
	v1 =	vmul.f32 v2, v1  }
0x37a: {  	v2 =	vmul.f32 v6, v8;
	v6 =	vld [tilespmem:s21+$0xFFFFFFC0]  }
0x37b: {  	[tilespmem:s23+$0x30] =	vst v1;
	v1 =	vld [tilespmem:s23+$0x40]  }
0x37c: {  	[tilespmem:s23+$0xFFFFFF30] =	vst v2;
	v2 =	vld [tilespmem:s21+$0x40];
	v4 =	vmul.f32 v5, v4  }
0x37d: {  	v5 =	vld [tilespmem:s21+$0xFFFFFF40]  }
0x37e: {  	[tilespmem:s23+$0xC0] =	vst v4;
	v4 =	vld [tilespmem:s23+$0xD0]  }
0x37f: {  	v3 =	vmul.f32 v6, v3;
	v6 =	vld [tilespmem:s21+$0xD0]  }
0x380: {  	v8 =	vld [tilespmem:s23+$0xFFFFFF50]  }
0x381: {  	[tilespmem:s23+$0xFFFFFFC0] =	vst v3;
	v3 =	vld [tilespmem:s23+$0xFFFFFFD0];
	v1 =	vmul.f32 v2, v1  }
0x382: {  	v2 =	vmul.f32 v5, v7;
	v5 =	vld [tilespmem:s21+$0xFFFFFFD0]  }
0x383: {  	[tilespmem:s23+$0x40] =	vst v1;
	v1 =	vld [tilespmem:s23+$0x50]  }
0x384: {  	[tilespmem:s23+$0xFFFFFF40] =	vst v2;
	v2 =	vld [tilespmem:s21+$0x50];
	v4 =	vmul.f32 v6, v4  }
0x385: {  	v6 =	vld [tilespmem:s21+$0xFFFFFF50]  }
0x386: {  	[tilespmem:s23+$0xD0] =	vst v4;
	v4 =	vld [tilespmem:s23+$0xE0]  }
0x387: {  	v3 =	vmul.f32 v5, v3;
	v5 =	vld [tilespmem:s21+$0xE0]  }
0x388: {  	v7 =	vld [tilespmem:s23+$0xFFFFFF60]  }
0x389: {  	[tilespmem:s23+$0xFFFFFFD0] =	vst v3;
	v3 =	vld [tilespmem:s23+$0xFFFFFFE0];
	v1 =	vmul.f32 v2, v1  }
0x38a: {  	v2 =	vmul.f32 v6, v8;
	v6 =	vld [tilespmem:s21+$0xFFFFFFE0]  }
0x38b: {  	[tilespmem:s23+$0x50] =	vst v1;
	v8 =	vld [tilespmem:s23+$0x60]  }
0x38c: {  	[tilespmem:s23+$0xFFFFFF50] =	vst v2;
	v9 =	vld [tilespmem:s21+$0x60];
	v1 =	vmul.f32 v5, v4  }
0x38d: {  	v4 =	vld [tilespmem:s21+$0xFFFFFF60]  }
0x38e: {  	[tilespmem:s23+$0xE0] =	vst v1;
	v10 =	vld [tilespmem:s23+$0xF0]  }
0x38f: {  	v2 =	vmul.f32 v6, v3;
	v6 =	vld [tilespmem:s21+$0xF0]  }
0x390: {  	v1 =	vld [tilespmem:s23+$0xFFFFFF70]  }
.Ltmp6:
0x391: {  	[tilespmem:s23+$0xFFFFFFE0] =	vst v2;
	v2 =	vld [tilespmem:s23+$0xFFFFFFF0];
	v3 =	vmul.f32 v9, v8;
	(pc) =	sbr.rel @p2 .LBB2_14-.Ltmp6, $4  }
0x392: {  	v5 =	vmul.f32 v4, v7;
	v4 =	vld [tilespmem:s21+$0xFFFFFFF0]  }
0x393: {  	[tilespmem:s23+$0x60] =	vst v3;
	v3 =	vld [tilespmem:s23+$0x70]  }
0x394: {  	[tilespmem:s23+$0xFFFFFF60] =	vst v5;
	v5 =	vld [tilespmem:s21+$0x70];
	v7 =	vmul.f32 v6, v10  }
0x395: {  	s23 =	sadd.s32 $0x200, s23;
	v6 =	vld [tilespmem:s21+$0xFFFFFF70]  }
0x396: {  	_ =	sdelay $0x1  }
0x397: {  	v2 =	vmul.f32 v4, v2  }
0x398: {  	[tilespmem:s18+$0xF0] =	vst v7;
	v3 =	vmul.f32 v5, v3  }
0x399: {  	[tilespmem:s18+$0xFFFFFFF0] =	vst v2;
	v1 =	vmul.f32 v6, v1  }
0x39a: {  	[tilespmem:s18+$0x70] =	vst v3  }
0x39b: {  	[tilespmem:s18+$0xFFFFFF70] =	vst v1  }
0x39c: {  	[spmem:s5] =	stream.indirect.scatter.add.f32 [tilespmem:s2], [sflag:$0x9], $0x80, s10, s16, $0xb8;
	[tilespmem:$0x1ED00] =	vst v63  }
0x39d: {  	_ =	swait.ge [sflag:s20], $0x2800  }
0x39e: {  	[sflag:s20] =	ssyncset.done $0x0  }
0x39f: {  	[sflag:s20] =	ssyncadd.s32 $0xFFFFD800  }
0x3a0: {  	_ =	swait.ge [sflag:s11], $0x2800  }
0x3a1: {  	[sflag:s11] =	ssyncset.done $0x0  }
0x3a2: {  	[sflag:s11] =	ssyncadd.s32 $0xFFFFD800  }
0x3a3: {  	s25 =	stileid.u32;
	[bflag:$0x0] =	sbarrier.arrive $0xFFFF  }
0x3a4: {  	s28 =	simm.s32 $0xB;
	s18 =	sshll.u32 s25, $0x6;
	s23 =	rddreg [dreg:$0x8]  }
0x3a5: {  	s18 =	sor.u32 $0x1C0B, s18;
	s22 =	rddreg [dreg:$0x14];
	s21 =	sshrl.u32 s23, $0x3  }
0x3a6: {  	[hbm:s22], [sflag:s18] =	dma.local [spmem:s21], $0x2700  }
0x3a7: {  	_ =	swait.ge [sflag:s28], $0x2700  }
0x3a8: {  	[sflag:s28] =	ssyncset.done $0x0;
	s25 =	rddreg [dreg:$0x1b]  }
0x3a9: {  	s22 =	rddreg [dreg:$0x16];
	[sflag:s28] =	ssyncadd.s32 $0xFFFFD900;
	s21 =	sshrl.u32 @!p1 s25, $0x3  }
0x3aa: {  	[hbm:s22], [sflag:s18] =	dma.local @!p1 [spmem:s21], $0x100  }
0x3ab: {  	s18 =	simm.s32 @!p1 $0xB  }
0x3ac: {  	_ =	swait.ge @!p1 [sflag:s18], $0x100  }
0x3ad: {  	s21 =	rddreg [dreg:$0x1e]  }
0x3ae: {  	s22 =	sadd.s32 $0x1, s21;
	s21 =	rddreg [dreg:$0x17]  }
0x3af: {  	p2 =	sne.s32 s22, s21  }
.Ltmp7:
0x3b0: {  	_ = 	snop;
	(pc) =	sbr.rel @p2 .LBB2_1-.Ltmp7, $3  }
0x3b1: {  	_ =	sdelay $0x1  }
0x3b2: {  	[sflag:s18] =	ssyncset.done @!p1 $0x0  }
0x3b3: {  	[sflag:s18] =	ssyncadd.s32 @!p1 $0xFFFFFF00  }
0x3b4: {  	_ =	sfence.sel $0x180000  }
0x3b5: {  	[bflag:$0x0] =	sbarrier.arrive $0xFFFF  }
0x3b6: {  	_ =	strace $0x90000047  }
0x3b7: {  	[bflag:$0x2] =	sbarrier.arrive $0xFFFF  }
0x3b8: {  	s0 =	rddreg [dreg:$0x7]  }
0x3b9: {  	s0 =	sadd.s32 @!p0 $0x100000, s0  }
0x3ba: {  	[sflag:s0] =	ssyncadd.tile.s32 @!p0 $0x1;
	_ =	shalt  }
.Lfunc_end2:
_tile_overlayer_lowered:
.L_overlay_start_2:
0x3bb: {  	(tag) =	ssettag $0x2  }
0x3bc: {  	s0 =	rddreg [dreg:$0x0];
	s2 =	stileid.u32  }
0x3bd: {  	s1 =	rddreg [dreg:$0x1];
	p0 =	sne.s32 s2, $0x0  }
0x3be: {  	s3 =	rddreg [dreg:$0x2];
	[bflag:$0x3] =	sbarrier.arrive $0xFFFF;
	s2 =	simm.s32 @!p0 $0x1C0B  }
0x3bf: {  	[timem:s3], [sflag:s2] =	dma.local @!p0 [hbm:s0], s1  }
0x3c0: {  	s0 =	simm.s32 @!p0 $0xB  }
0x3c1: {  	_ =	swait.ge @!p0 [sflag:s0], s1  }
0x3c2: {  	s1 =	ssub.s32 @!p0 $0x0, s1;
	[sflag:s0] =	ssyncset.done @!p0 $0x0  }
0x3c3: {  	[sflag:s0] =	ssyncadd.s32 @!p0 s1  }
0x3c4: {  	[bflag:$0x3] =	sbarrier.arrive $0xFFFF  }
0x3c5: {  	_ =	shalt  }

</sc_bundles>
